<compile_context>
chip_gen: v7x
topology: tpu7x:2x2x1
jax: 0.10.2.dev20260603
libtpu: 0.0.44.dev20260713+nightly
codegen_flags: <defaults>
</compile_context>

<pallas_src>
import jax
import jax.numpy as jnp
from jax import lax
from jax.experimental import pallas as pl
from jax.experimental.pallas import tpu as pltpu
from jax.experimental.pallas import tpu_sc as plsc

_N = 10000
_E = 320000
_D_IN = 128
_D_H = 128
_D_OUT = 64

_NC = 2
_NS = 16
_NW = _NC * _NS

_N_PAD = 10240
_EROWS = 2560
_E_PAD = _EROWS * 128
_EROWS_W = _EROWS // _NW
_NROWS_S = _N_PAD // _NS

_BM = 1024
_GRID = _N_PAD // _BM
_BE = 2048
_EGRID = _E_PAD // _BE

_mesh = plsc.VectorSubcoreMesh(core_axis_name="c", subcore_axis_name="s")


_NBUF = 2
_SLAB = 16
_ROWS_C0 = 112
_ROWS_C1 = 2 * _EROWS_W - _ROWS_C0


def _prop_body(src_hbm, dst_hbm, xw_hbm, zeros_hbm, out_hbm,
               sidx, didx, rows, acc, *sems):
  c = lax.axis_index("c")
  s = lax.axis_index("s")
  r0 = s * _NROWS_S
  pltpu.sync_copy(zeros_hbm.at[pl.ds(r0, _NROWS_S)], acc.at[pl.ds(r0, _NROWS_S)])
  pair0 = s * (_ROWS_C0 + _ROWS_C1)
  row0 = pair0 + jnp.where(c == 0, 0, _ROWS_C0)
  nslabs = jnp.where(c == 0, _ROWS_C0 // _SLAB, _ROWS_C1 // _SLAB)
  plsc.subcore_barrier()

  @pl.loop(0, nslabs)
  def _(sl):
      base = row0 + sl * _SLAB
      pltpu.sync_copy(src_hbm.at[pl.ds(base, _SLAB)], sidx)
      pltpu.sync_copy(dst_hbm.at[pl.ds(base, _SLAB)], didx)
      gathers = [
          pltpu.async_copy(xw_hbm.at[sidx.at[b]], rows.at[b], sems[b])
          for b in range(_NBUF)
      ]

      @pl.loop(0, _SLAB // _NBUF)
      def _(i):
        for b in range(_NBUF):
          k = i * _NBUF + b
          gathers[b].wait()
          pltpu.sync_copy(rows.at[b], acc.at[didx.at[k]], add=True)

          @pl.when(k + _NBUF < _SLAB)
          def _():
            pltpu.async_copy(xw_hbm.at[sidx.at[k + _NBUF]], rows.at[b], sems[b])

  plsc.subcore_barrier()
  pltpu.sync_copy(acc.at[pl.ds(r0, _NROWS_S)], out_hbm.at[c, pl.ds(r0, _NROWS_S)])


def _prop_types(d):
  return dict(
      out_type=jax.ShapeDtypeStruct((_NC, _N_PAD, d), jnp.float32),
      mesh=_mesh,
      scratch_types=[
          pltpu.VMEM((_SLAB, 128), jnp.int32),
          pltpu.VMEM((_SLAB, 128), jnp.int32),
          pltpu.VMEM((_NBUF, 128, d), jnp.float32),
          pltpu.VMEM_SHARED((_N_PAD, d), jnp.float32),
      ] + [pltpu.SemaphoreType.DMA] * _NBUF,
  )


_prop_h = pl.kernel(_prop_body, **_prop_types(_D_H))


_BCR = 16


def _bc_accum(idx_rows, acc_ref):
  idx_t = jnp.transpose(idx_rows, (1, 0))
  a_lanes = lax.broadcasted_iota(jnp.int32, (128, 64), 1)
  b_lanes = lax.broadcasted_iota(jnp.int32, (128, 256), 1)
  dn = (((0,), (0,)), ((), ()))
  for r in range(_BCR):
    col = idx_t[:, r:r + 1]
    A = (a_lanes == (col >> 8)).astype(jnp.bfloat16)
    B = (b_lanes == (col & 255)).astype(jnp.bfloat16)
    acc_ref[...] += lax.dot_general(A, B, dn,
                                    preferred_element_type=jnp.float32)


def _bc_body(s_ref, d_ref, dego_ref, degi_ref):
  i = pl.program_id(0)

  @pl.when(i == 0)
  def _():
    dego_ref[...] = jnp.zeros_like(dego_ref)
    degi_ref[...] = jnp.zeros_like(degi_ref)

  _bc_accum(s_ref[...], dego_ref)
  _bc_accum(d_ref[...], degi_ref)


_bc = pl.pallas_call(
    _bc_body,
    grid=(_EROWS // _BCR,),
    in_specs=[
        pl.BlockSpec((_BCR, 128), lambda i: (i, 0)),
        pl.BlockSpec((_BCR, 128), lambda i: (i, 0)),
    ],
    out_specs=(
        pl.BlockSpec((64, 256), lambda i: (0, 0)),
        pl.BlockSpec((64, 256), lambda i: (0, 0)),
    ),
    out_shape=(
        jax.ShapeDtypeStruct((64, 256), jnp.float32),
        jax.ShapeDtypeStruct((64, 256), jnp.float32),
    ),
)


def _scale_from(deg_ref):
  return lax.rsqrt(jnp.maximum(deg_ref[...], 1.0))


def _mm1_body(x_ref, w_ref, dego_ref, o_ref):
  xw = jnp.dot(x_ref[...], w_ref[...], preferred_element_type=jnp.float32)
  o_ref[...] = _scale_from(dego_ref) * xw


def _mid_body(p_ref, degi_ref, dego_ref, b1_ref, w2_ref, h1_ref, xw2_ref):
  agg = (p_ref[0] + p_ref[1]) * _scale_from(degi_ref)
  h1 = jnp.maximum(agg + b1_ref[...], 0.0)
  h1_ref[...] = h1
  xw2_ref[...] = jnp.dot(h1 * _scale_from(dego_ref), w2_ref[...],
                         preferred_element_type=jnp.float32)


def _fin_body(p_ref, degi_ref, b2_ref, h2_ref):
  agg = (p_ref[0][:, :_D_OUT] + p_ref[1][:, :_D_OUT]) * _scale_from(degi_ref)
  h2_ref[...] = jnp.maximum(agg + b2_ref[...], 0.0)


def _row_spec(d):
  return pl.BlockSpec((_BM, d), lambda i: (i, 0))


def _deg_spec():
  return pl.BlockSpec((_BM, 1), lambda i: (i, 0))


def _full_spec(shape):
  return pl.BlockSpec(shape, lambda i: tuple(0 for _ in shape))


_mm1 = pl.pallas_call(
    _mm1_body,
    grid=(_GRID,),
    in_specs=[_row_spec(_D_IN), _full_spec((_D_IN, _D_H)), _deg_spec()],
    out_specs=_row_spec(_D_H),
    out_shape=jax.ShapeDtypeStruct((_N_PAD, _D_H), jnp.float32),
)

_mid = pl.pallas_call(
    _mid_body,
    grid=(_GRID,),
    in_specs=[
        pl.BlockSpec((_NC, _BM, _D_H), lambda i: (0, i, 0)),
        _deg_spec(),
        _deg_spec(),
        _full_spec((1, _D_H)),
        _full_spec((_D_H, _D_H)),
    ],
    out_specs=(_row_spec(_D_H), _row_spec(_D_H)),
    out_shape=(
        jax.ShapeDtypeStruct((_N_PAD, _D_H), jnp.float32),
        jax.ShapeDtypeStruct((_N_PAD, _D_H), jnp.float32),
    ),
)

_fin = pl.pallas_call(
    _fin_body,
    grid=(_GRID,),
    in_specs=[
        pl.BlockSpec((_NC, _BM, _D_H), lambda i: (0, i, 0)),
        _deg_spec(),
        _full_spec((1, _D_OUT)),
    ],
    out_specs=_row_spec(_D_OUT),
    out_shape=jax.ShapeDtypeStruct((_N_PAD, _D_OUT), jnp.float32),
)


def kernel(edge_index, in_feat, W1, b1, W2, b2):
  src = edge_index[0]
  dst = edge_index[1]
  pad = jnp.full((_E_PAD - _E,), _N, jnp.int32)
  src_p = jnp.concatenate([src, pad])
  dst_p = jnp.concatenate([dst, pad])
  src2d = src_p.reshape(_EROWS, 128)
  dst2d = dst_p.reshape(_EROWS, 128)
  x_pad = jnp.zeros((_N_PAD, _D_IN), jnp.float32).at[:_N].set(in_feat)

  zeros_h = jnp.zeros((_N_PAD, _D_H), jnp.float32)
  W2p = jnp.zeros((_D_H, _D_H), jnp.float32).at[:, :_D_OUT].set(W2)

  dego2, degi2 = _bc(src2d, dst2d)
  deg_o = dego2.reshape(-1)[:_N_PAD].reshape(_N_PAD, 1)
  deg_i = degi2.reshape(-1)[:_N_PAD].reshape(_N_PAD, 1)

  xw1 = _mm1(x_pad, W1, deg_o)
  p1 = _prop_h(src2d, dst2d, xw1, zeros_h)
  h1, xw2 = _mid(p1, deg_i, deg_o, b1.reshape(1, _D_H), W2p)
  p2 = _prop_h(src2d, dst2d, xw2, zeros_h)
  h2 = _fin(p2, deg_i, b2.reshape(1, _D_OUT))
  return h1[:_N], h2[:_N]

# --- scband reference (transcript-rebuilt; emitter-appended) ---
"""Pipeline reference for scband-gnn-30339648979302 (READ-ONLY COPY).

The authoritative reference and input builder live on the scoring server;
editing this copy changes nothing except your own understanding.
"""

import jax, jax.numpy as jnp
import numpy as np

N = 10000
E = 320000
D_IN = 128
D_H = 128
D_OUT = 64


def _xavier(key, fan_in, fan_out):
    limit = float(np.sqrt(6.0 / (fan_in + fan_out)))
    return jax.random.uniform(key, (fan_in, fan_out), dtype=jnp.float32, minval=-limit, maxval=limit)


def setup_inputs(seed: int = 0) -> dict:
    key = jax.random.key(seed)
    k1, k2, k3, k4 = jax.random.split(key, 4)
    edge_index = jax.random.randint(k1, (2, E), 0, N, dtype=jnp.int32)
    in_feat = jax.random.normal(k2, (N, D_IN), dtype=jnp.float32)
    W1 = _xavier(k3, D_IN, D_H)
    b1 = jnp.zeros((D_H,), dtype=jnp.float32)
    W2 = _xavier(k4, D_H, D_OUT)
    b2 = jnp.zeros((D_OUT,), dtype=jnp.float32)
    return {"edge_index": edge_index, "in_feat": in_feat, "W1": W1, "b1": b1, "W2": W2, "b2": b2}


def _graph_conv(x, src, dst, W, b, n_nodes):
    # DGL GraphConv, norm='both', allow_zero_in_degree=True
    deg_out = jnp.clip(jnp.bincount(src, length=n_nodes), 1).astype(jnp.float32)
    h = x * jnp.power(deg_out, -0.5)[:, None]
    msgs = jnp.take(h, src, axis=0)
    agg = jax.ops.segment_sum(msgs, dst, num_segments=n_nodes)
    deg_in = jnp.clip(jnp.bincount(dst, length=n_nodes), 1).astype(jnp.float32)
    agg = agg * jnp.power(deg_in, -0.5)[:, None]
    return agg @ W + b


def reference(edge_index, in_feat, W1, b1, W2, b2):
    src = edge_index[0]
    dst = edge_index[1]
    h = _graph_conv(in_feat, src, dst, W1, b1, N)
    h1 = jax.nn.relu(h)
    h2 = _graph_conv(h1, src, dst, W2, b2, N)
    h2 = jax.nn.relu(h2)
    return (jnp.squeeze(h1), jnp.squeeze(h2))

if __name__ == "__main__":
    import jax
    _d = setup_inputs()
    print(jax.jit(kernel)(*tuple(_d.values())))

</pallas_src>

<mosaic_0001>
#map = affine_map<(d0, d1) -> (0, 0)>
#map1 = affine_map<(d0, d1) -> (0, 0, 0)>
module attributes {stable_mosaic.version = 14 : i64} {
  func.func @_prop_body(%arg0: i32, %arg1: i32, %arg2: memref<2560x128xi32, #tpu.memory_space<hbm>>, %arg3: memref<2560x128xi32, #tpu.memory_space<hbm>>, %arg4: memref<10240x128xf32, #tpu.memory_space<hbm>>, %arg5: memref<10240x128xf32, #tpu.memory_space<hbm>>, %arg6: memref<2x10240x128xf32, #tpu.memory_space<hbm>>, %arg7: memref<16x128xi32, #tpu.memory_space<vmem>>, %arg8: memref<16x128xi32, #tpu.memory_space<vmem>>, %arg9: memref<2x128x128xf32, #tpu.memory_space<vmem>>, %arg10: memref<10240x128xf32, #tpu.memory_space<vmem_shared>>, %arg11: memref<!tpu.dma_semaphore, #tpu.memory_space<semaphore_mem>>, %arg12: memref<!tpu.dma_semaphore, #tpu.memory_space<semaphore_mem>>) attributes {dimension_semantics = [#tpu.dimension_semantics<core_parallel>, #tpu.dimension_semantics<subcore_parallel>], iteration_bounds = array<i64: 2, 16>, scalar_prefetch = 0 : i64, scratch_operands = 6 : i64, tpu.core_type = #tpu.core_type<sc_vector_subcore>, window_params = [{transform_indices = #map}, {transform_indices = #map}, {transform_indices = #map}, {transform_indices = #map}, {transform_indices = #map1}]} {
    %mul3A = arith.constant 640 : i32
    %mul3A_0 = arith.muli %arg1, %mul3A : i32
    "tpu.region"() ({
      %run_scoped3A = tpu.sem_alloc : memref<!tpu.dma_semaphore, #tpu.memory_space<semaphore_mem>>
      %dma_start3A = arith.constant 0 : i32
      %dma_start3A_27 = tpu.memref_slice %arg10[%mul3A_0, %dma_start3A] : memref<10240x128xf32, #tpu.memory_space<vmem_shared>> -> memref<640x128xf32, #tpu.memory_space<vmem_shared>>
      %dma_start3A_28 = arith.constant 0 : i32
      %dma_start3A_29 = tpu.memref_slice %arg5[%mul3A_0, %dma_start3A_28] : memref<10240x128xf32, #tpu.memory_space<hbm>> -> memref<640x128xf32, #tpu.memory_space<hbm>>
      tpu.enqueue_dma source(%dma_start3A_29 : memref<640x128xf32, #tpu.memory_space<hbm>>) target(%dma_start3A_27 : memref<640x128xf32, #tpu.memory_space<vmem_shared>>) target_semaphore(%run_scoped3A : memref<!tpu.dma_semaphore, #tpu.memory_space<semaphore_mem>>)
      %dma_wait3A = arith.constant 0 : i32
      %dma_wait3A_30 = tpu.memref_slice %arg10[%mul3A_0, %dma_wait3A] : memref<10240x128xf32, #tpu.memory_space<vmem_shared>> -> memref<640x128xf32, #tpu.memory_space<vmem_shared>>
      %dma_wait3A_31 = arith.constant 0 : i32
      %dma_wait3A_32 = tpu.memref_slice %arg5[%mul3A_0, %dma_wait3A_31] : memref<10240x128xf32, #tpu.memory_space<hbm>> -> memref<640x128xf32, #tpu.memory_space<hbm>>
      tpu.wait_dma2 semaphore(%run_scoped3A : memref<!tpu.dma_semaphore, #tpu.memory_space<semaphore_mem>>) src(%dma_wait3A_32 : memref<640x128xf32, #tpu.memory_space<hbm>>) dst(%dma_wait3A_30 : memref<640x128xf32, #tpu.memory_space<vmem_shared>>)
      tpu.yield
    }) : () -> ()
    %mul3A_1 = arith.constant 160 : i32
    %mul3A_2 = arith.muli %arg1, %mul3A_1 : i32
    %eq3A = arith.constant 0 : i32
    %eq3A_3 = arith.cmpi eq, %arg0, %eq3A : i32
    %jit3A = arith.constant 0 : i32
    %jit3A_4 = arith.constant 112 : i32
    %select_n3A = arith.select %eq3A_3, %jit3A, %jit3A_4 : i32
    %add3A = arith.addi %mul3A_2, %select_n3A : i32
    %eq3A_5 = arith.constant 0 : i32
    %eq3A_6 = arith.cmpi eq, %arg0, %eq3A_5 : i32
    %jit3A_7 = arith.constant 7 : i32
    %jit3A_8 = arith.constant 3 : i32
    %select_n3A_9 = arith.select %eq3A_6, %jit3A_7, %jit3A_8 : i32
    %barrier3A = arith.constant 0 : index
    tpu.barrier barrier_id(%barrier3A)
    %sub3A = arith.constant 0 : i32
    %sub3A_10 = arith.subi %select_n3A_9, %sub3A : i32
    %sub3A_11 = arith.constant 1 : i32
    %sub3A_12 = arith.constant 1 : i32
    %sub3A_13 = arith.subi %sub3A_11, %sub3A_12 : i32
    %add3A_14 = arith.addi %sub3A_10, %sub3A_13 : i32
    %div3A = arith.constant 1 : i32
    %div3A_15 = arith.divsi %add3A_14, %div3A : i32
    %while3A = arith.constant 1 : i32
    %while3A_16 = arith.constant 0 : i32
    %while3A_17 = arith.constant 0 : i32
    %while3A_18 = arith.subi %div3A_15, %while3A_17 : i32
    %while3A_19 = arith.addi %while3A_17, %while3A_18 : i32
    %while3A_20 = arith.constant 1 : i32
    %while3A_21 = arith.divsi %while3A_18, %while3A_20 : i32
    %while3A_22 = arith.muli %while3A_21, %while3A_20 : i32
    %while3A_23 = arith.addi %while3A_17, %while3A_22 : i32
    %while3A_24 = arith.constant 1 : i32
    scf.for %while3A_27 = %while3A_17 to %while3A_23 step %while3A_24  : i32 {
      %mul3A_28 = arith.muli %while3A_27, %while3A : i32
      %add3A_29 = arith.addi %while3A_16, %mul3A_28 : i32
      %mul3A_30 = arith.constant 16 : i32
      %mul3A_31 = arith.muli %add3A_29, %mul3A_30 : i32
      %add3A_32 = arith.addi %add3A, %mul3A_31 : i32
      "tpu.region"() ({
        %run_scoped3A = tpu.sem_alloc : memref<!tpu.dma_semaphore, #tpu.memory_space<semaphore_mem>>
        %dma_start3A_64 = arith.constant 0 : i32
        %dma_start3A_65 = tpu.memref_slice %arg2[%add3A_32, %dma_start3A_64] : memref<2560x128xi32, #tpu.memory_space<hbm>> -> memref<16x128xi32, #tpu.memory_space<hbm>>
        %dma_start3A_66 = arith.constant 0 : i32
        %dma_start3A_67 = tpu.memref_slice %arg2[%add3A_32, %dma_start3A_66] : memref<2560x128xi32, #tpu.memory_space<hbm>> -> memref<16x128xi32, #tpu.memory_space<hbm>>
        tpu.enqueue_dma source(%dma_start3A_67 : memref<16x128xi32, #tpu.memory_space<hbm>>) target(%arg7 : memref<16x128xi32, #tpu.memory_space<vmem>>) target_semaphore(%run_scoped3A : memref<!tpu.dma_semaphore, #tpu.memory_space<semaphore_mem>>)
        %dma_wait3A = arith.constant 0 : i32
        %dma_wait3A_68 = tpu.memref_slice %arg2[%add3A_32, %dma_wait3A] : memref<2560x128xi32, #tpu.memory_space<hbm>> -> memref<16x128xi32, #tpu.memory_space<hbm>>
        %dma_wait3A_69 = arith.constant 0 : i32
        %dma_wait3A_70 = tpu.memref_slice %arg2[%add3A_32, %dma_wait3A_69] : memref<2560x128xi32, #tpu.memory_space<hbm>> -> memref<16x128xi32, #tpu.memory_space<hbm>>
        tpu.wait_dma2 semaphore(%run_scoped3A : memref<!tpu.dma_semaphore, #tpu.memory_space<semaphore_mem>>) src(%dma_wait3A_70 : memref<16x128xi32, #tpu.memory_space<hbm>>) dst(%arg7 : memref<16x128xi32, #tpu.memory_space<vmem>>)
        tpu.yield
      }) : () -> ()
      "tpu.region"() ({
        %run_scoped3A = tpu.sem_alloc : memref<!tpu.dma_semaphore, #tpu.memory_space<semaphore_mem>>
        %dma_start3A_64 = arith.constant 0 : i32
        %dma_start3A_65 = tpu.memref_slice %arg3[%add3A_32, %dma_start3A_64] : memref<2560x128xi32, #tpu.memory_space<hbm>> -> memref<16x128xi32, #tpu.memory_space<hbm>>
        %dma_start3A_66 = arith.constant 0 : i32
        %dma_start3A_67 = tpu.memref_slice %arg3[%add3A_32, %dma_start3A_66] : memref<2560x128xi32, #tpu.memory_space<hbm>> -> memref<16x128xi32, #tpu.memory_space<hbm>>
        tpu.enqueue_dma source(%dma_start3A_67 : memref<16x128xi32, #tpu.memory_space<hbm>>) target(%arg8 : memref<16x128xi32, #tpu.memory_space<vmem>>) target_semaphore(%run_scoped3A : memref<!tpu.dma_semaphore, #tpu.memory_space<semaphore_mem>>)
        %dma_wait3A = arith.constant 0 : i32
        %dma_wait3A_68 = tpu.memref_slice %arg3[%add3A_32, %dma_wait3A] : memref<2560x128xi32, #tpu.memory_space<hbm>> -> memref<16x128xi32, #tpu.memory_space<hbm>>
        %dma_wait3A_69 = arith.constant 0 : i32
        %dma_wait3A_70 = tpu.memref_slice %arg3[%add3A_32, %dma_wait3A_69] : memref<2560x128xi32, #tpu.memory_space<hbm>> -> memref<16x128xi32, #tpu.memory_space<hbm>>
        tpu.wait_dma2 semaphore(%run_scoped3A : memref<!tpu.dma_semaphore, #tpu.memory_space<semaphore_mem>>) src(%dma_wait3A_70 : memref<16x128xi32, #tpu.memory_space<hbm>>) dst(%arg8 : memref<16x128xi32, #tpu.memory_space<vmem>>)
        tpu.yield
      }) : () -> ()
      %dma_start3A = arith.constant 0 : i32
      %dma_start3A_33 = arith.constant 0 : i32
      %dma_start3A_34 = arith.constant 0 : i32
      %dma_start3A_35 = arith.constant 0 : i32
      %dma_start3A_36 = tpu.memref_slice %arg9[%dma_start3A_33, %dma_start3A_34, %dma_start3A_35] : memref<2x128x128xf32, #tpu.memory_space<vmem>> -> memref<1x128x128xf32, #tpu.memory_space<vmem>>
      %dma_start3A_37 = tpu.memref_squeeze %dma_start3A_36 : memref<1x128x128xf32, #tpu.memory_space<vmem>> -> memref<128x128xf32, #tpu.memory_space<vmem>>
      %dma_start3A_38 = arith.constant 0 : i32
      %dma_start3A_39 = tpu.memref_slice %arg7[%dma_start3A, %dma_start3A_38] : memref<16x128xi32, #tpu.memory_space<vmem>> -> memref<1x128xi32, #tpu.memory_space<vmem>>
      %dma_start3A_40 = tpu.memref_squeeze %dma_start3A_39 : memref<1x128xi32, #tpu.memory_space<vmem>> -> memref<128xi32, #tpu.memory_space<vmem>>
      %dma_start3A_41 = arith.constant 0 : i32
      %dma_start3A_42 = arith.constant 0 : i32
      %dma_start3A_43 = tpu.memref_slice %arg4[%dma_start3A_41, %dma_start3A_42] : memref<10240x128xf32, #tpu.memory_space<hbm>> -> memref<10240x128xf32, #tpu.memory_space<hbm>>
      tpu.enqueue_indirect_dma source(%dma_start3A_43 : memref<10240x128xf32, #tpu.memory_space<hbm>>) target(%dma_start3A_37 : memref<128x128xf32, #tpu.memory_space<vmem>>) offsets(%dma_start3A_40 : memref<128xi32, #tpu.memory_space<vmem>>) semaphore(%arg11 : memref<!tpu.dma_semaphore, #tpu.memory_space<semaphore_mem>>)
      %dma_start3A_44 = arith.constant 1 : i32
      %dma_start3A_45 = arith.constant 1 : i32
      %dma_start3A_46 = arith.constant 0 : i32
      %dma_start3A_47 = arith.constant 0 : i32
      %dma_start3A_48 = tpu.memref_slice %arg9[%dma_start3A_45, %dma_start3A_46, %dma_start3A_47] : memref<2x128x128xf32, #tpu.memory_space<vmem>> -> memref<1x128x128xf32, #tpu.memory_space<vmem>>
      %dma_start3A_49 = tpu.memref_squeeze %dma_start3A_48 : memref<1x128x128xf32, #tpu.memory_space<vmem>> -> memref<128x128xf32, #tpu.memory_space<vmem>>
      %dma_start3A_50 = arith.constant 0 : i32
      %dma_start3A_51 = tpu.memref_slice %arg7[%dma_start3A_44, %dma_start3A_50] : memref<16x128xi32, #tpu.memory_space<vmem>> -> memref<1x128xi32, #tpu.memory_space<vmem>>
      %dma_start3A_52 = tpu.memref_squeeze %dma_start3A_51 : memref<1x128xi32, #tpu.memory_space<vmem>> -> memref<128xi32, #tpu.memory_space<vmem>>
      %dma_start3A_53 = arith.constant 0 : i32
      %dma_start3A_54 = arith.constant 0 : i32
      %dma_start3A_55 = tpu.memref_slice %arg4[%dma_start3A_53, %dma_start3A_54] : memref<10240x128xf32, #tpu.memory_space<hbm>> -> memref<10240x128xf32, #tpu.memory_space<hbm>>
      tpu.enqueue_indirect_dma source(%dma_start3A_55 : memref<10240x128xf32, #tpu.memory_space<hbm>>) target(%dma_start3A_49 : memref<128x128xf32, #tpu.memory_space<vmem>>) offsets(%dma_start3A_52 : memref<128xi32, #tpu.memory_space<vmem>>) semaphore(%arg12 : memref<!tpu.dma_semaphore, #tpu.memory_space<semaphore_mem>>)
      %scan3A = arith.constant 0 : i32
      %scan3A_56 = arith.constant 0 : i32
      %scan3A_57 = arith.constant 1 : i32
      %scan3A_58 = arith.constant 1 : i32
      %scan3A_59 = arith.constant 0 : i32
      %scan3A_60 = arith.constant 8 : i32
      %scan3A_61 = arith.addi %scan3A_59, %scan3A_60 : i32
      %scan3A_62 = arith.constant 1 : i32
      scf.for %scan3A_64 = %scan3A_59 to %scan3A_61 step %scan3A_62  : i32 {
        %mul3A_65 = arith.constant 1 : i32
        %mul3A_66 = arith.muli %scan3A_64, %mul3A_65 : i32
        %add3A_67 = arith.constant 0 : i32
        %add3A_68 = arith.addi %add3A_67, %mul3A_66 : i32
        %mul3A_69 = arith.constant 2 : i32
        %mul3A_70 = arith.muli %add3A_68, %mul3A_69 : i32
        %add3A_71 = arith.constant 0 : i32
        %add3A_72 = arith.addi %mul3A_70, %add3A_71 : i32
        %dma_wait3A = arith.constant 0 : i32
        %dma_wait3A_73 = arith.constant 0 : i32
        %dma_wait3A_74 = tpu.memref_slice %arg9[%scan3A_56, %dma_wait3A, %dma_wait3A_73] : memref<2x128x128xf32, #tpu.memory_space<vmem>> -> memref<1x128x128xf32, #tpu.memory_space<vmem>>
        %dma_wait3A_75 = tpu.memref_squeeze %dma_wait3A_74 : memref<1x128x128xf32, #tpu.memory_space<vmem>> -> memref<128x128xf32, #tpu.memory_space<vmem>>
        %dma_wait3A_76 = arith.constant 0 : i32
        %dma_wait3A_77 = tpu.memref_slice %arg7[%scan3A, %dma_wait3A_76] : memref<16x128xi32, #tpu.memory_space<vmem>> -> memref<1x128xi32, #tpu.memory_space<vmem>>
        %dma_wait3A_78 = tpu.memref_squeeze %dma_wait3A_77 : memref<1x128xi32, #tpu.memory_space<vmem>> -> memref<128xi32, #tpu.memory_space<vmem>>
        %dma_wait3A_79 = arith.constant 0 : i32
        %dma_wait3A_80 = arith.constant 0 : i32
        %dma_wait3A_81 = tpu.memref_slice %arg4[%dma_wait3A_79, %dma_wait3A_80] : memref<10240x128xf32, #tpu.memory_space<hbm>> -> memref<10240x128xf32, #tpu.memory_space<hbm>>
        tpu.wait_indirect_dma semaphore(%arg11 : memref<!tpu.dma_semaphore, #tpu.memory_space<semaphore_mem>>) src(%dma_wait3A_81 : memref<10240x128xf32, #tpu.memory_space<hbm>>) dst(%dma_wait3A_75 : memref<128x128xf32, #tpu.memory_space<vmem>>)
        %run_scoped3A = arith.constant 0 : i32
        "tpu.region"() ({
          %run_scoped3A_108 = tpu.sem_alloc : memref<!tpu.dma_semaphore, #tpu.memory_space<semaphore_mem>>
          %dma_start3A_109 = arith.constant 0 : i32
          %dma_start3A_110 = arith.constant 0 : i32
          %dma_start3A_111 = tpu.memref_slice %arg9[%run_scoped3A, %dma_start3A_109, %dma_start3A_110] : memref<2x128x128xf32, #tpu.memory_space<vmem>> -> memref<1x128x128xf32, #tpu.memory_space<vmem>>
          %dma_start3A_112 = tpu.memref_squeeze %dma_start3A_111 : memref<1x128x128xf32, #tpu.memory_space<vmem>> -> memref<128x128xf32, #tpu.memory_space<vmem>>
          %dma_start3A_113 = arith.constant 0 : i32
          %dma_start3A_114 = tpu.memref_slice %arg8[%add3A_72, %dma_start3A_113] : memref<16x128xi32, #tpu.memory_space<vmem>> -> memref<1x128xi32, #tpu.memory_space<vmem>>
          %dma_start3A_115 = tpu.memref_squeeze %dma_start3A_114 : memref<1x128xi32, #tpu.memory_space<vmem>> -> memref<128xi32, #tpu.memory_space<vmem>>
          %dma_start3A_116 = arith.constant 0 : i32
          %dma_start3A_117 = arith.constant 0 : i32
          %dma_start3A_118 = tpu.memref_slice %arg10[%dma_start3A_116, %dma_start3A_117] : memref<10240x128xf32, #tpu.memory_space<vmem_shared>> -> memref<10240x128xf32, #tpu.memory_space<vmem_shared>>
          tpu.enqueue_indirect_dma source(%dma_start3A_112 : memref<128x128xf32, #tpu.memory_space<vmem>>) target(%dma_start3A_118 : memref<10240x128xf32, #tpu.memory_space<vmem_shared>>) offsets(%dma_start3A_115 : memref<128xi32, #tpu.memory_space<vmem>>) semaphore(%run_scoped3A_108 : memref<!tpu.dma_semaphore, #tpu.memory_space<semaphore_mem>>) {add = true}
          %dma_wait3A_119 = arith.constant 0 : i32
          %dma_wait3A_120 = arith.constant 0 : i32
          %dma_wait3A_121 = tpu.memref_slice %arg9[%run_scoped3A, %dma_wait3A_119, %dma_wait3A_120] : memref<2x128x128xf32, #tpu.memory_space<vmem>> -> memref<1x128x128xf32, #tpu.memory_space<vmem>>
          %dma_wait3A_122 = tpu.memref_squeeze %dma_wait3A_121 : memref<1x128x128xf32, #tpu.memory_space<vmem>> -> memref<128x128xf32, #tpu.memory_space<vmem>>
          %dma_wait3A_123 = arith.constant 0 : i32
          %dma_wait3A_124 = tpu.memref_slice %arg8[%add3A_72, %dma_wait3A_123] : memref<16x128xi32, #tpu.memory_space<vmem>> -> memref<1x128xi32, #tpu.memory_space<vmem>>
          %dma_wait3A_125 = tpu.memref_squeeze %dma_wait3A_124 : memref<1x128xi32, #tpu.memory_space<vmem>> -> memref<128xi32, #tpu.memory_space<vmem>>
          %dma_wait3A_126 = arith.constant 0 : i32
          %dma_wait3A_127 = arith.constant 0 : i32
          %dma_wait3A_128 = tpu.memref_slice %arg10[%dma_wait3A_126, %dma_wait3A_127] : memref<10240x128xf32, #tpu.memory_space<vmem_shared>> -> memref<10240x128xf32, #tpu.memory_space<vmem_shared>>
          tpu.wait_indirect_dma semaphore(%run_scoped3A_108 : memref<!tpu.dma_semaphore, #tpu.memory_space<semaphore_mem>>) src(%dma_wait3A_122 : memref<128x128xf32, #tpu.memory_space<vmem>>) dst(%dma_wait3A_128 : memref<10240x128xf32, #tpu.memory_space<vmem_shared>>)
          tpu.yield
        }) : () -> ()
        %add3A_82 = arith.constant 2 : i32
        %add3A_83 = arith.addi %add3A_72, %add3A_82 : i32
        %lt3A = arith.constant 16 : i32
        %lt3A_84 = arith.cmpi slt, %add3A_83, %lt3A : i32
        %convert_element_type3A = arith.extui %lt3A_84 : i1 to i32
        %cond3A = arith.constant 0 : i32
        %cond3A_85 = arith.cmpi ne, %convert_element_type3A, %cond3A : i32
        scf.if %cond3A_85 {
          %add3A_108 = arith.constant 2 : i32
          %add3A_109 = arith.addi %add3A_72, %add3A_108 : i32
          %dma_start3A_110 = arith.constant 0 : i32
          %dma_start3A_111 = arith.constant 0 : i32
          %dma_start3A_112 = arith.constant 0 : i32
          %dma_start3A_113 = tpu.memref_slice %arg9[%dma_start3A_110, %dma_start3A_111, %dma_start3A_112] : memref<2x128x128xf32, #tpu.memory_space<vmem>> -> memref<1x128x128xf32, #tpu.memory_space<vmem>>
          %dma_start3A_114 = tpu.memref_squeeze %dma_start3A_113 : memref<1x128x128xf32, #tpu.memory_space<vmem>> -> memref<128x128xf32, #tpu.memory_space<vmem>>
          %dma_start3A_115 = arith.constant 0 : i32
          %dma_start3A_116 = tpu.memref_slice %arg7[%add3A_109, %dma_start3A_115] : memref<16x128xi32, #tpu.memory_space<vmem>> -> memref<1x128xi32, #tpu.memory_space<vmem>>
          %dma_start3A_117 = tpu.memref_squeeze %dma_start3A_116 : memref<1x128xi32, #tpu.memory_space<vmem>> -> memref<128xi32, #tpu.memory_space<vmem>>
          %dma_start3A_118 = arith.constant 0 : i32
          %dma_start3A_119 = arith.constant 0 : i32
          %dma_start3A_120 = tpu.memref_slice %arg4[%dma_start3A_118, %dma_start3A_119] : memref<10240x128xf32, #tpu.memory_space<hbm>> -> memref<10240x128xf32, #tpu.memory_space<hbm>>
          tpu.enqueue_indirect_dma source(%dma_start3A_120 : memref<10240x128xf32, #tpu.memory_space<hbm>>) target(%dma_start3A_114 : memref<128x128xf32, #tpu.memory_space<vmem>>) offsets(%dma_start3A_117 : memref<128xi32, #tpu.memory_space<vmem>>) semaphore(%arg11 : memref<!tpu.dma_semaphore, #tpu.memory_space<semaphore_mem>>)
        } else {
        }
        %mul3A_86 = arith.constant 2 : i32
        %mul3A_87 = arith.muli %add3A_68, %mul3A_86 : i32
        %add3A_88 = arith.constant 1 : i32
        %add3A_89 = arith.addi %mul3A_87, %add3A_88 : i32
        %dma_wait3A_90 = arith.constant 0 : i32
        %dma_wait3A_91 = arith.constant 0 : i32
        %dma_wait3A_92 = tpu.memref_slice %arg9[%scan3A_58, %dma_wait3A_90, %dma_wait3A_91] : memref<2x128x128xf32, #tpu.memory_space<vmem>> -> memref<1x128x128xf32, #tpu.memory_space<vmem>>
        %dma_wait3A_93 = tpu.memref_squeeze %dma_wait3A_92 : memref<1x128x128xf32, #tpu.memory_space<vmem>> -> memref<128x128xf32, #tpu.memory_space<vmem>>
        %dma_wait3A_94 = arith.constant 0 : i32
        %dma_wait3A_95 = tpu.memref_slice %arg7[%scan3A_57, %dma_wait3A_94] : memref<16x128xi32, #tpu.memory_space<vmem>> -> memref<1x128xi32, #tpu.memory_space<vmem>>
        %dma_wait3A_96 = tpu.memref_squeeze %dma_wait3A_95 : memref<1x128xi32, #tpu.memory_space<vmem>> -> memref<128xi32, #tpu.memory_space<vmem>>
        %dma_wait3A_97 = arith.constant 0 : i32
        %dma_wait3A_98 = arith.constant 0 : i32
        %dma_wait3A_99 = tpu.memref_slice %arg4[%dma_wait3A_97, %dma_wait3A_98] : memref<10240x128xf32, #tpu.memory_space<hbm>> -> memref<10240x128xf32, #tpu.memory_space<hbm>>
        tpu.wait_indirect_dma semaphore(%arg12 : memref<!tpu.dma_semaphore, #tpu.memory_space<semaphore_mem>>) src(%dma_wait3A_99 : memref<10240x128xf32, #tpu.memory_space<hbm>>) dst(%dma_wait3A_93 : memref<128x128xf32, #tpu.memory_space<vmem>>)
        %run_scoped3A_100 = arith.constant 1 : i32
        "tpu.region"() ({
          %run_scoped3A_108 = tpu.sem_alloc : memref<!tpu.dma_semaphore, #tpu.memory_space<semaphore_mem>>
          %dma_start3A_109 = arith.constant 0 : i32
          %dma_start3A_110 = arith.constant 0 : i32
          %dma_start3A_111 = tpu.memref_slice %arg9[%run_scoped3A_100, %dma_start3A_109, %dma_start3A_110] : memref<2x128x128xf32, #tpu.memory_space<vmem>> -> memref<1x128x128xf32, #tpu.memory_space<vmem>>
          %dma_start3A_112 = tpu.memref_squeeze %dma_start3A_111 : memref<1x128x128xf32, #tpu.memory_space<vmem>> -> memref<128x128xf32, #tpu.memory_space<vmem>>
          %dma_start3A_113 = arith.constant 0 : i32
          %dma_start3A_114 = tpu.memref_slice %arg8[%add3A_89, %dma_start3A_113] : memref<16x128xi32, #tpu.memory_space<vmem>> -> memref<1x128xi32, #tpu.memory_space<vmem>>
          %dma_start3A_115 = tpu.memref_squeeze %dma_start3A_114 : memref<1x128xi32, #tpu.memory_space<vmem>> -> memref<128xi32, #tpu.memory_space<vmem>>
          %dma_start3A_116 = arith.constant 0 : i32
          %dma_start3A_117 = arith.constant 0 : i32
          %dma_start3A_118 = tpu.memref_slice %arg10[%dma_start3A_116, %dma_start3A_117] : memref<10240x128xf32, #tpu.memory_space<vmem_shared>> -> memref<10240x128xf32, #tpu.memory_space<vmem_shared>>
          tpu.enqueue_indirect_dma source(%dma_start3A_112 : memref<128x128xf32, #tpu.memory_space<vmem>>) target(%dma_start3A_118 : memref<10240x128xf32, #tpu.memory_space<vmem_shared>>) offsets(%dma_start3A_115 : memref<128xi32, #tpu.memory_space<vmem>>) semaphore(%run_scoped3A_108 : memref<!tpu.dma_semaphore, #tpu.memory_space<semaphore_mem>>) {add = true}
          %dma_wait3A_119 = arith.constant 0 : i32
          %dma_wait3A_120 = arith.constant 0 : i32
          %dma_wait3A_121 = tpu.memref_slice %arg9[%run_scoped3A_100, %dma_wait3A_119, %dma_wait3A_120] : memref<2x128x128xf32, #tpu.memory_space<vmem>> -> memref<1x128x128xf32, #tpu.memory_space<vmem>>
          %dma_wait3A_122 = tpu.memref_squeeze %dma_wait3A_121 : memref<1x128x128xf32, #tpu.memory_space<vmem>> -> memref<128x128xf32, #tpu.memory_space<vmem>>
          %dma_wait3A_123 = arith.constant 0 : i32
          %dma_wait3A_124 = tpu.memref_slice %arg8[%add3A_89, %dma_wait3A_123] : memref<16x128xi32, #tpu.memory_space<vmem>> -> memref<1x128xi32, #tpu.memory_space<vmem>>
          %dma_wait3A_125 = tpu.memref_squeeze %dma_wait3A_124 : memref<1x128xi32, #tpu.memory_space<vmem>> -> memref<128xi32, #tpu.memory_space<vmem>>
          %dma_wait3A_126 = arith.constant 0 : i32
          %dma_wait3A_127 = arith.constant 0 : i32
          %dma_wait3A_128 = tpu.memref_slice %arg10[%dma_wait3A_126, %dma_wait3A_127] : memref<10240x128xf32, #tpu.memory_space<vmem_shared>> -> memref<10240x128xf32, #tpu.memory_space<vmem_shared>>
          tpu.wait_indirect_dma semaphore(%run_scoped3A_108 : memref<!tpu.dma_semaphore, #tpu.memory_space<semaphore_mem>>) src(%dma_wait3A_122 : memref<128x128xf32, #tpu.memory_space<vmem>>) dst(%dma_wait3A_128 : memref<10240x128xf32, #tpu.memory_space<vmem_shared>>)
          tpu.yield
        }) : () -> ()
        %add3A_101 = arith.constant 2 : i32
        %add3A_102 = arith.addi %add3A_89, %add3A_101 : i32
        %lt3A_103 = arith.constant 16 : i32
        %lt3A_104 = arith.cmpi slt, %add3A_102, %lt3A_103 : i32
        %convert_element_type3A_105 = arith.extui %lt3A_104 : i1 to i32
        %cond3A_106 = arith.constant 0 : i32
        %cond3A_107 = arith.cmpi ne, %convert_element_type3A_105, %cond3A_106 : i32
        scf.if %cond3A_107 {
          %add3A_108 = arith.constant 2 : i32
          %add3A_109 = arith.addi %add3A_89, %add3A_108 : i32
          %dma_start3A_110 = arith.constant 1 : i32
          %dma_start3A_111 = arith.constant 0 : i32
          %dma_start3A_112 = arith.constant 0 : i32
          %dma_start3A_113 = tpu.memref_slice %arg9[%dma_start3A_110, %dma_start3A_111, %dma_start3A_112] : memref<2x128x128xf32, #tpu.memory_space<vmem>> -> memref<1x128x128xf32, #tpu.memory_space<vmem>>
          %dma_start3A_114 = tpu.memref_squeeze %dma_start3A_113 : memref<1x128x128xf32, #tpu.memory_space<vmem>> -> memref<128x128xf32, #tpu.memory_space<vmem>>
          %dma_start3A_115 = arith.constant 0 : i32
          %dma_start3A_116 = tpu.memref_slice %arg7[%add3A_109, %dma_start3A_115] : memref<16x128xi32, #tpu.memory_space<vmem>> -> memref<1x128xi32, #tpu.memory_space<vmem>>
          %dma_start3A_117 = tpu.memref_squeeze %dma_start3A_116 : memref<1x128xi32, #tpu.memory_space<vmem>> -> memref<128xi32, #tpu.memory_space<vmem>>
          %dma_start3A_118 = arith.constant 0 : i32
          %dma_start3A_119 = arith.constant 0 : i32
          %dma_start3A_120 = tpu.memref_slice %arg4[%dma_start3A_118, %dma_start3A_119] : memref<10240x128xf32, #tpu.memory_space<hbm>> -> memref<10240x128xf32, #tpu.memory_space<hbm>>
          tpu.enqueue_indirect_dma source(%dma_start3A_120 : memref<10240x128xf32, #tpu.memory_space<hbm>>) target(%dma_start3A_114 : memref<128x128xf32, #tpu.memory_space<vmem>>) offsets(%dma_start3A_117 : memref<128xi32, #tpu.memory_space<vmem>>) semaphore(%arg12 : memref<!tpu.dma_semaphore, #tpu.memory_space<semaphore_mem>>)
        } else {
        }
      }
      %scan3A_63 = arith.constant 8 : i32
    }
    %while3A_25 = arith.constant 1 : i32
    scf.for %while3A_27 = %while3A_23 to %while3A_19 step %while3A_25  : i32 {
      %mul3A_28 = arith.muli %while3A_27, %while3A : i32
      %add3A_29 = arith.addi %while3A_16, %mul3A_28 : i32
      %mul3A_30 = arith.constant 16 : i32
      %mul3A_31 = arith.muli %add3A_29, %mul3A_30 : i32
      %add3A_32 = arith.addi %add3A, %mul3A_31 : i32
      "tpu.region"() ({
        %run_scoped3A = tpu.sem_alloc : memref<!tpu.dma_semaphore, #tpu.memory_space<semaphore_mem>>
        %dma_start3A_64 = arith.constant 0 : i32
        %dma_start3A_65 = tpu.memref_slice %arg2[%add3A_32, %dma_start3A_64] : memref<2560x128xi32, #tpu.memory_space<hbm>> -> memref<16x128xi32, #tpu.memory_space<hbm>>
        %dma_start3A_66 = arith.constant 0 : i32
        %dma_start3A_67 = tpu.memref_slice %arg2[%add3A_32, %dma_start3A_66] : memref<2560x128xi32, #tpu.memory_space<hbm>> -> memref<16x128xi32, #tpu.memory_space<hbm>>
        tpu.enqueue_dma source(%dma_start3A_67 : memref<16x128xi32, #tpu.memory_space<hbm>>) target(%arg7 : memref<16x128xi32, #tpu.memory_space<vmem>>) target_semaphore(%run_scoped3A : memref<!tpu.dma_semaphore, #tpu.memory_space<semaphore_mem>>)
        %dma_wait3A = arith.constant 0 : i32
        %dma_wait3A_68 = tpu.memref_slice %arg2[%add3A_32, %dma_wait3A] : memref<2560x128xi32, #tpu.memory_space<hbm>> -> memref<16x128xi32, #tpu.memory_space<hbm>>
        %dma_wait3A_69 = arith.constant 0 : i32
        %dma_wait3A_70 = tpu.memref_slice %arg2[%add3A_32, %dma_wait3A_69] : memref<2560x128xi32, #tpu.memory_space<hbm>> -> memref<16x128xi32, #tpu.memory_space<hbm>>
        tpu.wait_dma2 semaphore(%run_scoped3A : memref<!tpu.dma_semaphore, #tpu.memory_space<semaphore_mem>>) src(%dma_wait3A_70 : memref<16x128xi32, #tpu.memory_space<hbm>>) dst(%arg7 : memref<16x128xi32, #tpu.memory_space<vmem>>)
        tpu.yield
      }) : () -> ()
      "tpu.region"() ({
        %run_scoped3A = tpu.sem_alloc : memref<!tpu.dma_semaphore, #tpu.memory_space<semaphore_mem>>
        %dma_start3A_64 = arith.constant 0 : i32
        %dma_start3A_65 = tpu.memref_slice %arg3[%add3A_32, %dma_start3A_64] : memref<2560x128xi32, #tpu.memory_space<hbm>> -> memref<16x128xi32, #tpu.memory_space<hbm>>
        %dma_start3A_66 = arith.constant 0 : i32
        %dma_start3A_67 = tpu.memref_slice %arg3[%add3A_32, %dma_start3A_66] : memref<2560x128xi32, #tpu.memory_space<hbm>> -> memref<16x128xi32, #tpu.memory_space<hbm>>
        tpu.enqueue_dma source(%dma_start3A_67 : memref<16x128xi32, #tpu.memory_space<hbm>>) target(%arg8 : memref<16x128xi32, #tpu.memory_space<vmem>>) target_semaphore(%run_scoped3A : memref<!tpu.dma_semaphore, #tpu.memory_space<semaphore_mem>>)
        %dma_wait3A = arith.constant 0 : i32
        %dma_wait3A_68 = tpu.memref_slice %arg3[%add3A_32, %dma_wait3A] : memref<2560x128xi32, #tpu.memory_space<hbm>> -> memref<16x128xi32, #tpu.memory_space<hbm>>
        %dma_wait3A_69 = arith.constant 0 : i32
        %dma_wait3A_70 = tpu.memref_slice %arg3[%add3A_32, %dma_wait3A_69] : memref<2560x128xi32, #tpu.memory_space<hbm>> -> memref<16x128xi32, #tpu.memory_space<hbm>>
        tpu.wait_dma2 semaphore(%run_scoped3A : memref<!tpu.dma_semaphore, #tpu.memory_space<semaphore_mem>>) src(%dma_wait3A_70 : memref<16x128xi32, #tpu.memory_space<hbm>>) dst(%arg8 : memref<16x128xi32, #tpu.memory_space<vmem>>)
        tpu.yield
      }) : () -> ()
      %dma_start3A = arith.constant 0 : i32
      %dma_start3A_33 = arith.constant 0 : i32
      %dma_start3A_34 = arith.constant 0 : i32
      %dma_start3A_35 = arith.constant 0 : i32
      %dma_start3A_36 = tpu.memref_slice %arg9[%dma_start3A_33, %dma_start3A_34, %dma_start3A_35] : memref<2x128x128xf32, #tpu.memory_space<vmem>> -> memref<1x128x128xf32, #tpu.memory_space<vmem>>
      %dma_start3A_37 = tpu.memref_squeeze %dma_start3A_36 : memref<1x128x128xf32, #tpu.memory_space<vmem>> -> memref<128x128xf32, #tpu.memory_space<vmem>>
      %dma_start3A_38 = arith.constant 0 : i32
      %dma_start3A_39 = tpu.memref_slice %arg7[%dma_start3A, %dma_start3A_38] : memref<16x128xi32, #tpu.memory_space<vmem>> -> memref<1x128xi32, #tpu.memory_space<vmem>>
      %dma_start3A_40 = tpu.memref_squeeze %dma_start3A_39 : memref<1x128xi32, #tpu.memory_space<vmem>> -> memref<128xi32, #tpu.memory_space<vmem>>
      %dma_start3A_41 = arith.constant 0 : i32
      %dma_start3A_42 = arith.constant 0 : i32
      %dma_start3A_43 = tpu.memref_slice %arg4[%dma_start3A_41, %dma_start3A_42] : memref<10240x128xf32, #tpu.memory_space<hbm>> -> memref<10240x128xf32, #tpu.memory_space<hbm>>
      tpu.enqueue_indirect_dma source(%dma_start3A_43 : memref<10240x128xf32, #tpu.memory_space<hbm>>) target(%dma_start3A_37 : memref<128x128xf32, #tpu.memory_space<vmem>>) offsets(%dma_start3A_40 : memref<128xi32, #tpu.memory_space<vmem>>) semaphore(%arg11 : memref<!tpu.dma_semaphore, #tpu.memory_space<semaphore_mem>>)
      %dma_start3A_44 = arith.constant 1 : i32
      %dma_start3A_45 = arith.constant 1 : i32
      %dma_start3A_46 = arith.constant 0 : i32
      %dma_start3A_47 = arith.constant 0 : i32
      %dma_start3A_48 = tpu.memref_slice %arg9[%dma_start3A_45, %dma_start3A_46, %dma_start3A_47] : memref<2x128x128xf32, #tpu.memory_space<vmem>> -> memref<1x128x128xf32, #tpu.memory_space<vmem>>
      %dma_start3A_49 = tpu.memref_squeeze %dma_start3A_48 : memref<1x128x128xf32, #tpu.memory_space<vmem>> -> memref<128x128xf32, #tpu.memory_space<vmem>>
      %dma_start3A_50 = arith.constant 0 : i32
      %dma_start3A_51 = tpu.memref_slice %arg7[%dma_start3A_44, %dma_start3A_50] : memref<16x128xi32, #tpu.memory_space<vmem>> -> memref<1x128xi32, #tpu.memory_space<vmem>>
      %dma_start3A_52 = tpu.memref_squeeze %dma_start3A_51 : memref<1x128xi32, #tpu.memory_space<vmem>> -> memref<128xi32, #tpu.memory_space<vmem>>
      %dma_start3A_53 = arith.constant 0 : i32
      %dma_start3A_54 = arith.constant 0 : i32
      %dma_start3A_55 = tpu.memref_slice %arg4[%dma_start3A_53, %dma_start3A_54] : memref<10240x128xf32, #tpu.memory_space<hbm>> -> memref<10240x128xf32, #tpu.memory_space<hbm>>
      tpu.enqueue_indirect_dma source(%dma_start3A_55 : memref<10240x128xf32, #tpu.memory_space<hbm>>) target(%dma_start3A_49 : memref<128x128xf32, #tpu.memory_space<vmem>>) offsets(%dma_start3A_52 : memref<128xi32, #tpu.memory_space<vmem>>) semaphore(%arg12 : memref<!tpu.dma_semaphore, #tpu.memory_space<semaphore_mem>>)
      %scan3A = arith.constant 0 : i32
      %scan3A_56 = arith.constant 0 : i32
      %scan3A_57 = arith.constant 1 : i32
      %scan3A_58 = arith.constant 1 : i32
      %scan3A_59 = arith.constant 0 : i32
      %scan3A_60 = arith.constant 8 : i32
      %scan3A_61 = arith.addi %scan3A_59, %scan3A_60 : i32
      %scan3A_62 = arith.constant 1 : i32
      scf.for %scan3A_64 = %scan3A_59 to %scan3A_61 step %scan3A_62  : i32 {
        %mul3A_65 = arith.constant 1 : i32
        %mul3A_66 = arith.muli %scan3A_64, %mul3A_65 : i32
        %add3A_67 = arith.constant 0 : i32
        %add3A_68 = arith.addi %add3A_67, %mul3A_66 : i32
        %mul3A_69 = arith.constant 2 : i32
        %mul3A_70 = arith.muli %add3A_68, %mul3A_69 : i32
        %add3A_71 = arith.constant 0 : i32
        %add3A_72 = arith.addi %mul3A_70, %add3A_71 : i32
        %dma_wait3A = arith.constant 0 : i32
        %dma_wait3A_73 = arith.constant 0 : i32
        %dma_wait3A_74 = tpu.memref_slice %arg9[%scan3A_56, %dma_wait3A, %dma_wait3A_73] : memref<2x128x128xf32, #tpu.memory_space<vmem>> -> memref<1x128x128xf32, #tpu.memory_space<vmem>>
        %dma_wait3A_75 = tpu.memref_squeeze %dma_wait3A_74 : memref<1x128x128xf32, #tpu.memory_space<vmem>> -> memref<128x128xf32, #tpu.memory_space<vmem>>
        %dma_wait3A_76 = arith.constant 0 : i32
        %dma_wait3A_77 = tpu.memref_slice %arg7[%scan3A, %dma_wait3A_76] : memref<16x128xi32, #tpu.memory_space<vmem>> -> memref<1x128xi32, #tpu.memory_space<vmem>>
        %dma_wait3A_78 = tpu.memref_squeeze %dma_wait3A_77 : memref<1x128xi32, #tpu.memory_space<vmem>> -> memref<128xi32, #tpu.memory_space<vmem>>
        %dma_wait3A_79 = arith.constant 0 : i32
        %dma_wait3A_80 = arith.constant 0 : i32
        %dma_wait3A_81 = tpu.memref_slice %arg4[%dma_wait3A_79, %dma_wait3A_80] : memref<10240x128xf32, #tpu.memory_space<hbm>> -> memref<10240x128xf32, #tpu.memory_space<hbm>>
        tpu.wait_indirect_dma semaphore(%arg11 : memref<!tpu.dma_semaphore, #tpu.memory_space<semaphore_mem>>) src(%dma_wait3A_81 : memref<10240x128xf32, #tpu.memory_space<hbm>>) dst(%dma_wait3A_75 : memref<128x128xf32, #tpu.memory_space<vmem>>)
        %run_scoped3A = arith.constant 0 : i32
        "tpu.region"() ({
          %run_scoped3A_108 = tpu.sem_alloc : memref<!tpu.dma_semaphore, #tpu.memory_space<semaphore_mem>>
          %dma_start3A_109 = arith.constant 0 : i32
          %dma_start3A_110 = arith.constant 0 : i32
          %dma_start3A_111 = tpu.memref_slice %arg9[%run_scoped3A, %dma_start3A_109, %dma_start3A_110] : memref<2x128x128xf32, #tpu.memory_space<vmem>> -> memref<1x128x128xf32, #tpu.memory_space<vmem>>
          %dma_start3A_112 = tpu.memref_squeeze %dma_start3A_111 : memref<1x128x128xf32, #tpu.memory_space<vmem>> -> memref<128x128xf32, #tpu.memory_space<vmem>>
          %dma_start3A_113 = arith.constant 0 : i32
          %dma_start3A_114 = tpu.memref_slice %arg8[%add3A_72, %dma_start3A_113] : memref<16x128xi32, #tpu.memory_space<vmem>> -> memref<1x128xi32, #tpu.memory_space<vmem>>
          %dma_start3A_115 = tpu.memref_squeeze %dma_start3A_114 : memref<1x128xi32, #tpu.memory_space<vmem>> -> memref<128xi32, #tpu.memory_space<vmem>>
          %dma_start3A_116 = arith.constant 0 : i32
          %dma_start3A_117 = arith.constant 0 : i32
          %dma_start3A_118 = tpu.memref_slice %arg10[%dma_start3A_116, %dma_start3A_117] : memref<10240x128xf32, #tpu.memory_space<vmem_shared>> -> memref<10240x128xf32, #tpu.memory_space<vmem_shared>>
          tpu.enqueue_indirect_dma source(%dma_start3A_112 : memref<128x128xf32, #tpu.memory_space<vmem>>) target(%dma_start3A_118 : memref<10240x128xf32, #tpu.memory_space<vmem_shared>>) offsets(%dma_start3A_115 : memref<128xi32, #tpu.memory_space<vmem>>) semaphore(%run_scoped3A_108 : memref<!tpu.dma_semaphore, #tpu.memory_space<semaphore_mem>>) {add = true}
          %dma_wait3A_119 = arith.constant 0 : i32
          %dma_wait3A_120 = arith.constant 0 : i32
          %dma_wait3A_121 = tpu.memref_slice %arg9[%run_scoped3A, %dma_wait3A_119, %dma_wait3A_120] : memref<2x128x128xf32, #tpu.memory_space<vmem>> -> memref<1x128x128xf32, #tpu.memory_space<vmem>>
          %dma_wait3A_122 = tpu.memref_squeeze %dma_wait3A_121 : memref<1x128x128xf32, #tpu.memory_space<vmem>> -> memref<128x128xf32, #tpu.memory_space<vmem>>
          %dma_wait3A_123 = arith.constant 0 : i32
          %dma_wait3A_124 = tpu.memref_slice %arg8[%add3A_72, %dma_wait3A_123] : memref<16x128xi32, #tpu.memory_space<vmem>> -> memref<1x128xi32, #tpu.memory_space<vmem>>
          %dma_wait3A_125 = tpu.memref_squeeze %dma_wait3A_124 : memref<1x128xi32, #tpu.memory_space<vmem>> -> memref<128xi32, #tpu.memory_space<vmem>>
          %dma_wait3A_126 = arith.constant 0 : i32
          %dma_wait3A_127 = arith.constant 0 : i32
          %dma_wait3A_128 = tpu.memref_slice %arg10[%dma_wait3A_126, %dma_wait3A_127] : memref<10240x128xf32, #tpu.memory_space<vmem_shared>> -> memref<10240x128xf32, #tpu.memory_space<vmem_shared>>
          tpu.wait_indirect_dma semaphore(%run_scoped3A_108 : memref<!tpu.dma_semaphore, #tpu.memory_space<semaphore_mem>>) src(%dma_wait3A_122 : memref<128x128xf32, #tpu.memory_space<vmem>>) dst(%dma_wait3A_128 : memref<10240x128xf32, #tpu.memory_space<vmem_shared>>)
          tpu.yield
        }) : () -> ()
        %add3A_82 = arith.constant 2 : i32
        %add3A_83 = arith.addi %add3A_72, %add3A_82 : i32
        %lt3A = arith.constant 16 : i32
        %lt3A_84 = arith.cmpi slt, %add3A_83, %lt3A : i32
        %convert_element_type3A = arith.extui %lt3A_84 : i1 to i32
        %cond3A = arith.constant 0 : i32
        %cond3A_85 = arith.cmpi ne, %convert_element_type3A, %cond3A : i32
        scf.if %cond3A_85 {
          %add3A_108 = arith.constant 2 : i32
          %add3A_109 = arith.addi %add3A_72, %add3A_108 : i32
          %dma_start3A_110 = arith.constant 0 : i32
          %dma_start3A_111 = arith.constant 0 : i32
          %dma_start3A_112 = arith.constant 0 : i32
          %dma_start3A_113 = tpu.memref_slice %arg9[%dma_start3A_110, %dma_start3A_111, %dma_start3A_112] : memref<2x128x128xf32, #tpu.memory_space<vmem>> -> memref<1x128x128xf32, #tpu.memory_space<vmem>>
          %dma_start3A_114 = tpu.memref_squeeze %dma_start3A_113 : memref<1x128x128xf32, #tpu.memory_space<vmem>> -> memref<128x128xf32, #tpu.memory_space<vmem>>
          %dma_start3A_115 = arith.constant 0 : i32
          %dma_start3A_116 = tpu.memref_slice %arg7[%add3A_109, %dma_start3A_115] : memref<16x128xi32, #tpu.memory_space<vmem>> -> memref<1x128xi32, #tpu.memory_space<vmem>>
          %dma_start3A_117 = tpu.memref_squeeze %dma_start3A_116 : memref<1x128xi32, #tpu.memory_space<vmem>> -> memref<128xi32, #tpu.memory_space<vmem>>
          %dma_start3A_118 = arith.constant 0 : i32
          %dma_start3A_119 = arith.constant 0 : i32
          %dma_start3A_120 = tpu.memref_slice %arg4[%dma_start3A_118, %dma_start3A_119] : memref<10240x128xf32, #tpu.memory_space<hbm>> -> memref<10240x128xf32, #tpu.memory_space<hbm>>
          tpu.enqueue_indirect_dma source(%dma_start3A_120 : memref<10240x128xf32, #tpu.memory_space<hbm>>) target(%dma_start3A_114 : memref<128x128xf32, #tpu.memory_space<vmem>>) offsets(%dma_start3A_117 : memref<128xi32, #tpu.memory_space<vmem>>) semaphore(%arg11 : memref<!tpu.dma_semaphore, #tpu.memory_space<semaphore_mem>>)
        } else {
        }
        %mul3A_86 = arith.constant 2 : i32
        %mul3A_87 = arith.muli %add3A_68, %mul3A_86 : i32
        %add3A_88 = arith.constant 1 : i32
        %add3A_89 = arith.addi %mul3A_87, %add3A_88 : i32
        %dma_wait3A_90 = arith.constant 0 : i32
        %dma_wait3A_91 = arith.constant 0 : i32
        %dma_wait3A_92 = tpu.memref_slice %arg9[%scan3A_58, %dma_wait3A_90, %dma_wait3A_91] : memref<2x128x128xf32, #tpu.memory_space<vmem>> -> memref<1x128x128xf32, #tpu.memory_space<vmem>>
        %dma_wait3A_93 = tpu.memref_squeeze %dma_wait3A_92 : memref<1x128x128xf32, #tpu.memory_space<vmem>> -> memref<128x128xf32, #tpu.memory_space<vmem>>
        %dma_wait3A_94 = arith.constant 0 : i32
        %dma_wait3A_95 = tpu.memref_slice %arg7[%scan3A_57, %dma_wait3A_94] : memref<16x128xi32, #tpu.memory_space<vmem>> -> memref<1x128xi32, #tpu.memory_space<vmem>>
        %dma_wait3A_96 = tpu.memref_squeeze %dma_wait3A_95 : memref<1x128xi32, #tpu.memory_space<vmem>> -> memref<128xi32, #tpu.memory_space<vmem>>
        %dma_wait3A_97 = arith.constant 0 : i32
        %dma_wait3A_98 = arith.constant 0 : i32
        %dma_wait3A_99 = tpu.memref_slice %arg4[%dma_wait3A_97, %dma_wait3A_98] : memref<10240x128xf32, #tpu.memory_space<hbm>> -> memref<10240x128xf32, #tpu.memory_space<hbm>>
        tpu.wait_indirect_dma semaphore(%arg12 : memref<!tpu.dma_semaphore, #tpu.memory_space<semaphore_mem>>) src(%dma_wait3A_99 : memref<10240x128xf32, #tpu.memory_space<hbm>>) dst(%dma_wait3A_93 : memref<128x128xf32, #tpu.memory_space<vmem>>)
        %run_scoped3A_100 = arith.constant 1 : i32
        "tpu.region"() ({
          %run_scoped3A_108 = tpu.sem_alloc : memref<!tpu.dma_semaphore, #tpu.memory_space<semaphore_mem>>
          %dma_start3A_109 = arith.constant 0 : i32
          %dma_start3A_110 = arith.constant 0 : i32
          %dma_start3A_111 = tpu.memref_slice %arg9[%run_scoped3A_100, %dma_start3A_109, %dma_start3A_110] : memref<2x128x128xf32, #tpu.memory_space<vmem>> -> memref<1x128x128xf32, #tpu.memory_space<vmem>>
          %dma_start3A_112 = tpu.memref_squeeze %dma_start3A_111 : memref<1x128x128xf32, #tpu.memory_space<vmem>> -> memref<128x128xf32, #tpu.memory_space<vmem>>
          %dma_start3A_113 = arith.constant 0 : i32
          %dma_start3A_114 = tpu.memref_slice %arg8[%add3A_89, %dma_start3A_113] : memref<16x128xi32, #tpu.memory_space<vmem>> -> memref<1x128xi32, #tpu.memory_space<vmem>>
          %dma_start3A_115 = tpu.memref_squeeze %dma_start3A_114 : memref<1x128xi32, #tpu.memory_space<vmem>> -> memref<128xi32, #tpu.memory_space<vmem>>
          %dma_start3A_116 = arith.constant 0 : i32
          %dma_start3A_117 = arith.constant 0 : i32
          %dma_start3A_118 = tpu.memref_slice %arg10[%dma_start3A_116, %dma_start3A_117] : memref<10240x128xf32, #tpu.memory_space<vmem_shared>> -> memref<10240x128xf32, #tpu.memory_space<vmem_shared>>
          tpu.enqueue_indirect_dma source(%dma_start3A_112 : memref<128x128xf32, #tpu.memory_space<vmem>>) target(%dma_start3A_118 : memref<10240x128xf32, #tpu.memory_space<vmem_shared>>) offsets(%dma_start3A_115 : memref<128xi32, #tpu.memory_space<vmem>>) semaphore(%run_scoped3A_108 : memref<!tpu.dma_semaphore, #tpu.memory_space<semaphore_mem>>) {add = true}
          %dma_wait3A_119 = arith.constant 0 : i32
          %dma_wait3A_120 = arith.constant 0 : i32
          %dma_wait3A_121 = tpu.memref_slice %arg9[%run_scoped3A_100, %dma_wait3A_119, %dma_wait3A_120] : memref<2x128x128xf32, #tpu.memory_space<vmem>> -> memref<1x128x128xf32, #tpu.memory_space<vmem>>
          %dma_wait3A_122 = tpu.memref_squeeze %dma_wait3A_121 : memref<1x128x128xf32, #tpu.memory_space<vmem>> -> memref<128x128xf32, #tpu.memory_space<vmem>>
          %dma_wait3A_123 = arith.constant 0 : i32
          %dma_wait3A_124 = tpu.memref_slice %arg8[%add3A_89, %dma_wait3A_123] : memref<16x128xi32, #tpu.memory_space<vmem>> -> memref<1x128xi32, #tpu.memory_space<vmem>>
          %dma_wait3A_125 = tpu.memref_squeeze %dma_wait3A_124 : memref<1x128xi32, #tpu.memory_space<vmem>> -> memref<128xi32, #tpu.memory_space<vmem>>
          %dma_wait3A_126 = arith.constant 0 : i32
          %dma_wait3A_127 = arith.constant 0 : i32
          %dma_wait3A_128 = tpu.memref_slice %arg10[%dma_wait3A_126, %dma_wait3A_127] : memref<10240x128xf32, #tpu.memory_space<vmem_shared>> -> memref<10240x128xf32, #tpu.memory_space<vmem_shared>>
          tpu.wait_indirect_dma semaphore(%run_scoped3A_108 : memref<!tpu.dma_semaphore, #tpu.memory_space<semaphore_mem>>) src(%dma_wait3A_122 : memref<128x128xf32, #tpu.memory_space<vmem>>) dst(%dma_wait3A_128 : memref<10240x128xf32, #tpu.memory_space<vmem_shared>>)
          tpu.yield
        }) : () -> ()
        %add3A_101 = arith.constant 2 : i32
        %add3A_102 = arith.addi %add3A_89, %add3A_101 : i32
        %lt3A_103 = arith.constant 16 : i32
        %lt3A_104 = arith.cmpi slt, %add3A_102, %lt3A_103 : i32
        %convert_element_type3A_105 = arith.extui %lt3A_104 : i1 to i32
        %cond3A_106 = arith.constant 0 : i32
        %cond3A_107 = arith.cmpi ne, %convert_element_type3A_105, %cond3A_106 : i32
        scf.if %cond3A_107 {
          %add3A_108 = arith.constant 2 : i32
          %add3A_109 = arith.addi %add3A_89, %add3A_108 : i32
          %dma_start3A_110 = arith.constant 1 : i32
          %dma_start3A_111 = arith.constant 0 : i32
          %dma_start3A_112 = arith.constant 0 : i32
          %dma_start3A_113 = tpu.memref_slice %arg9[%dma_start3A_110, %dma_start3A_111, %dma_start3A_112] : memref<2x128x128xf32, #tpu.memory_space<vmem>> -> memref<1x128x128xf32, #tpu.memory_space<vmem>>
          %dma_start3A_114 = tpu.memref_squeeze %dma_start3A_113 : memref<1x128x128xf32, #tpu.memory_space<vmem>> -> memref<128x128xf32, #tpu.memory_space<vmem>>
          %dma_start3A_115 = arith.constant 0 : i32
          %dma_start3A_116 = tpu.memref_slice %arg7[%add3A_109, %dma_start3A_115] : memref<16x128xi32, #tpu.memory_space<vmem>> -> memref<1x128xi32, #tpu.memory_space<vmem>>
          %dma_start3A_117 = tpu.memref_squeeze %dma_start3A_116 : memref<1x128xi32, #tpu.memory_space<vmem>> -> memref<128xi32, #tpu.memory_space<vmem>>
          %dma_start3A_118 = arith.constant 0 : i32
          %dma_start3A_119 = arith.constant 0 : i32
          %dma_start3A_120 = tpu.memref_slice %arg4[%dma_start3A_118, %dma_start3A_119] : memref<10240x128xf32, #tpu.memory_space<hbm>> -> memref<10240x128xf32, #tpu.memory_space<hbm>>
          tpu.enqueue_indirect_dma source(%dma_start3A_120 : memref<10240x128xf32, #tpu.memory_space<hbm>>) target(%dma_start3A_114 : memref<128x128xf32, #tpu.memory_space<vmem>>) offsets(%dma_start3A_117 : memref<128xi32, #tpu.memory_space<vmem>>) semaphore(%arg12 : memref<!tpu.dma_semaphore, #tpu.memory_space<semaphore_mem>>)
        } else {
        }
      }
      %scan3A_63 = arith.constant 8 : i32
    }
    %barrier3A_26 = arith.constant 0 : index
    tpu.barrier barrier_id(%barrier3A_26)
    "tpu.region"() ({
      %run_scoped3A = tpu.sem_alloc : memref<!tpu.dma_semaphore, #tpu.memory_space<semaphore_mem>>
      %dma_start3A = arith.constant 0 : i32
      %dma_start3A_27 = tpu.memref_slice %arg6[%arg0, %mul3A_0, %dma_start3A] : memref<2x10240x128xf32, #tpu.memory_space<hbm>> -> memref<1x640x128xf32, #tpu.memory_space<hbm>>
      %dma_start3A_28 = tpu.memref_squeeze %dma_start3A_27 : memref<1x640x128xf32, #tpu.memory_space<hbm>> -> memref<640x128xf32, #tpu.memory_space<hbm>>
      %dma_start3A_29 = arith.constant 0 : i32
      %dma_start3A_30 = tpu.memref_slice %arg10[%mul3A_0, %dma_start3A_29] : memref<10240x128xf32, #tpu.memory_space<vmem_shared>> -> memref<640x128xf32, #tpu.memory_space<vmem_shared>>
      tpu.enqueue_dma source(%dma_start3A_30 : memref<640x128xf32, #tpu.memory_space<vmem_shared>>) target(%dma_start3A_28 : memref<640x128xf32, #tpu.memory_space<hbm>>) target_semaphore(%run_scoped3A : memref<!tpu.dma_semaphore, #tpu.memory_space<semaphore_mem>>)
      %dma_wait3A = arith.constant 0 : i32
      %dma_wait3A_31 = tpu.memref_slice %arg6[%arg0, %mul3A_0, %dma_wait3A] : memref<2x10240x128xf32, #tpu.memory_space<hbm>> -> memref<1x640x128xf32, #tpu.memory_space<hbm>>
      %dma_wait3A_32 = tpu.memref_squeeze %dma_wait3A_31 : memref<1x640x128xf32, #tpu.memory_space<hbm>> -> memref<640x128xf32, #tpu.memory_space<hbm>>
      %dma_wait3A_33 = arith.constant 0 : i32
      %dma_wait3A_34 = tpu.memref_slice %arg10[%mul3A_0, %dma_wait3A_33] : memref<10240x128xf32, #tpu.memory_space<vmem_shared>> -> memref<640x128xf32, #tpu.memory_space<vmem_shared>>
      tpu.wait_dma2 semaphore(%run_scoped3A : memref<!tpu.dma_semaphore, #tpu.memory_space<semaphore_mem>>) src(%dma_wait3A_34 : memref<640x128xf32, #tpu.memory_space<vmem_shared>>) dst(%dma_wait3A_32 : memref<640x128xf32, #tpu.memory_space<hbm>>)
      tpu.yield
    }) : () -> ()
    return
  }
}

#map = affine_map<(d0, d1) -> (0, 0)>
#map1 = affine_map<(d0, d1) -> (0, 0, 0)>
module attributes {stable_mosaic.version = 14 : i64} {
  func.func @_prop_body(%arg0: i32, %arg1: i32, %arg2: memref<2560x128xi32, #tpu.memory_space<hbm>>, %arg3: memref<2560x128xi32, #tpu.memory_space<hbm>>, %arg4: memref<10240x128xf32, #tpu.memory_space<hbm>>, %arg5: memref<10240x128xf32, #tpu.memory_space<hbm>>, %arg6: memref<2x10240x128xf32, #tpu.memory_space<hbm>>, %arg7: memref<16x128xi32, #tpu.memory_space<vmem>>, %arg8: memref<16x128xi32, #tpu.memory_space<vmem>>, %arg9: memref<2x128x128xf32, #tpu.memory_space<vmem>>, %arg10: memref<10240x128xf32, #tpu.memory_space<vmem_shared>>, %arg11: memref<!tpu.dma_semaphore, #tpu.memory_space<semaphore_mem>>, %arg12: memref<!tpu.dma_semaphore, #tpu.memory_space<semaphore_mem>>) attributes {dimension_semantics = [#tpu.dimension_semantics<core_parallel>, #tpu.dimension_semantics<subcore_parallel>], iteration_bounds = array<i64: 2, 16>, scalar_prefetch = 0 : i64, scratch_operands = 6 : i64, tpu.core_type = #tpu.core_type<sc_vector_subcore>, window_params = [{transform_indices = #map}, {transform_indices = #map}, {transform_indices = #map}, {transform_indices = #map}, {transform_indices = #map1}]} {
    %mul3A = arith.constant 640 : i32
    %mul3A_0 = arith.muli %arg1, %mul3A : i32
    "tpu.region"() ({
      %run_scoped3A = tpu.sem_alloc : memref<!tpu.dma_semaphore, #tpu.memory_space<semaphore_mem>>
      %dma_start3A = arith.constant 0 : i32
      %dma_start3A_27 = tpu.memref_slice %arg10[%mul3A_0, %dma_start3A] : memref<10240x128xf32, #tpu.memory_space<vmem_shared>> -> memref<640x128xf32, #tpu.memory_space<vmem_shared>>
      %dma_start3A_28 = arith.constant 0 : i32
      %dma_start3A_29 = tpu.memref_slice %arg5[%mul3A_0, %dma_start3A_28] : memref<10240x128xf32, #tpu.memory_space<hbm>> -> memref<640x128xf32, #tpu.memory_space<hbm>>
      tpu.enqueue_dma source(%dma_start3A_29 : memref<640x128xf32, #tpu.memory_space<hbm>>) target(%dma_start3A_27 : memref<640x128xf32, #tpu.memory_space<vmem_shared>>) target_semaphore(%run_scoped3A : memref<!tpu.dma_semaphore, #tpu.memory_space<semaphore_mem>>)
      %dma_wait3A = arith.constant 0 : i32
      %dma_wait3A_30 = tpu.memref_slice %arg10[%mul3A_0, %dma_wait3A] : memref<10240x128xf32, #tpu.memory_space<vmem_shared>> -> memref<640x128xf32, #tpu.memory_space<vmem_shared>>
      %dma_wait3A_31 = arith.constant 0 : i32
      %dma_wait3A_32 = tpu.memref_slice %arg5[%mul3A_0, %dma_wait3A_31] : memref<10240x128xf32, #tpu.memory_space<hbm>> -> memref<640x128xf32, #tpu.memory_space<hbm>>
      tpu.wait_dma2 semaphore(%run_scoped3A : memref<!tpu.dma_semaphore, #tpu.memory_space<semaphore_mem>>) src(%dma_wait3A_32 : memref<640x128xf32, #tpu.memory_space<hbm>>) dst(%dma_wait3A_30 : memref<640x128xf32, #tpu.memory_space<vmem_shared>>)
      tpu.yield
    }) : () -> ()
    %mul3A_1 = arith.constant 160 : i32
    %mul3A_2 = arith.muli %arg1, %mul3A_1 : i32
    %eq3A = arith.constant 0 : i32
    %eq3A_3 = arith.cmpi eq, %arg0, %eq3A : i32
    %jit3A = arith.constant 0 : i32
    %jit3A_4 = arith.constant 112 : i32
    %select_n3A = arith.select %eq3A_3, %jit3A, %jit3A_4 : i32
    %add3A = arith.addi %mul3A_2, %select_n3A : i32
    %eq3A_5 = arith.constant 0 : i32
    %eq3A_6 = arith.cmpi eq, %arg0, %eq3A_5 : i32
    %jit3A_7 = arith.constant 7 : i32
    %jit3A_8 = arith.constant 3 : i32
    %select_n3A_9 = arith.select %eq3A_6, %jit3A_7, %jit3A_8 : i32
    %barrier3A = arith.constant 0 : index
    tpu.barrier barrier_id(%barrier3A)
    %sub3A = arith.constant 0 : i32
    %sub3A_10 = arith.subi %select_n3A_9, %sub3A : i32
    %sub3A_11 = arith.constant 1 : i32
    %sub3A_12 = arith.constant 1 : i32
    %sub3A_13 = arith.subi %sub3A_11, %sub3A_12 : i32
    %add3A_14 = arith.addi %sub3A_10, %sub3A_13 : i32
    %div3A = arith.constant 1 : i32
    %div3A_15 = arith.divsi %add3A_14, %div3A : i32
    %while3A = arith.constant 1 : i32
    %while3A_16 = arith.constant 0 : i32
    %while3A_17 = arith.constant 0 : i32
    %while3A_18 = arith.subi %div3A_15, %while3A_17 : i32
    %while3A_19 = arith.addi %while3A_17, %while3A_18 : i32
    %while3A_20 = arith.constant 1 : i32
    %while3A_21 = arith.divsi %while3A_18, %while3A_20 : i32
    %while3A_22 = arith.muli %while3A_21, %while3A_20 : i32
    %while3A_23 = arith.addi %while3A_17, %while3A_22 : i32
    %while3A_24 = arith.constant 1 : i32
    scf.for %while3A_27 = %while3A_17 to %while3A_23 step %while3A_24  : i32 {
      %mul3A_28 = arith.muli %while3A_27, %while3A : i32
      %add3A_29 = arith.addi %while3A_16, %mul3A_28 : i32
      %mul3A_30 = arith.constant 16 : i32
      %mul3A_31 = arith.muli %add3A_29, %mul3A_30 : i32
      %add3A_32 = arith.addi %add3A, %mul3A_31 : i32
      "tpu.region"() ({
        %run_scoped3A = tpu.sem_alloc : memref<!tpu.dma_semaphore, #tpu.memory_space<semaphore_mem>>
        %dma_start3A_64 = arith.constant 0 : i32
        %dma_start3A_65 = tpu.memref_slice %arg2[%add3A_32, %dma_start3A_64] : memref<2560x128xi32, #tpu.memory_space<hbm>> -> memref<16x128xi32, #tpu.memory_space<hbm>>
        %dma_start3A_66 = arith.constant 0 : i32
        %dma_start3A_67 = tpu.memref_slice %arg2[%add3A_32, %dma_start3A_66] : memref<2560x128xi32, #tpu.memory_space<hbm>> -> memref<16x128xi32, #tpu.memory_space<hbm>>
        tpu.enqueue_dma source(%dma_start3A_67 : memref<16x128xi32, #tpu.memory_space<hbm>>) target(%arg7 : memref<16x128xi32, #tpu.memory_space<vmem>>) target_semaphore(%run_scoped3A : memref<!tpu.dma_semaphore, #tpu.memory_space<semaphore_mem>>)
        %dma_wait3A = arith.constant 0 : i32
        %dma_wait3A_68 = tpu.memref_slice %arg2[%add3A_32, %dma_wait3A] : memref<2560x128xi32, #tpu.memory_space<hbm>> -> memref<16x128xi32, #tpu.memory_space<hbm>>
        %dma_wait3A_69 = arith.constant 0 : i32
        %dma_wait3A_70 = tpu.memref_slice %arg2[%add3A_32, %dma_wait3A_69] : memref<2560x128xi32, #tpu.memory_space<hbm>> -> memref<16x128xi32, #tpu.memory_space<hbm>>
        tpu.wait_dma2 semaphore(%run_scoped3A : memref<!tpu.dma_semaphore, #tpu.memory_space<semaphore_mem>>) src(%dma_wait3A_70 : memref<16x128xi32, #tpu.memory_space<hbm>>) dst(%arg7 : memref<16x128xi32, #tpu.memory_space<vmem>>)
        tpu.yield
      }) : () -> ()
      "tpu.region"() ({
        %run_scoped3A = tpu.sem_alloc : memref<!tpu.dma_semaphore, #tpu.memory_space<semaphore_mem>>
        %dma_start3A_64 = arith.constant 0 : i32
        %dma_start3A_65 = tpu.memref_slice %arg3[%add3A_32, %dma_start3A_64] : memref<2560x128xi32, #tpu.memory_space<hbm>> -> memref<16x128xi32, #tpu.memory_space<hbm>>
        %dma_start3A_66 = arith.constant 0 : i32
        %dma_start3A_67 = tpu.memref_slice %arg3[%add3A_32, %dma_start3A_66] : memref<2560x128xi32, #tpu.memory_space<hbm>> -> memref<16x128xi32, #tpu.memory_space<hbm>>
        tpu.enqueue_dma source(%dma_start3A_67 : memref<16x128xi32, #tpu.memory_space<hbm>>) target(%arg8 : memref<16x128xi32, #tpu.memory_space<vmem>>) target_semaphore(%run_scoped3A : memref<!tpu.dma_semaphore, #tpu.memory_space<semaphore_mem>>)
        %dma_wait3A = arith.constant 0 : i32
        %dma_wait3A_68 = tpu.memref_slice %arg3[%add3A_32, %dma_wait3A] : memref<2560x128xi32, #tpu.memory_space<hbm>> -> memref<16x128xi32, #tpu.memory_space<hbm>>
        %dma_wait3A_69 = arith.constant 0 : i32
        %dma_wait3A_70 = tpu.memref_slice %arg3[%add3A_32, %dma_wait3A_69] : memref<2560x128xi32, #tpu.memory_space<hbm>> -> memref<16x128xi32, #tpu.memory_space<hbm>>
        tpu.wait_dma2 semaphore(%run_scoped3A : memref<!tpu.dma_semaphore, #tpu.memory_space<semaphore_mem>>) src(%dma_wait3A_70 : memref<16x128xi32, #tpu.memory_space<hbm>>) dst(%arg8 : memref<16x128xi32, #tpu.memory_space<vmem>>)
        tpu.yield
      }) : () -> ()
      %dma_start3A = arith.constant 0 : i32
      %dma_start3A_33 = arith.constant 0 : i32
      %dma_start3A_34 = arith.constant 0 : i32
      %dma_start3A_35 = arith.constant 0 : i32
      %dma_start3A_36 = tpu.memref_slice %arg9[%dma_start3A_33, %dma_start3A_34, %dma_start3A_35] : memref<2x128x128xf32, #tpu.memory_space<vmem>> -> memref<1x128x128xf32, #tpu.memory_space<vmem>>
      %dma_start3A_37 = tpu.memref_squeeze %dma_start3A_36 : memref<1x128x128xf32, #tpu.memory_space<vmem>> -> memref<128x128xf32, #tpu.memory_space<vmem>>
      %dma_start3A_38 = arith.constant 0 : i32
      %dma_start3A_39 = tpu.memref_slice %arg7[%dma_start3A, %dma_start3A_38] : memref<16x128xi32, #tpu.memory_space<vmem>> -> memref<1x128xi32, #tpu.memory_space<vmem>>
      %dma_start3A_40 = tpu.memref_squeeze %dma_start3A_39 : memref<1x128xi32, #tpu.memory_space<vmem>> -> memref<128xi32, #tpu.memory_space<vmem>>
      %dma_start3A_41 = arith.constant 0 : i32
      %dma_start3A_42 = arith.constant 0 : i32
      %dma_start3A_43 = tpu.memref_slice %arg4[%dma_start3A_41, %dma_start3A_42] : memref<10240x128xf32, #tpu.memory_space<hbm>> -> memref<10240x128xf32, #tpu.memory_space<hbm>>
      tpu.enqueue_indirect_dma source(%dma_start3A_43 : memref<10240x128xf32, #tpu.memory_space<hbm>>) target(%dma_start3A_37 : memref<128x128xf32, #tpu.memory_space<vmem>>) offsets(%dma_start3A_40 : memref<128xi32, #tpu.memory_space<vmem>>) semaphore(%arg11 : memref<!tpu.dma_semaphore, #tpu.memory_space<semaphore_mem>>)
      %dma_start3A_44 = arith.constant 1 : i32
      %dma_start3A_45 = arith.constant 1 : i32
      %dma_start3A_46 = arith.constant 0 : i32
      %dma_start3A_47 = arith.constant 0 : i32
      %dma_start3A_48 = tpu.memref_slice %arg9[%dma_start3A_45, %dma_start3A_46, %dma_start3A_47] : memref<2x128x128xf32, #tpu.memory_space<vmem>> -> memref<1x128x128xf32, #tpu.memory_space<vmem>>
      %dma_start3A_49 = tpu.memref_squeeze %dma_start3A_48 : memref<1x128x128xf32, #tpu.memory_space<vmem>> -> memref<128x128xf32, #tpu.memory_space<vmem>>
      %dma_start3A_50 = arith.constant 0 : i32
      %dma_start3A_51 = tpu.memref_slice %arg7[%dma_start3A_44, %dma_start3A_50] : memref<16x128xi32, #tpu.memory_space<vmem>> -> memref<1x128xi32, #tpu.memory_space<vmem>>
      %dma_start3A_52 = tpu.memref_squeeze %dma_start3A_51 : memref<1x128xi32, #tpu.memory_space<vmem>> -> memref<128xi32, #tpu.memory_space<vmem>>
      %dma_start3A_53 = arith.constant 0 : i32
      %dma_start3A_54 = arith.constant 0 : i32
      %dma_start3A_55 = tpu.memref_slice %arg4[%dma_start3A_53, %dma_start3A_54] : memref<10240x128xf32, #tpu.memory_space<hbm>> -> memref<10240x128xf32, #tpu.memory_space<hbm>>
      tpu.enqueue_indirect_dma source(%dma_start3A_55 : memref<10240x128xf32, #tpu.memory_space<hbm>>) target(%dma_start3A_49 : memref<128x128xf32, #tpu.memory_space<vmem>>) offsets(%dma_start3A_52 : memref<128xi32, #tpu.memory_space<vmem>>) semaphore(%arg12 : memref<!tpu.dma_semaphore, #tpu.memory_space<semaphore_mem>>)
      %scan3A = arith.constant 0 : i32
      %scan3A_56 = arith.constant 0 : i32
      %scan3A_57 = arith.constant 1 : i32
      %scan3A_58 = arith.constant 1 : i32
      %scan3A_59 = arith.constant 0 : i32
      %scan3A_60 = arith.constant 8 : i32
      %scan3A_61 = arith.addi %scan3A_59, %scan3A_60 : i32
      %scan3A_62 = arith.constant 1 : i32
      scf.for %scan3A_64 = %scan3A_59 to %scan3A_61 step %scan3A_62  : i32 {
        %mul3A_65 = arith.constant 1 : i32
        %mul3A_66 = arith.muli %scan3A_64, %mul3A_65 : i32
        %add3A_67 = arith.constant 0 : i32
        %add3A_68 = arith.addi %add3A_67, %mul3A_66 : i32
        %mul3A_69 = arith.constant 2 : i32
        %mul3A_70 = arith.muli %add3A_68, %mul3A_69 : i32
        %add3A_71 = arith.constant 0 : i32
        %add3A_72 = arith.addi %mul3A_70, %add3A_71 : i32
        %dma_wait3A = arith.constant 0 : i32
        %dma_wait3A_73 = arith.constant 0 : i32
        %dma_wait3A_74 = tpu.memref_slice %arg9[%scan3A_56, %dma_wait3A, %dma_wait3A_73] : memref<2x128x128xf32, #tpu.memory_space<vmem>> -> memref<1x128x128xf32, #tpu.memory_space<vmem>>
        %dma_wait3A_75 = tpu.memref_squeeze %dma_wait3A_74 : memref<1x128x128xf32, #tpu.memory_space<vmem>> -> memref<128x128xf32, #tpu.memory_space<vmem>>
        %dma_wait3A_76 = arith.constant 0 : i32
        %dma_wait3A_77 = tpu.memref_slice %arg7[%scan3A, %dma_wait3A_76] : memref<16x128xi32, #tpu.memory_space<vmem>> -> memref<1x128xi32, #tpu.memory_space<vmem>>
        %dma_wait3A_78 = tpu.memref_squeeze %dma_wait3A_77 : memref<1x128xi32, #tpu.memory_space<vmem>> -> memref<128xi32, #tpu.memory_space<vmem>>
        %dma_wait3A_79 = arith.constant 0 : i32
        %dma_wait3A_80 = arith.constant 0 : i32
        %dma_wait3A_81 = tpu.memref_slice %arg4[%dma_wait3A_79, %dma_wait3A_80] : memref<10240x128xf32, #tpu.memory_space<hbm>> -> memref<10240x128xf32, #tpu.memory_space<hbm>>
        tpu.wait_indirect_dma semaphore(%arg11 : memref<!tpu.dma_semaphore, #tpu.memory_space<semaphore_mem>>) src(%dma_wait3A_81 : memref<10240x128xf32, #tpu.memory_space<hbm>>) dst(%dma_wait3A_75 : memref<128x128xf32, #tpu.memory_space<vmem>>)
        %run_scoped3A = arith.constant 0 : i32
        "tpu.region"() ({
          %run_scoped3A_108 = tpu.sem_alloc : memref<!tpu.dma_semaphore, #tpu.memory_space<semaphore_mem>>
          %dma_start3A_109 = arith.constant 0 : i32
          %dma_start3A_110 = arith.constant 0 : i32
          %dma_start3A_111 = tpu.memref_slice %arg9[%run_scoped3A, %dma_start3A_109, %dma_start3A_110] : memref<2x128x128xf32, #tpu.memory_space<vmem>> -> memref<1x128x128xf32, #tpu.memory_space<vmem>>
          %dma_start3A_112 = tpu.memref_squeeze %dma_start3A_111 : memref<1x128x128xf32, #tpu.memory_space<vmem>> -> memref<128x128xf32, #tpu.memory_space<vmem>>
          %dma_start3A_113 = arith.constant 0 : i32
          %dma_start3A_114 = tpu.memref_slice %arg8[%add3A_72, %dma_start3A_113] : memref<16x128xi32, #tpu.memory_space<vmem>> -> memref<1x128xi32, #tpu.memory_space<vmem>>
          %dma_start3A_115 = tpu.memref_squeeze %dma_start3A_114 : memref<1x128xi32, #tpu.memory_space<vmem>> -> memref<128xi32, #tpu.memory_space<vmem>>
          %dma_start3A_116 = arith.constant 0 : i32
          %dma_start3A_117 = arith.constant 0 : i32
          %dma_start3A_118 = tpu.memref_slice %arg10[%dma_start3A_116, %dma_start3A_117] : memref<10240x128xf32, #tpu.memory_space<vmem_shared>> -> memref<10240x128xf32, #tpu.memory_space<vmem_shared>>
          tpu.enqueue_indirect_dma source(%dma_start3A_112 : memref<128x128xf32, #tpu.memory_space<vmem>>) target(%dma_start3A_118 : memref<10240x128xf32, #tpu.memory_space<vmem_shared>>) offsets(%dma_start3A_115 : memref<128xi32, #tpu.memory_space<vmem>>) semaphore(%run_scoped3A_108 : memref<!tpu.dma_semaphore, #tpu.memory_space<semaphore_mem>>) {add = true}
          %dma_wait3A_119 = arith.constant 0 : i32
          %dma_wait3A_120 = arith.constant 0 : i32
          %dma_wait3A_121 = tpu.memref_slice %arg9[%run_scoped3A, %dma_wait3A_119, %dma_wait3A_120] : memref<2x128x128xf32, #tpu.memory_space<vmem>> -> memref<1x128x128xf32, #tpu.memory_space<vmem>>
          %dma_wait3A_122 = tpu.memref_squeeze %dma_wait3A_121 : memref<1x128x128xf32, #tpu.memory_space<vmem>> -> memref<128x128xf32, #tpu.memory_space<vmem>>
          %dma_wait3A_123 = arith.constant 0 : i32
          %dma_wait3A_124 = tpu.memref_slice %arg8[%add3A_72, %dma_wait3A_123] : memref<16x128xi32, #tpu.memory_space<vmem>> -> memref<1x128xi32, #tpu.memory_space<vmem>>
          %dma_wait3A_125 = tpu.memref_squeeze %dma_wait3A_124 : memref<1x128xi32, #tpu.memory_space<vmem>> -> memref<128xi32, #tpu.memory_space<vmem>>
          %dma_wait3A_126 = arith.constant 0 : i32
          %dma_wait3A_127 = arith.constant 0 : i32
          %dma_wait3A_128 = tpu.memref_slice %arg10[%dma_wait3A_126, %dma_wait3A_127] : memref<10240x128xf32, #tpu.memory_space<vmem_shared>> -> memref<10240x128xf32, #tpu.memory_space<vmem_shared>>
          tpu.wait_indirect_dma semaphore(%run_scoped3A_108 : memref<!tpu.dma_semaphore, #tpu.memory_space<semaphore_mem>>) src(%dma_wait3A_122 : memref<128x128xf32, #tpu.memory_space<vmem>>) dst(%dma_wait3A_128 : memref<10240x128xf32, #tpu.memory_space<vmem_shared>>)
          tpu.yield
        }) : () -> ()
        %add3A_82 = arith.constant 2 : i32
        %add3A_83 = arith.addi %add3A_72, %add3A_82 : i32
        %lt3A = arith.constant 16 : i32
        %lt3A_84 = arith.cmpi slt, %add3A_83, %lt3A : i32
        %convert_element_type3A = arith.extui %lt3A_84 : i1 to i32
        %cond3A = arith.constant 0 : i32
        %cond3A_85 = arith.cmpi ne, %convert_element_type3A, %cond3A : i32
        scf.if %cond3A_85 {
          %add3A_108 = arith.constant 2 : i32
          %add3A_109 = arith.addi %add3A_72, %add3A_108 : i32
          %dma_start3A_110 = arith.constant 0 : i32
          %dma_start3A_111 = arith.constant 0 : i32
          %dma_start3A_112 = arith.constant 0 : i32
          %dma_start3A_113 = tpu.memref_slice %arg9[%dma_start3A_110, %dma_start3A_111, %dma_start3A_112] : memref<2x128x128xf32, #tpu.memory_space<vmem>> -> memref<1x128x128xf32, #tpu.memory_space<vmem>>
          %dma_start3A_114 = tpu.memref_squeeze %dma_start3A_113 : memref<1x128x128xf32, #tpu.memory_space<vmem>> -> memref<128x128xf32, #tpu.memory_space<vmem>>
          %dma_start3A_115 = arith.constant 0 : i32
          %dma_start3A_116 = tpu.memref_slice %arg7[%add3A_109, %dma_start3A_115] : memref<16x128xi32, #tpu.memory_space<vmem>> -> memref<1x128xi32, #tpu.memory_space<vmem>>
          %dma_start3A_117 = tpu.memref_squeeze %dma_start3A_116 : memref<1x128xi32, #tpu.memory_space<vmem>> -> memref<128xi32, #tpu.memory_space<vmem>>
          %dma_start3A_118 = arith.constant 0 : i32
          %dma_start3A_119 = arith.constant 0 : i32
          %dma_start3A_120 = tpu.memref_slice %arg4[%dma_start3A_118, %dma_start3A_119] : memref<10240x128xf32, #tpu.memory_space<hbm>> -> memref<10240x128xf32, #tpu.memory_space<hbm>>
          tpu.enqueue_indirect_dma source(%dma_start3A_120 : memref<10240x128xf32, #tpu.memory_space<hbm>>) target(%dma_start3A_114 : memref<128x128xf32, #tpu.memory_space<vmem>>) offsets(%dma_start3A_117 : memref<128xi32, #tpu.memory_space<vmem>>) semaphore(%arg11 : memref<!tpu.dma_semaphore, #tpu.memory_space<semaphore_mem>>)
        } else {
        }
        %mul3A_86 = arith.constant 2 : i32
        %mul3A_87 = arith.muli %add3A_68, %mul3A_86 : i32
        %add3A_88 = arith.constant 1 : i32
        %add3A_89 = arith.addi %mul3A_87, %add3A_88 : i32
        %dma_wait3A_90 = arith.constant 0 : i32
        %dma_wait3A_91 = arith.constant 0 : i32
        %dma_wait3A_92 = tpu.memref_slice %arg9[%scan3A_58, %dma_wait3A_90, %dma_wait3A_91] : memref<2x128x128xf32, #tpu.memory_space<vmem>> -> memref<1x128x128xf32, #tpu.memory_space<vmem>>
        %dma_wait3A_93 = tpu.memref_squeeze %dma_wait3A_92 : memref<1x128x128xf32, #tpu.memory_space<vmem>> -> memref<128x128xf32, #tpu.memory_space<vmem>>
        %dma_wait3A_94 = arith.constant 0 : i32
        %dma_wait3A_95 = tpu.memref_slice %arg7[%scan3A_57, %dma_wait3A_94] : memref<16x128xi32, #tpu.memory_space<vmem>> -> memref<1x128xi32, #tpu.memory_space<vmem>>
        %dma_wait3A_96 = tpu.memref_squeeze %dma_wait3A_95 : memref<1x128xi32, #tpu.memory_space<vmem>> -> memref<128xi32, #tpu.memory_space<vmem>>
        %dma_wait3A_97 = arith.constant 0 : i32
        %dma_wait3A_98 = arith.constant 0 : i32
        %dma_wait3A_99 = tpu.memref_slice %arg4[%dma_wait3A_97, %dma_wait3A_98] : memref<10240x128xf32, #tpu.memory_space<hbm>> -> memref<10240x128xf32, #tpu.memory_space<hbm>>
        tpu.wait_indirect_dma semaphore(%arg12 : memref<!tpu.dma_semaphore, #tpu.memory_space<semaphore_mem>>) src(%dma_wait3A_99 : memref<10240x128xf32, #tpu.memory_space<hbm>>) dst(%dma_wait3A_93 : memref<128x128xf32, #tpu.memory_space<vmem>>)
        %run_scoped3A_100 = arith.constant 1 : i32
        "tpu.region"() ({
          %run_scoped3A_108 = tpu.sem_alloc : memref<!tpu.dma_semaphore, #tpu.memory_space<semaphore_mem>>
          %dma_start3A_109 = arith.constant 0 : i32
          %dma_start3A_110 = arith.constant 0 : i32
          %dma_start3A_111 = tpu.memref_slice %arg9[%run_scoped3A_100, %dma_start3A_109, %dma_start3A_110] : memref<2x128x128xf32, #tpu.memory_space<vmem>> -> memref<1x128x128xf32, #tpu.memory_space<vmem>>
          %dma_start3A_112 = tpu.memref_squeeze %dma_start3A_111 : memref<1x128x128xf32, #tpu.memory_space<vmem>> -> memref<128x128xf32, #tpu.memory_space<vmem>>
          %dma_start3A_113 = arith.constant 0 : i32
          %dma_start3A_114 = tpu.memref_slice %arg8[%add3A_89, %dma_start3A_113] : memref<16x128xi32, #tpu.memory_space<vmem>> -> memref<1x128xi32, #tpu.memory_space<vmem>>
          %dma_start3A_115 = tpu.memref_squeeze %dma_start3A_114 : memref<1x128xi32, #tpu.memory_space<vmem>> -> memref<128xi32, #tpu.memory_space<vmem>>
          %dma_start3A_116 = arith.constant 0 : i32
          %dma_start3A_117 = arith.constant 0 : i32
          %dma_start3A_118 = tpu.memref_slice %arg10[%dma_start3A_116, %dma_start3A_117] : memref<10240x128xf32, #tpu.memory_space<vmem_shared>> -> memref<10240x128xf32, #tpu.memory_space<vmem_shared>>
          tpu.enqueue_indirect_dma source(%dma_start3A_112 : memref<128x128xf32, #tpu.memory_space<vmem>>) target(%dma_start3A_118 : memref<10240x128xf32, #tpu.memory_space<vmem_shared>>) offsets(%dma_start3A_115 : memref<128xi32, #tpu.memory_space<vmem>>) semaphore(%run_scoped3A_108 : memref<!tpu.dma_semaphore, #tpu.memory_space<semaphore_mem>>) {add = true}
          %dma_wait3A_119 = arith.constant 0 : i32
          %dma_wait3A_120 = arith.constant 0 : i32
          %dma_wait3A_121 = tpu.memref_slice %arg9[%run_scoped3A_100, %dma_wait3A_119, %dma_wait3A_120] : memref<2x128x128xf32, #tpu.memory_space<vmem>> -> memref<1x128x128xf32, #tpu.memory_space<vmem>>
          %dma_wait3A_122 = tpu.memref_squeeze %dma_wait3A_121 : memref<1x128x128xf32, #tpu.memory_space<vmem>> -> memref<128x128xf32, #tpu.memory_space<vmem>>
          %dma_wait3A_123 = arith.constant 0 : i32
          %dma_wait3A_124 = tpu.memref_slice %arg8[%add3A_89, %dma_wait3A_123] : memref<16x128xi32, #tpu.memory_space<vmem>> -> memref<1x128xi32, #tpu.memory_space<vmem>>
          %dma_wait3A_125 = tpu.memref_squeeze %dma_wait3A_124 : memref<1x128xi32, #tpu.memory_space<vmem>> -> memref<128xi32, #tpu.memory_space<vmem>>
          %dma_wait3A_126 = arith.constant 0 : i32
          %dma_wait3A_127 = arith.constant 0 : i32
          %dma_wait3A_128 = tpu.memref_slice %arg10[%dma_wait3A_126, %dma_wait3A_127] : memref<10240x128xf32, #tpu.memory_space<vmem_shared>> -> memref<10240x128xf32, #tpu.memory_space<vmem_shared>>
          tpu.wait_indirect_dma semaphore(%run_scoped3A_108 : memref<!tpu.dma_semaphore, #tpu.memory_space<semaphore_mem>>) src(%dma_wait3A_122 : memref<128x128xf32, #tpu.memory_space<vmem>>) dst(%dma_wait3A_128 : memref<10240x128xf32, #tpu.memory_space<vmem_shared>>)
          tpu.yield
        }) : () -> ()
        %add3A_101 = arith.constant 2 : i32
        %add3A_102 = arith.addi %add3A_89, %add3A_101 : i32
        %lt3A_103 = arith.constant 16 : i32
        %lt3A_104 = arith.cmpi slt, %add3A_102, %lt3A_103 : i32
        %convert_element_type3A_105 = arith.extui %lt3A_104 : i1 to i32
        %cond3A_106 = arith.constant 0 : i32
        %cond3A_107 = arith.cmpi ne, %convert_element_type3A_105, %cond3A_106 : i32
        scf.if %cond3A_107 {
          %add3A_108 = arith.constant 2 : i32
          %add3A_109 = arith.addi %add3A_89, %add3A_108 : i32
          %dma_start3A_110 = arith.constant 1 : i32
          %dma_start3A_111 = arith.constant 0 : i32
          %dma_start3A_112 = arith.constant 0 : i32
          %dma_start3A_113 = tpu.memref_slice %arg9[%dma_start3A_110, %dma_start3A_111, %dma_start3A_112] : memref<2x128x128xf32, #tpu.memory_space<vmem>> -> memref<1x128x128xf32, #tpu.memory_space<vmem>>
          %dma_start3A_114 = tpu.memref_squeeze %dma_start3A_113 : memref<1x128x128xf32, #tpu.memory_space<vmem>> -> memref<128x128xf32, #tpu.memory_space<vmem>>
          %dma_start3A_115 = arith.constant 0 : i32
          %dma_start3A_116 = tpu.memref_slice %arg7[%add3A_109, %dma_start3A_115] : memref<16x128xi32, #tpu.memory_space<vmem>> -> memref<1x128xi32, #tpu.memory_space<vmem>>
          %dma_start3A_117 = tpu.memref_squeeze %dma_start3A_116 : memref<1x128xi32, #tpu.memory_space<vmem>> -> memref<128xi32, #tpu.memory_space<vmem>>
          %dma_start3A_118 = arith.constant 0 : i32
          %dma_start3A_119 = arith.constant 0 : i32
          %dma_start3A_120 = tpu.memref_slice %arg4[%dma_start3A_118, %dma_start3A_119] : memref<10240x128xf32, #tpu.memory_space<hbm>> -> memref<10240x128xf32, #tpu.memory_space<hbm>>
          tpu.enqueue_indirect_dma source(%dma_start3A_120 : memref<10240x128xf32, #tpu.memory_space<hbm>>) target(%dma_start3A_114 : memref<128x128xf32, #tpu.memory_space<vmem>>) offsets(%dma_start3A_117 : memref<128xi32, #tpu.memory_space<vmem>>) semaphore(%arg12 : memref<!tpu.dma_semaphore, #tpu.memory_space<semaphore_mem>>)
        } else {
        }
      }
      %scan3A_63 = arith.constant 8 : i32
    }
    %while3A_25 = arith.constant 1 : i32
    scf.for %while3A_27 = %while3A_23 to %while3A_19 step %while3A_25  : i32 {
      %mul3A_28 = arith.muli %while3A_27, %while3A : i32
      %add3A_29 = arith.addi %while3A_16, %mul3A_28 : i32
      %mul3A_30 = arith.constant 16 : i32
      %mul3A_31 = arith.muli %add3A_29, %mul3A_30 : i32
      %add3A_32 = arith.addi %add3A, %mul3A_31 : i32
      "tpu.region"() ({
        %run_scoped3A = tpu.sem_alloc : memref<!tpu.dma_semaphore, #tpu.memory_space<semaphore_mem>>
        %dma_start3A_64 = arith.constant 0 : i32
        %dma_start3A_65 = tpu.memref_slice %arg2[%add3A_32, %dma_start3A_64] : memref<2560x128xi32, #tpu.memory_space<hbm>> -> memref<16x128xi32, #tpu.memory_space<hbm>>
        %dma_start3A_66 = arith.constant 0 : i32
        %dma_start3A_67 = tpu.memref_slice %arg2[%add3A_32, %dma_start3A_66] : memref<2560x128xi32, #tpu.memory_space<hbm>> -> memref<16x128xi32, #tpu.memory_space<hbm>>
        tpu.enqueue_dma source(%dma_start3A_67 : memref<16x128xi32, #tpu.memory_space<hbm>>) target(%arg7 : memref<16x128xi32, #tpu.memory_space<vmem>>) target_semaphore(%run_scoped3A : memref<!tpu.dma_semaphore, #tpu.memory_space<semaphore_mem>>)
        %dma_wait3A = arith.constant 0 : i32
        %dma_wait3A_68 = tpu.memref_slice %arg2[%add3A_32, %dma_wait3A] : memref<2560x128xi32, #tpu.memory_space<hbm>> -> memref<16x128xi32, #tpu.memory_space<hbm>>
        %dma_wait3A_69 = arith.constant 0 : i32
        %dma_wait3A_70 = tpu.memref_slice %arg2[%add3A_32, %dma_wait3A_69] : memref<2560x128xi32, #tpu.memory_space<hbm>> -> memref<16x128xi32, #tpu.memory_space<hbm>>
        tpu.wait_dma2 semaphore(%run_scoped3A : memref<!tpu.dma_semaphore, #tpu.memory_space<semaphore_mem>>) src(%dma_wait3A_70 : memref<16x128xi32, #tpu.memory_space<hbm>>) dst(%arg7 : memref<16x128xi32, #tpu.memory_space<vmem>>)
        tpu.yield
      }) : () -> ()
      "tpu.region"() ({
        %run_scoped3A = tpu.sem_alloc : memref<!tpu.dma_semaphore, #tpu.memory_space<semaphore_mem>>
        %dma_start3A_64 = arith.constant 0 : i32
        %dma_start3A_65 = tpu.memref_slice %arg3[%add3A_32, %dma_start3A_64] : memref<2560x128xi32, #tpu.memory_space<hbm>> -> memref<16x128xi32, #tpu.memory_space<hbm>>
        %dma_start3A_66 = arith.constant 0 : i32
        %dma_start3A_67 = tpu.memref_slice %arg3[%add3A_32, %dma_start3A_66] : memref<2560x128xi32, #tpu.memory_space<hbm>> -> memref<16x128xi32, #tpu.memory_space<hbm>>
        tpu.enqueue_dma source(%dma_start3A_67 : memref<16x128xi32, #tpu.memory_space<hbm>>) target(%arg8 : memref<16x128xi32, #tpu.memory_space<vmem>>) target_semaphore(%run_scoped3A : memref<!tpu.dma_semaphore, #tpu.memory_space<semaphore_mem>>)
        %dma_wait3A = arith.constant 0 : i32
        %dma_wait3A_68 = tpu.memref_slice %arg3[%add3A_32, %dma_wait3A] : memref<2560x128xi32, #tpu.memory_space<hbm>> -> memref<16x128xi32, #tpu.memory_space<hbm>>
        %dma_wait3A_69 = arith.constant 0 : i32
        %dma_wait3A_70 = tpu.memref_slice %arg3[%add3A_32, %dma_wait3A_69] : memref<2560x128xi32, #tpu.memory_space<hbm>> -> memref<16x128xi32, #tpu.memory_space<hbm>>
        tpu.wait_dma2 semaphore(%run_scoped3A : memref<!tpu.dma_semaphore, #tpu.memory_space<semaphore_mem>>) src(%dma_wait3A_70 : memref<16x128xi32, #tpu.memory_space<hbm>>) dst(%arg8 : memref<16x128xi32, #tpu.memory_space<vmem>>)
        tpu.yield
      }) : () -> ()
      %dma_start3A = arith.constant 0 : i32
      %dma_start3A_33 = arith.constant 0 : i32
      %dma_start3A_34 = arith.constant 0 : i32
      %dma_start3A_35 = arith.constant 0 : i32
      %dma_start3A_36 = tpu.memref_slice %arg9[%dma_start3A_33, %dma_start3A_34, %dma_start3A_35] : memref<2x128x128xf32, #tpu.memory_space<vmem>> -> memref<1x128x128xf32, #tpu.memory_space<vmem>>
      %dma_start3A_37 = tpu.memref_squeeze %dma_start3A_36 : memref<1x128x128xf32, #tpu.memory_space<vmem>> -> memref<128x128xf32, #tpu.memory_space<vmem>>
      %dma_start3A_38 = arith.constant 0 : i32
      %dma_start3A_39 = tpu.memref_slice %arg7[%dma_start3A, %dma_start3A_38] : memref<16x128xi32, #tpu.memory_space<vmem>> -> memref<1x128xi32, #tpu.memory_space<vmem>>
      %dma_start3A_40 = tpu.memref_squeeze %dma_start3A_39 : memref<1x128xi32, #tpu.memory_space<vmem>> -> memref<128xi32, #tpu.memory_space<vmem>>
      %dma_start3A_41 = arith.constant 0 : i32
      %dma_start3A_42 = arith.constant 0 : i32
      %dma_start3A_43 = tpu.memref_slice %arg4[%dma_start3A_41, %dma_start3A_42] : memref<10240x128xf32, #tpu.memory_space<hbm>> -> memref<10240x128xf32, #tpu.memory_space<hbm>>
      tpu.enqueue_indirect_dma source(%dma_start3A_43 : memref<10240x128xf32, #tpu.memory_space<hbm>>) target(%dma_start3A_37 : memref<128x128xf32, #tpu.memory_space<vmem>>) offsets(%dma_start3A_40 : memref<128xi32, #tpu.memory_space<vmem>>) semaphore(%arg11 : memref<!tpu.dma_semaphore, #tpu.memory_space<semaphore_mem>>)
      %dma_start3A_44 = arith.constant 1 : i32
      %dma_start3A_45 = arith.constant 1 : i32
      %dma_start3A_46 = arith.constant 0 : i32
      %dma_start3A_47 = arith.constant 0 : i32
      %dma_start3A_48 = tpu.memref_slice %arg9[%dma_start3A_45, %dma_start3A_46, %dma_start3A_47] : memref<2x128x128xf32, #tpu.memory_space<vmem>> -> memref<1x128x128xf32, #tpu.memory_space<vmem>>
      %dma_start3A_49 = tpu.memref_squeeze %dma_start3A_48 : memref<1x128x128xf32, #tpu.memory_space<vmem>> -> memref<128x128xf32, #tpu.memory_space<vmem>>
      %dma_start3A_50 = arith.constant 0 : i32
      %dma_start3A_51 = tpu.memref_slice %arg7[%dma_start3A_44, %dma_start3A_50] : memref<16x128xi32, #tpu.memory_space<vmem>> -> memref<1x128xi32, #tpu.memory_space<vmem>>
      %dma_start3A_52 = tpu.memref_squeeze %dma_start3A_51 : memref<1x128xi32, #tpu.memory_space<vmem>> -> memref<128xi32, #tpu.memory_space<vmem>>
      %dma_start3A_53 = arith.constant 0 : i32
      %dma_start3A_54 = arith.constant 0 : i32
      %dma_start3A_55 = tpu.memref_slice %arg4[%dma_start3A_53, %dma_start3A_54] : memref<10240x128xf32, #tpu.memory_space<hbm>> -> memref<10240x128xf32, #tpu.memory_space<hbm>>
      tpu.enqueue_indirect_dma source(%dma_start3A_55 : memref<10240x128xf32, #tpu.memory_space<hbm>>) target(%dma_start3A_49 : memref<128x128xf32, #tpu.memory_space<vmem>>) offsets(%dma_start3A_52 : memref<128xi32, #tpu.memory_space<vmem>>) semaphore(%arg12 : memref<!tpu.dma_semaphore, #tpu.memory_space<semaphore_mem>>)
      %scan3A = arith.constant 0 : i32
      %scan3A_56 = arith.constant 0 : i32
      %scan3A_57 = arith.constant 1 : i32
      %scan3A_58 = arith.constant 1 : i32
      %scan3A_59 = arith.constant 0 : i32
      %scan3A_60 = arith.constant 8 : i32
      %scan3A_61 = arith.addi %scan3A_59, %scan3A_60 : i32
      %scan3A_62 = arith.constant 1 : i32
      scf.for %scan3A_64 = %scan3A_59 to %scan3A_61 step %scan3A_62  : i32 {
        %mul3A_65 = arith.constant 1 : i32
        %mul3A_66 = arith.muli %scan3A_64, %mul3A_65 : i32
        %add3A_67 = arith.constant 0 : i32
        %add3A_68 = arith.addi %add3A_67, %mul3A_66 : i32
        %mul3A_69 = arith.constant 2 : i32
        %mul3A_70 = arith.muli %add3A_68, %mul3A_69 : i32
        %add3A_71 = arith.constant 0 : i32
        %add3A_72 = arith.addi %mul3A_70, %add3A_71 : i32
        %dma_wait3A = arith.constant 0 : i32
        %dma_wait3A_73 = arith.constant 0 : i32
        %dma_wait3A_74 = tpu.memref_slice %arg9[%scan3A_56, %dma_wait3A, %dma_wait3A_73] : memref<2x128x128xf32, #tpu.memory_space<vmem>> -> memref<1x128x128xf32, #tpu.memory_space<vmem>>
        %dma_wait3A_75 = tpu.memref_squeeze %dma_wait3A_74 : memref<1x128x128xf32, #tpu.memory_space<vmem>> -> memref<128x128xf32, #tpu.memory_space<vmem>>
        %dma_wait3A_76 = arith.constant 0 : i32
        %dma_wait3A_77 = tpu.memref_slice %arg7[%scan3A, %dma_wait3A_76] : memref<16x128xi32, #tpu.memory_space<vmem>> -> memref<1x128xi32, #tpu.memory_space<vmem>>
        %dma_wait3A_78 = tpu.memref_squeeze %dma_wait3A_77 : memref<1x128xi32, #tpu.memory_space<vmem>> -> memref<128xi32, #tpu.memory_space<vmem>>
        %dma_wait3A_79 = arith.constant 0 : i32
        %dma_wait3A_80 = arith.constant 0 : i32
        %dma_wait3A_81 = tpu.memref_slice %arg4[%dma_wait3A_79, %dma_wait3A_80] : memref<10240x128xf32, #tpu.memory_space<hbm>> -> memref<10240x128xf32, #tpu.memory_space<hbm>>
        tpu.wait_indirect_dma semaphore(%arg11 : memref<!tpu.dma_semaphore, #tpu.memory_space<semaphore_mem>>) src(%dma_wait3A_81 : memref<10240x128xf32, #tpu.memory_space<hbm>>) dst(%dma_wait3A_75 : memref<128x128xf32, #tpu.memory_space<vmem>>)
        %run_scoped3A = arith.constant 0 : i32
        "tpu.region"() ({
          %run_scoped3A_108 = tpu.sem_alloc : memref<!tpu.dma_semaphore, #tpu.memory_space<semaphore_mem>>
          %dma_start3A_109 = arith.constant 0 : i32
          %dma_start3A_110 = arith.constant 0 : i32
          %dma_start3A_111 = tpu.memref_slice %arg9[%run_scoped3A, %dma_start3A_109, %dma_start3A_110] : memref<2x128x128xf32, #tpu.memory_space<vmem>> -> memref<1x128x128xf32, #tpu.memory_space<vmem>>
          %dma_start3A_112 = tpu.memref_squeeze %dma_start3A_111 : memref<1x128x128xf32, #tpu.memory_space<vmem>> -> memref<128x128xf32, #tpu.memory_space<vmem>>
          %dma_start3A_113 = arith.constant 0 : i32
          %dma_start3A_114 = tpu.memref_slice %arg8[%add3A_72, %dma_start3A_113] : memref<16x128xi32, #tpu.memory_space<vmem>> -> memref<1x128xi32, #tpu.memory_space<vmem>>
          %dma_start3A_115 = tpu.memref_squeeze %dma_start3A_114 : memref<1x128xi32, #tpu.memory_space<vmem>> -> memref<128xi32, #tpu.memory_space<vmem>>
          %dma_start3A_116 = arith.constant 0 : i32
          %dma_start3A_117 = arith.constant 0 : i32
          %dma_start3A_118 = tpu.memref_slice %arg10[%dma_start3A_116, %dma_start3A_117] : memref<10240x128xf32, #tpu.memory_space<vmem_shared>> -> memref<10240x128xf32, #tpu.memory_space<vmem_shared>>
          tpu.enqueue_indirect_dma source(%dma_start3A_112 : memref<128x128xf32, #tpu.memory_space<vmem>>) target(%dma_start3A_118 : memref<10240x128xf32, #tpu.memory_space<vmem_shared>>) offsets(%dma_start3A_115 : memref<128xi32, #tpu.memory_space<vmem>>) semaphore(%run_scoped3A_108 : memref<!tpu.dma_semaphore, #tpu.memory_space<semaphore_mem>>) {add = true}
          %dma_wait3A_119 = arith.constant 0 : i32
          %dma_wait3A_120 = arith.constant 0 : i32
          %dma_wait3A_121 = tpu.memref_slice %arg9[%run_scoped3A, %dma_wait3A_119, %dma_wait3A_120] : memref<2x128x128xf32, #tpu.memory_space<vmem>> -> memref<1x128x128xf32, #tpu.memory_space<vmem>>
          %dma_wait3A_122 = tpu.memref_squeeze %dma_wait3A_121 : memref<1x128x128xf32, #tpu.memory_space<vmem>> -> memref<128x128xf32, #tpu.memory_space<vmem>>
          %dma_wait3A_123 = arith.constant 0 : i32
          %dma_wait3A_124 = tpu.memref_slice %arg8[%add3A_72, %dma_wait3A_123] : memref<16x128xi32, #tpu.memory_space<vmem>> -> memref<1x128xi32, #tpu.memory_space<vmem>>
          %dma_wait3A_125 = tpu.memref_squeeze %dma_wait3A_124 : memref<1x128xi32, #tpu.memory_space<vmem>> -> memref<128xi32, #tpu.memory_space<vmem>>
          %dma_wait3A_126 = arith.constant 0 : i32
          %dma_wait3A_127 = arith.constant 0 : i32
          %dma_wait3A_128 = tpu.memref_slice %arg10[%dma_wait3A_126, %dma_wait3A_127] : memref<10240x128xf32, #tpu.memory_space<vmem_shared>> -> memref<10240x128xf32, #tpu.memory_space<vmem_shared>>
          tpu.wait_indirect_dma semaphore(%run_scoped3A_108 : memref<!tpu.dma_semaphore, #tpu.memory_space<semaphore_mem>>) src(%dma_wait3A_122 : memref<128x128xf32, #tpu.memory_space<vmem>>) dst(%dma_wait3A_128 : memref<10240x128xf32, #tpu.memory_space<vmem_shared>>)
          tpu.yield
        }) : () -> ()
        %add3A_82 = arith.constant 2 : i32
        %add3A_83 = arith.addi %add3A_72, %add3A_82 : i32
        %lt3A = arith.constant 16 : i32
        %lt3A_84 = arith.cmpi slt, %add3A_83, %lt3A : i32
        %convert_element_type3A = arith.extui %lt3A_84 : i1 to i32
        %cond3A = arith.constant 0 : i32
        %cond3A_85 = arith.cmpi ne, %convert_element_type3A, %cond3A : i32
        scf.if %cond3A_85 {
          %add3A_108 = arith.constant 2 : i32
          %add3A_109 = arith.addi %add3A_72, %add3A_108 : i32
          %dma_start3A_110 = arith.constant 0 : i32
          %dma_start3A_111 = arith.constant 0 : i32
          %dma_start3A_112 = arith.constant 0 : i32
          %dma_start3A_113 = tpu.memref_slice %arg9[%dma_start3A_110, %dma_start3A_111, %dma_start3A_112] : memref<2x128x128xf32, #tpu.memory_space<vmem>> -> memref<1x128x128xf32, #tpu.memory_space<vmem>>
          %dma_start3A_114 = tpu.memref_squeeze %dma_start3A_113 : memref<1x128x128xf32, #tpu.memory_space<vmem>> -> memref<128x128xf32, #tpu.memory_space<vmem>>
          %dma_start3A_115 = arith.constant 0 : i32
          %dma_start3A_116 = tpu.memref_slice %arg7[%add3A_109, %dma_start3A_115] : memref<16x128xi32, #tpu.memory_space<vmem>> -> memref<1x128xi32, #tpu.memory_space<vmem>>
          %dma_start3A_117 = tpu.memref_squeeze %dma_start3A_116 : memref<1x128xi32, #tpu.memory_space<vmem>> -> memref<128xi32, #tpu.memory_space<vmem>>
          %dma_start3A_118 = arith.constant 0 : i32
          %dma_start3A_119 = arith.constant 0 : i32
          %dma_start3A_120 = tpu.memref_slice %arg4[%dma_start3A_118, %dma_start3A_119] : memref<10240x128xf32, #tpu.memory_space<hbm>> -> memref<10240x128xf32, #tpu.memory_space<hbm>>
          tpu.enqueue_indirect_dma source(%dma_start3A_120 : memref<10240x128xf32, #tpu.memory_space<hbm>>) target(%dma_start3A_114 : memref<128x128xf32, #tpu.memory_space<vmem>>) offsets(%dma_start3A_117 : memref<128xi32, #tpu.memory_space<vmem>>) semaphore(%arg11 : memref<!tpu.dma_semaphore, #tpu.memory_space<semaphore_mem>>)
        } else {
        }
        %mul3A_86 = arith.constant 2 : i32
        %mul3A_87 = arith.muli %add3A_68, %mul3A_86 : i32
        %add3A_88 = arith.constant 1 : i32
        %add3A_89 = arith.addi %mul3A_87, %add3A_88 : i32
        %dma_wait3A_90 = arith.constant 0 : i32
        %dma_wait3A_91 = arith.constant 0 : i32
        %dma_wait3A_92 = tpu.memref_slice %arg9[%scan3A_58, %dma_wait3A_90, %dma_wait3A_91] : memref<2x128x128xf32, #tpu.memory_space<vmem>> -> memref<1x128x128xf32, #tpu.memory_space<vmem>>
        %dma_wait3A_93 = tpu.memref_squeeze %dma_wait3A_92 : memref<1x128x128xf32, #tpu.memory_space<vmem>> -> memref<128x128xf32, #tpu.memory_space<vmem>>
        %dma_wait3A_94 = arith.constant 0 : i32
        %dma_wait3A_95 = tpu.memref_slice %arg7[%scan3A_57, %dma_wait3A_94] : memref<16x128xi32, #tpu.memory_space<vmem>> -> memref<1x128xi32, #tpu.memory_space<vmem>>
        %dma_wait3A_96 = tpu.memref_squeeze %dma_wait3A_95 : memref<1x128xi32, #tpu.memory_space<vmem>> -> memref<128xi32, #tpu.memory_space<vmem>>
        %dma_wait3A_97 = arith.constant 0 : i32
        %dma_wait3A_98 = arith.constant 0 : i32
        %dma_wait3A_99 = tpu.memref_slice %arg4[%dma_wait3A_97, %dma_wait3A_98] : memref<10240x128xf32, #tpu.memory_space<hbm>> -> memref<10240x128xf32, #tpu.memory_space<hbm>>
        tpu.wait_indirect_dma semaphore(%arg12 : memref<!tpu.dma_semaphore, #tpu.memory_space<semaphore_mem>>) src(%dma_wait3A_99 : memref<10240x128xf32, #tpu.memory_space<hbm>>) dst(%dma_wait3A_93 : memref<128x128xf32, #tpu.memory_space<vmem>>)
        %run_scoped3A_100 = arith.constant 1 : i32
        "tpu.region"() ({
          %run_scoped3A_108 = tpu.sem_alloc : memref<!tpu.dma_semaphore, #tpu.memory_space<semaphore_mem>>
          %dma_start3A_109 = arith.constant 0 : i32
          %dma_start3A_110 = arith.constant 0 : i32
          %dma_start3A_111 = tpu.memref_slice %arg9[%run_scoped3A_100, %dma_start3A_109, %dma_start3A_110] : memref<2x128x128xf32, #tpu.memory_space<vmem>> -> memref<1x128x128xf32, #tpu.memory_space<vmem>>
          %dma_start3A_112 = tpu.memref_squeeze %dma_start3A_111 : memref<1x128x128xf32, #tpu.memory_space<vmem>> -> memref<128x128xf32, #tpu.memory_space<vmem>>
          %dma_start3A_113 = arith.constant 0 : i32
          %dma_start3A_114 = tpu.memref_slice %arg8[%add3A_89, %dma_start3A_113] : memref<16x128xi32, #tpu.memory_space<vmem>> -> memref<1x128xi32, #tpu.memory_space<vmem>>
          %dma_start3A_115 = tpu.memref_squeeze %dma_start3A_114 : memref<1x128xi32, #tpu.memory_space<vmem>> -> memref<128xi32, #tpu.memory_space<vmem>>
          %dma_start3A_116 = arith.constant 0 : i32
          %dma_start3A_117 = arith.constant 0 : i32
          %dma_start3A_118 = tpu.memref_slice %arg10[%dma_start3A_116, %dma_start3A_117] : memref<10240x128xf32, #tpu.memory_space<vmem_shared>> -> memref<10240x128xf32, #tpu.memory_space<vmem_shared>>
          tpu.enqueue_indirect_dma source(%dma_start3A_112 : memref<128x128xf32, #tpu.memory_space<vmem>>) target(%dma_start3A_118 : memref<10240x128xf32, #tpu.memory_space<vmem_shared>>) offsets(%dma_start3A_115 : memref<128xi32, #tpu.memory_space<vmem>>) semaphore(%run_scoped3A_108 : memref<!tpu.dma_semaphore, #tpu.memory_space<semaphore_mem>>) {add = true}
          %dma_wait3A_119 = arith.constant 0 : i32
          %dma_wait3A_120 = arith.constant 0 : i32
          %dma_wait3A_121 = tpu.memref_slice %arg9[%run_scoped3A_100, %dma_wait3A_119, %dma_wait3A_120] : memref<2x128x128xf32, #tpu.memory_space<vmem>> -> memref<1x128x128xf32, #tpu.memory_space<vmem>>
          %dma_wait3A_122 = tpu.memref_squeeze %dma_wait3A_121 : memref<1x128x128xf32, #tpu.memory_space<vmem>> -> memref<128x128xf32, #tpu.memory_space<vmem>>
          %dma_wait3A_123 = arith.constant 0 : i32
          %dma_wait3A_124 = tpu.memref_slice %arg8[%add3A_89, %dma_wait3A_123] : memref<16x128xi32, #tpu.memory_space<vmem>> -> memref<1x128xi32, #tpu.memory_space<vmem>>
          %dma_wait3A_125 = tpu.memref_squeeze %dma_wait3A_124 : memref<1x128xi32, #tpu.memory_space<vmem>> -> memref<128xi32, #tpu.memory_space<vmem>>
          %dma_wait3A_126 = arith.constant 0 : i32
          %dma_wait3A_127 = arith.constant 0 : i32
          %dma_wait3A_128 = tpu.memref_slice %arg10[%dma_wait3A_126, %dma_wait3A_127] : memref<10240x128xf32, #tpu.memory_space<vmem_shared>> -> memref<10240x128xf32, #tpu.memory_space<vmem_shared>>
          tpu.wait_indirect_dma semaphore(%run_scoped3A_108 : memref<!tpu.dma_semaphore, #tpu.memory_space<semaphore_mem>>) src(%dma_wait3A_122 : memref<128x128xf32, #tpu.memory_space<vmem>>) dst(%dma_wait3A_128 : memref<10240x128xf32, #tpu.memory_space<vmem_shared>>)
          tpu.yield
        }) : () -> ()
        %add3A_101 = arith.constant 2 : i32
        %add3A_102 = arith.addi %add3A_89, %add3A_101 : i32
        %lt3A_103 = arith.constant 16 : i32
        %lt3A_104 = arith.cmpi slt, %add3A_102, %lt3A_103 : i32
        %convert_element_type3A_105 = arith.extui %lt3A_104 : i1 to i32
        %cond3A_106 = arith.constant 0 : i32
        %cond3A_107 = arith.cmpi ne, %convert_element_type3A_105, %cond3A_106 : i32
        scf.if %cond3A_107 {
          %add3A_108 = arith.constant 2 : i32
          %add3A_109 = arith.addi %add3A_89, %add3A_108 : i32
          %dma_start3A_110 = arith.constant 1 : i32
          %dma_start3A_111 = arith.constant 0 : i32
          %dma_start3A_112 = arith.constant 0 : i32
          %dma_start3A_113 = tpu.memref_slice %arg9[%dma_start3A_110, %dma_start3A_111, %dma_start3A_112] : memref<2x128x128xf32, #tpu.memory_space<vmem>> -> memref<1x128x128xf32, #tpu.memory_space<vmem>>
          %dma_start3A_114 = tpu.memref_squeeze %dma_start3A_113 : memref<1x128x128xf32, #tpu.memory_space<vmem>> -> memref<128x128xf32, #tpu.memory_space<vmem>>
          %dma_start3A_115 = arith.constant 0 : i32
          %dma_start3A_116 = tpu.memref_slice %arg7[%add3A_109, %dma_start3A_115] : memref<16x128xi32, #tpu.memory_space<vmem>> -> memref<1x128xi32, #tpu.memory_space<vmem>>
          %dma_start3A_117 = tpu.memref_squeeze %dma_start3A_116 : memref<1x128xi32, #tpu.memory_space<vmem>> -> memref<128xi32, #tpu.memory_space<vmem>>
          %dma_start3A_118 = arith.constant 0 : i32
          %dma_start3A_119 = arith.constant 0 : i32
          %dma_start3A_120 = tpu.memref_slice %arg4[%dma_start3A_118, %dma_start3A_119] : memref<10240x128xf32, #tpu.memory_space<hbm>> -> memref<10240x128xf32, #tpu.memory_space<hbm>>
          tpu.enqueue_indirect_dma source(%dma_start3A_120 : memref<10240x128xf32, #tpu.memory_space<hbm>>) target(%dma_start3A_114 : memref<128x128xf32, #tpu.memory_space<vmem>>) offsets(%dma_start3A_117 : memref<128xi32, #tpu.memory_space<vmem>>) semaphore(%arg12 : memref<!tpu.dma_semaphore, #tpu.memory_space<semaphore_mem>>)
        } else {
        }
      }
      %scan3A_63 = arith.constant 8 : i32
    }
    %barrier3A_26 = arith.constant 0 : index
    tpu.barrier barrier_id(%barrier3A_26)
    "tpu.region"() ({
      %run_scoped3A = tpu.sem_alloc : memref<!tpu.dma_semaphore, #tpu.memory_space<semaphore_mem>>
      %dma_start3A = arith.constant 0 : i32
      %dma_start3A_27 = tpu.memref_slice %arg6[%arg0, %mul3A_0, %dma_start3A] : memref<2x10240x128xf32, #tpu.memory_space<hbm>> -> memref<1x640x128xf32, #tpu.memory_space<hbm>>
      %dma_start3A_28 = tpu.memref_squeeze %dma_start3A_27 : memref<1x640x128xf32, #tpu.memory_space<hbm>> -> memref<640x128xf32, #tpu.memory_space<hbm>>
      %dma_start3A_29 = arith.constant 0 : i32
      %dma_start3A_30 = tpu.memref_slice %arg10[%mul3A_0, %dma_start3A_29] : memref<10240x128xf32, #tpu.memory_space<vmem_shared>> -> memref<640x128xf32, #tpu.memory_space<vmem_shared>>
      tpu.enqueue_dma source(%dma_start3A_30 : memref<640x128xf32, #tpu.memory_space<vmem_shared>>) target(%dma_start3A_28 : memref<640x128xf32, #tpu.memory_space<hbm>>) target_semaphore(%run_scoped3A : memref<!tpu.dma_semaphore, #tpu.memory_space<semaphore_mem>>)
      %dma_wait3A = arith.constant 0 : i32
      %dma_wait3A_31 = tpu.memref_slice %arg6[%arg0, %mul3A_0, %dma_wait3A] : memref<2x10240x128xf32, #tpu.memory_space<hbm>> -> memref<1x640x128xf32, #tpu.memory_space<hbm>>
      %dma_wait3A_32 = tpu.memref_squeeze %dma_wait3A_31 : memref<1x640x128xf32, #tpu.memory_space<hbm>> -> memref<640x128xf32, #tpu.memory_space<hbm>>
      %dma_wait3A_33 = arith.constant 0 : i32
      %dma_wait3A_34 = tpu.memref_slice %arg10[%mul3A_0, %dma_wait3A_33] : memref<10240x128xf32, #tpu.memory_space<vmem_shared>> -> memref<640x128xf32, #tpu.memory_space<vmem_shared>>
      tpu.wait_dma2 semaphore(%run_scoped3A : memref<!tpu.dma_semaphore, #tpu.memory_space<semaphore_mem>>) src(%dma_wait3A_34 : memref<640x128xf32, #tpu.memory_space<vmem_shared>>) dst(%dma_wait3A_32 : memref<640x128xf32, #tpu.memory_space<hbm>>)
      tpu.yield
    }) : () -> ()
    return
  }
}

module attributes {stable_mosaic.version = 14 : i64} {
  func.func @_bc_body(%arg0: i32, %arg1: memref<16x128xi32, #tpu.memory_space<vmem>>, %arg2: memref<16x128xi32, #tpu.memory_space<vmem>>, %arg3: memref<64x256xf32, #tpu.memory_space<vmem>>, %arg4: memref<64x256xf32, #tpu.memory_space<vmem>>) attributes {dimension_semantics = [#tpu.dimension_semantics<arbitrary>], iteration_bounds = array<i64: 160>, scalar_prefetch = 0 : i64, scratch_operands = 0 : i64, tpu.core_type = #tpu.core_type<tc>, window_params = [{transform_indices = @transform_0, window_bounds = array<i64: 16, 128>}, {transform_indices = @transform_1, window_bounds = array<i64: 16, 128>}, {pipeline_mode = #tpu.pipeline_mode<synchronous>, transform_indices = @transform_2, window_bounds = array<i64: 64, 256>}, {pipeline_mode = #tpu.pipeline_mode<synchronous>, transform_indices = @transform_3, window_bounds = array<i64: 64, 256>}]} {
    %eq3A = arith.constant 0 : i32
    %eq3A_0 = arith.cmpi eq, %arg0, %eq3A : i32
    %convert_element_type3A = arith.extui %eq3A_0 : i1 to i32
    %cond3A = arith.constant 0 : i32
    %cond3A_1 = arith.cmpi ne, %convert_element_type3A, %cond3A : i32
    scf.if %cond3A_1 {
      %broadcast_in_dim3A = arith.constant 0.000000e+00 : f32
      %broadcast_in_dim3A_837 = vector.broadcast %broadcast_in_dim3A : f32 to vector<64x256xf32>
      %swap3A_838 = arith.constant 0 : index
      %swap3A_839 = arith.constant 0 : index
      %swap3A_840 = vector.load %arg3[%swap3A_838, %swap3A_839] : memref<64x256xf32, #tpu.memory_space<vmem>>, vector<64x256xf32>
      tpu.vector_store %arg3[%swap3A_838, %swap3A_839], %broadcast_in_dim3A_837 {strides = array<i32>} : memref<64x256xf32, #tpu.memory_space<vmem>>, vector<64x256xf32>,
      %broadcast_in_dim3A_841 = arith.constant 0.000000e+00 : f32
      %broadcast_in_dim3A_842 = vector.broadcast %broadcast_in_dim3A_841 : f32 to vector<64x256xf32>
      %swap3A_843 = arith.constant 0 : index
      %swap3A_844 = arith.constant 0 : index
      %swap3A_845 = vector.load %arg4[%swap3A_843, %swap3A_844] : memref<64x256xf32, #tpu.memory_space<vmem>>, vector<64x256xf32>
      tpu.vector_store %arg4[%swap3A_843, %swap3A_844], %broadcast_in_dim3A_842 {strides = array<i32>} : memref<64x256xf32, #tpu.memory_space<vmem>>, vector<64x256xf32>,
    } else {
    }
    %get3A = arith.constant 0 : index
    %get3A_2 = arith.constant 0 : index
    %get3A_3 = vector.load %arg1[%get3A, %get3A_2] : memref<16x128xi32, #tpu.memory_space<vmem>>, vector<16x128xi32>
    %transpose3A = tpu.transpose %get3A_3, [1, 0] : vector<16x128xi32> -> vector<128x16xi32>
    %iota3A = tpu.iota {dimensions = array<i32: 1>} : vector<128x64xi32>
    %iota3A_4 = tpu.iota {dimensions = array<i32: 1>} : vector<128x256xi32>
    %slice3A = vector.extract_strided_slice %transpose3A {offsets = [0, 0], sizes = [128, 1], strides = [1, 1]} : vector<128x16xi32> to vector<128x1xi32>
    %shift_right_arithmetic3A = arith.constant 8 : i32
    %shift_right_arithmetic3A_5 = vector.broadcast %shift_right_arithmetic3A : i32 to vector<128x1xi32>
    %shift_right_arithmetic3A_6 = arith.shrsi %slice3A, %shift_right_arithmetic3A_5 : vector<128x1xi32>
    %eq3A_7 = vector.broadcast %shift_right_arithmetic3A_6 : vector<128x1xi32> to vector<128x64xi32>
    %eq3A_8 = arith.cmpi eq, %iota3A, %eq3A_7 : vector<128x64xi32>
    %convert_element_type3A_9 = arith.extui %eq3A_8 : vector<128x64xi1> to vector<128x64xi32>
    %convert_element_type3A_10 = arith.sitofp %convert_element_type3A_9 : vector<128x64xi32> to vector<128x64xf32>
    %convert_element_type3A_11 = arith.truncf %convert_element_type3A_10 : vector<128x64xf32> to vector<128x64xbf16>
    %and3A = arith.constant 255 : i32
    %and3A_12 = vector.broadcast %and3A : i32 to vector<128x1xi32>
    %and3A_13 = arith.andi %slice3A, %and3A_12 : vector<128x1xi32>
    %eq3A_14 = vector.broadcast %and3A_13 : vector<128x1xi32> to vector<128x256xi32>
    %eq3A_15 = arith.cmpi eq, %iota3A_4, %eq3A_14 : vector<128x256xi32>
    %convert_element_type3A_16 = arith.extui %eq3A_15 : vector<128x256xi1> to vector<128x256xi32>
    %convert_element_type3A_17 = arith.sitofp %convert_element_type3A_16 : vector<128x256xi32> to vector<128x256xf32>
    %convert_element_type3A_18 = arith.truncf %convert_element_type3A_17 : vector<128x256xf32> to vector<128x256xbf16>
    %get3A_19 = arith.constant 0 : index
    %get3A_20 = arith.constant 0 : index
    %get3A_21 = vector.load %arg3[%get3A_19, %get3A_20] : memref<64x256xf32, #tpu.memory_space<vmem>>, vector<64x256xf32>
    %dot_general3A = arith.constant dense<0.000000e+00> : vector<64x256xf32>
    %dot_general3A_22 = tpu.matmul %convert_element_type3A_11, %convert_element_type3A_18, %dot_general3A {dimension_numbers = #tpu.dot_dimension_numbers<[0], [0], [1], [1], [0, 1, 1, 1], [], []>, transpose_lhs_hint = false} : vector<128x64xbf16>, vector<128x256xbf16>, vector<64x256xf32> -> vector<64x256xf32>
    %add3A = arith.addf %get3A_21, %dot_general3A_22 : vector<64x256xf32>
    %swap3A = arith.constant 0 : index
    %swap3A_23 = arith.constant 0 : index
    %swap3A_24 = vector.load %arg3[%swap3A, %swap3A_23] : memref<64x256xf32, #tpu.memory_space<vmem>>, vector<64x256xf32>
    tpu.vector_store %arg3[%swap3A, %swap3A_23], %add3A {strides = array<i32>} : memref<64x256xf32, #tpu.memory_space<vmem>>, vector<64x256xf32>,
    %slice3A_25 = vector.extract_strided_slice %transpose3A {offsets = [0, 1], sizes = [128, 1], strides = [1, 1]} : vector<128x16xi32> to vector<128x1xi32>
    %shift_right_arithmetic3A_26 = arith.constant 8 : i32
    %shift_right_arithmetic3A_27 = vector.broadcast %shift_right_arithmetic3A_26 : i32 to vector<128x1xi32>
    %shift_right_arithmetic3A_28 = arith.shrsi %slice3A_25, %shift_right_arithmetic3A_27 : vector<128x1xi32>
    %eq3A_29 = vector.broadcast %shift_right_arithmetic3A_28 : vector<128x1xi32> to vector<128x64xi32>
    %eq3A_30 = arith.cmpi eq, %iota3A, %eq3A_29 : vector<128x64xi32>
    %convert_element_type3A_31 = arith.extui %eq3A_30 : vector<128x64xi1> to vector<128x64xi32>
    %convert_element_type3A_32 = arith.sitofp %convert_element_type3A_31 : vector<128x64xi32> to vector<128x64xf32>
    %convert_element_type3A_33 = arith.truncf %convert_element_type3A_32 : vector<128x64xf32> to vector<128x64xbf16>
    %and3A_34 = arith.constant 255 : i32
    %and3A_35 = vector.broadcast %and3A_34 : i32 to vector<128x1xi32>
    %and3A_36 = arith.andi %slice3A_25, %and3A_35 : vector<128x1xi32>
    %eq3A_37 = vector.broadcast %and3A_36 : vector<128x1xi32> to vector<128x256xi32>
    %eq3A_38 = arith.cmpi eq, %iota3A_4, %eq3A_37 : vector<128x256xi32>
    %convert_element_type3A_39 = arith.extui %eq3A_38 : vector<128x256xi1> to vector<128x256xi32>
    %convert_element_type3A_40 = arith.sitofp %convert_element_type3A_39 : vector<128x256xi32> to vector<128x256xf32>
    %convert_element_type3A_41 = arith.truncf %convert_element_type3A_40 : vector<128x256xf32> to vector<128x256xbf16>
    %get3A_42 = arith.constant 0 : index
    %get3A_43 = arith.constant 0 : index
    %get3A_44 = vector.load %arg3[%get3A_42, %get3A_43] : memref<64x256xf32, #tpu.memory_space<vmem>>, vector<64x256xf32>
    %dot_general3A_45 = arith.constant dense<0.000000e+00> : vector<64x256xf32>
    %dot_general3A_46 = tpu.matmul %convert_element_type3A_33, %convert_element_type3A_41, %dot_general3A_45 {dimension_numbers = #tpu.dot_dimension_numbers<[0], [0], [1], [1], [0, 1, 1, 1], [], []>, transpose_lhs_hint = false} : vector<128x64xbf16>, vector<128x256xbf16>, vector<64x256xf32> -> vector<64x256xf32>
    %add3A_47 = arith.addf %get3A_44, %dot_general3A_46 : vector<64x256xf32>
    %swap3A_48 = arith.constant 0 : index
    %swap3A_49 = arith.constant 0 : index
    %swap3A_50 = vector.load %arg3[%swap3A_48, %swap3A_49] : memref<64x256xf32, #tpu.memory_space<vmem>>, vector<64x256xf32>
    tpu.vector_store %arg3[%swap3A_48, %swap3A_49], %add3A_47 {strides = array<i32>} : memref<64x256xf32, #tpu.memory_space<vmem>>, vector<64x256xf32>,
    %slice3A_51 = vector.extract_strided_slice %transpose3A {offsets = [0, 2], sizes = [128, 1], strides = [1, 1]} : vector<128x16xi32> to vector<128x1xi32>
    %shift_right_arithmetic3A_52 = arith.constant 8 : i32
    %shift_right_arithmetic3A_53 = vector.broadcast %shift_right_arithmetic3A_52 : i32 to vector<128x1xi32>
    %shift_right_arithmetic3A_54 = arith.shrsi %slice3A_51, %shift_right_arithmetic3A_53 : vector<128x1xi32>
    %eq3A_55 = vector.broadcast %shift_right_arithmetic3A_54 : vector<128x1xi32> to vector<128x64xi32>
    %eq3A_56 = arith.cmpi eq, %iota3A, %eq3A_55 : vector<128x64xi32>
    %convert_element_type3A_57 = arith.extui %eq3A_56 : vector<128x64xi1> to vector<128x64xi32>
    %convert_element_type3A_58 = arith.sitofp %convert_element_type3A_57 : vector<128x64xi32> to vector<128x64xf32>
    %convert_element_type3A_59 = arith.truncf %convert_element_type3A_58 : vector<128x64xf32> to vector<128x64xbf16>
    %and3A_60 = arith.constant 255 : i32
    %and3A_61 = vector.broadcast %and3A_60 : i32 to vector<128x1xi32>
    %and3A_62 = arith.andi %slice3A_51, %and3A_61 : vector<128x1xi32>
    %eq3A_63 = vector.broadcast %and3A_62 : vector<128x1xi32> to vector<128x256xi32>
    %eq3A_64 = arith.cmpi eq, %iota3A_4, %eq3A_63 : vector<128x256xi32>
    %convert_element_type3A_65 = arith.extui %eq3A_64 : vector<128x256xi1> to vector<128x256xi32>
    %convert_element_type3A_66 = arith.sitofp %convert_element_type3A_65 : vector<128x256xi32> to vector<128x256xf32>
    %convert_element_type3A_67 = arith.truncf %convert_element_type3A_66 : vector<128x256xf32> to vector<128x256xbf16>
    %get3A_68 = arith.constant 0 : index
    %get3A_69 = arith.constant 0 : index
    %get3A_70 = vector.load %arg3[%get3A_68, %get3A_69] : memref<64x256xf32, #tpu.memory_space<vmem>>, vector<64x256xf32>
    %dot_general3A_71 = arith.constant dense<0.000000e+00> : vector<64x256xf32>
    %dot_general3A_72 = tpu.matmul %convert_element_type3A_59, %convert_element_type3A_67, %dot_general3A_71 {dimension_numbers = #tpu.dot_dimension_numbers<[0], [0], [1], [1], [0, 1, 1, 1], [], []>, transpose_lhs_hint = false} : vector<128x64xbf16>, vector<128x256xbf16>, vector<64x256xf32> -> vector<64x256xf32>
    %add3A_73 = arith.addf %get3A_70, %dot_general3A_72 : vector<64x256xf32>
    %swap3A_74 = arith.constant 0 : index
    %swap3A_75 = arith.constant 0 : index
    %swap3A_76 = vector.load %arg3[%swap3A_74, %swap3A_75] : memref<64x256xf32, #tpu.memory_space<vmem>>, vector<64x256xf32>
    tpu.vector_store %arg3[%swap3A_74, %swap3A_75], %add3A_73 {strides = array<i32>} : memref<64x256xf32, #tpu.memory_space<vmem>>, vector<64x256xf32>,
    %slice3A_77 = vector.extract_strided_slice %transpose3A {offsets = [0, 3], sizes = [128, 1], strides = [1, 1]} : vector<128x16xi32> to vector<128x1xi32>
    %shift_right_arithmetic3A_78 = arith.constant 8 : i32
    %shift_right_arithmetic3A_79 = vector.broadcast %shift_right_arithmetic3A_78 : i32 to vector<128x1xi32>
    %shift_right_arithmetic3A_80 = arith.shrsi %slice3A_77, %shift_right_arithmetic3A_79 : vector<128x1xi32>
    %eq3A_81 = vector.broadcast %shift_right_arithmetic3A_80 : vector<128x1xi32> to vector<128x64xi32>
    %eq3A_82 = arith.cmpi eq, %iota3A, %eq3A_81 : vector<128x64xi32>
    %convert_element_type3A_83 = arith.extui %eq3A_82 : vector<128x64xi1> to vector<128x64xi32>
    %convert_element_type3A_84 = arith.sitofp %convert_element_type3A_83 : vector<128x64xi32> to vector<128x64xf32>
    %convert_element_type3A_85 = arith.truncf %convert_element_type3A_84 : vector<128x64xf32> to vector<128x64xbf16>
    %and3A_86 = arith.constant 255 : i32
    %and3A_87 = vector.broadcast %and3A_86 : i32 to vector<128x1xi32>
    %and3A_88 = arith.andi %slice3A_77, %and3A_87 : vector<128x1xi32>
    %eq3A_89 = vector.broadcast %and3A_88 : vector<128x1xi32> to vector<128x256xi32>
    %eq3A_90 = arith.cmpi eq, %iota3A_4, %eq3A_89 : vector<128x256xi32>
    %convert_element_type3A_91 = arith.extui %eq3A_90 : vector<128x256xi1> to vector<128x256xi32>
    %convert_element_type3A_92 = arith.sitofp %convert_element_type3A_91 : vector<128x256xi32> to vector<128x256xf32>
    %convert_element_type3A_93 = arith.truncf %convert_element_type3A_92 : vector<128x256xf32> to vector<128x256xbf16>
    %get3A_94 = arith.constant 0 : index
    %get3A_95 = arith.constant 0 : index
    %get3A_96 = vector.load %arg3[%get3A_94, %get3A_95] : memref<64x256xf32, #tpu.memory_space<vmem>>, vector<64x256xf32>
    %dot_general3A_97 = arith.constant dense<0.000000e+00> : vector<64x256xf32>
    %dot_general3A_98 = tpu.matmul %convert_element_type3A_85, %convert_element_type3A_93, %dot_general3A_97 {dimension_numbers = #tpu.dot_dimension_numbers<[0], [0], [1], [1], [0, 1, 1, 1], [], []>, transpose_lhs_hint = false} : vector<128x64xbf16>, vector<128x256xbf16>, vector<64x256xf32> -> vector<64x256xf32>
    %add3A_99 = arith.addf %get3A_96, %dot_general3A_98 : vector<64x256xf32>
    %swap3A_100 = arith.constant 0 : index
    %swap3A_101 = arith.constant 0 : index
    %swap3A_102 = vector.load %arg3[%swap3A_100, %swap3A_101] : memref<64x256xf32, #tpu.memory_space<vmem>>, vector<64x256xf32>
    tpu.vector_store %arg3[%swap3A_100, %swap3A_101], %add3A_99 {strides = array<i32>} : memref<64x256xf32, #tpu.memory_space<vmem>>, vector<64x256xf32>,
    %slice3A_103 = vector.extract_strided_slice %transpose3A {offsets = [0, 4], sizes = [128, 1], strides = [1, 1]} : vector<128x16xi32> to vector<128x1xi32>
    %shift_right_arithmetic3A_104 = arith.constant 8 : i32
    %shift_right_arithmetic3A_105 = vector.broadcast %shift_right_arithmetic3A_104 : i32 to vector<128x1xi32>
    %shift_right_arithmetic3A_106 = arith.shrsi %slice3A_103, %shift_right_arithmetic3A_105 : vector<128x1xi32>
    %eq3A_107 = vector.broadcast %shift_right_arithmetic3A_106 : vector<128x1xi32> to vector<128x64xi32>
    %eq3A_108 = arith.cmpi eq, %iota3A, %eq3A_107 : vector<128x64xi32>
    %convert_element_type3A_109 = arith.extui %eq3A_108 : vector<128x64xi1> to vector<128x64xi32>
    %convert_element_type3A_110 = arith.sitofp %convert_element_type3A_109 : vector<128x64xi32> to vector<128x64xf32>
    %convert_element_type3A_111 = arith.truncf %convert_element_type3A_110 : vector<128x64xf32> to vector<128x64xbf16>
    %and3A_112 = arith.constant 255 : i32
    %and3A_113 = vector.broadcast %and3A_112 : i32 to vector<128x1xi32>
    %and3A_114 = arith.andi %slice3A_103, %and3A_113 : vector<128x1xi32>
    %eq3A_115 = vector.broadcast %and3A_114 : vector<128x1xi32> to vector<128x256xi32>
    %eq3A_116 = arith.cmpi eq, %iota3A_4, %eq3A_115 : vector<128x256xi32>
    %convert_element_type3A_117 = arith.extui %eq3A_116 : vector<128x256xi1> to vector<128x256xi32>
    %convert_element_type3A_118 = arith.sitofp %convert_element_type3A_117 : vector<128x256xi32> to vector<128x256xf32>
    %convert_element_type3A_119 = arith.truncf %convert_element_type3A_118 : vector<128x256xf32> to vector<128x256xbf16>
    %get3A_120 = arith.constant 0 : index
    %get3A_121 = arith.constant 0 : index
    %get3A_122 = vector.load %arg3[%get3A_120, %get3A_121] : memref<64x256xf32, #tpu.memory_space<vmem>>, vector<64x256xf32>
    %dot_general3A_123 = arith.constant dense<0.000000e+00> : vector<64x256xf32>
    %dot_general3A_124 = tpu.matmul %convert_element_type3A_111, %convert_element_type3A_119, %dot_general3A_123 {dimension_numbers = #tpu.dot_dimension_numbers<[0], [0], [1], [1], [0, 1, 1, 1], [], []>, transpose_lhs_hint = false} : vector<128x64xbf16>, vector<128x256xbf16>, vector<64x256xf32> -> vector<64x256xf32>
    %add3A_125 = arith.addf %get3A_122, %dot_general3A_124 : vector<64x256xf32>
    %swap3A_126 = arith.constant 0 : index
    %swap3A_127 = arith.constant 0 : index
    %swap3A_128 = vector.load %arg3[%swap3A_126, %swap3A_127] : memref<64x256xf32, #tpu.memory_space<vmem>>, vector<64x256xf32>
    tpu.vector_store %arg3[%swap3A_126, %swap3A_127], %add3A_125 {strides = array<i32>} : memref<64x256xf32, #tpu.memory_space<vmem>>, vector<64x256xf32>,
    %slice3A_129 = vector.extract_strided_slice %transpose3A {offsets = [0, 5], sizes = [128, 1], strides = [1, 1]} : vector<128x16xi32> to vector<128x1xi32>
    %shift_right_arithmetic3A_130 = arith.constant 8 : i32
    %shift_right_arithmetic3A_131 = vector.broadcast %shift_right_arithmetic3A_130 : i32 to vector<128x1xi32>
    %shift_right_arithmetic3A_132 = arith.shrsi %slice3A_129, %shift_right_arithmetic3A_131 : vector<128x1xi32>
    %eq3A_133 = vector.broadcast %shift_right_arithmetic3A_132 : vector<128x1xi32> to vector<128x64xi32>
    %eq3A_134 = arith.cmpi eq, %iota3A, %eq3A_133 : vector<128x64xi32>
    %convert_element_type3A_135 = arith.extui %eq3A_134 : vector<128x64xi1> to vector<128x64xi32>
    %convert_element_type3A_136 = arith.sitofp %convert_element_type3A_135 : vector<128x64xi32> to vector<128x64xf32>
    %convert_element_type3A_137 = arith.truncf %convert_element_type3A_136 : vector<128x64xf32> to vector<128x64xbf16>
    %and3A_138 = arith.constant 255 : i32
    %and3A_139 = vector.broadcast %and3A_138 : i32 to vector<128x1xi32>
    %and3A_140 = arith.andi %slice3A_129, %and3A_139 : vector<128x1xi32>
    %eq3A_141 = vector.broadcast %and3A_140 : vector<128x1xi32> to vector<128x256xi32>
    %eq3A_142 = arith.cmpi eq, %iota3A_4, %eq3A_141 : vector<128x256xi32>
    %convert_element_type3A_143 = arith.extui %eq3A_142 : vector<128x256xi1> to vector<128x256xi32>
    %convert_element_type3A_144 = arith.sitofp %convert_element_type3A_143 : vector<128x256xi32> to vector<128x256xf32>
    %convert_element_type3A_145 = arith.truncf %convert_element_type3A_144 : vector<128x256xf32> to vector<128x256xbf16>
    %get3A_146 = arith.constant 0 : index
    %get3A_147 = arith.constant 0 : index
    %get3A_148 = vector.load %arg3[%get3A_146, %get3A_147] : memref<64x256xf32, #tpu.memory_space<vmem>>, vector<64x256xf32>
    %dot_general3A_149 = arith.constant dense<0.000000e+00> : vector<64x256xf32>
    %dot_general3A_150 = tpu.matmul %convert_element_type3A_137, %convert_element_type3A_145, %dot_general3A_149 {dimension_numbers = #tpu.dot_dimension_numbers<[0], [0], [1], [1], [0, 1, 1, 1], [], []>, transpose_lhs_hint = false} : vector<128x64xbf16>, vector<128x256xbf16>, vector<64x256xf32> -> vector<64x256xf32>
    %add3A_151 = arith.addf %get3A_148, %dot_general3A_150 : vector<64x256xf32>
    %swap3A_152 = arith.constant 0 : index
    %swap3A_153 = arith.constant 0 : index
    %swap3A_154 = vector.load %arg3[%swap3A_152, %swap3A_153] : memref<64x256xf32, #tpu.memory_space<vmem>>, vector<64x256xf32>
    tpu.vector_store %arg3[%swap3A_152, %swap3A_153], %add3A_151 {strides = array<i32>} : memref<64x256xf32, #tpu.memory_space<vmem>>, vector<64x256xf32>,
    %slice3A_155 = vector.extract_strided_slice %transpose3A {offsets = [0, 6], sizes = [128, 1], strides = [1, 1]} : vector<128x16xi32> to vector<128x1xi32>
    %shift_right_arithmetic3A_156 = arith.constant 8 : i32
    %shift_right_arithmetic3A_157 = vector.broadcast %shift_right_arithmetic3A_156 : i32 to vector<128x1xi32>
    %shift_right_arithmetic3A_158 = arith.shrsi %slice3A_155, %shift_right_arithmetic3A_157 : vector<128x1xi32>
    %eq3A_159 = vector.broadcast %shift_right_arithmetic3A_158 : vector<128x1xi32> to vector<128x64xi32>
    %eq3A_160 = arith.cmpi eq, %iota3A, %eq3A_159 : vector<128x64xi32>
    %convert_element_type3A_161 = arith.extui %eq3A_160 : vector<128x64xi1> to vector<128x64xi32>
    %convert_element_type3A_162 = arith.sitofp %convert_element_type3A_161 : vector<128x64xi32> to vector<128x64xf32>
    %convert_element_type3A_163 = arith.truncf %convert_element_type3A_162 : vector<128x64xf32> to vector<128x64xbf16>
    %and3A_164 = arith.constant 255 : i32
    %and3A_165 = vector.broadcast %and3A_164 : i32 to vector<128x1xi32>
    %and3A_166 = arith.andi %slice3A_155, %and3A_165 : vector<128x1xi32>
    %eq3A_167 = vector.broadcast %and3A_166 : vector<128x1xi32> to vector<128x256xi32>
    %eq3A_168 = arith.cmpi eq, %iota3A_4, %eq3A_167 : vector<128x256xi32>
    %convert_element_type3A_169 = arith.extui %eq3A_168 : vector<128x256xi1> to vector<128x256xi32>
    %convert_element_type3A_170 = arith.sitofp %convert_element_type3A_169 : vector<128x256xi32> to vector<128x256xf32>
    %convert_element_type3A_171 = arith.truncf %convert_element_type3A_170 : vector<128x256xf32> to vector<128x256xbf16>
    %get3A_172 = arith.constant 0 : index
    %get3A_173 = arith.constant 0 : index
    %get3A_174 = vector.load %arg3[%get3A_172, %get3A_173] : memref<64x256xf32, #tpu.memory_space<vmem>>, vector<64x256xf32>
    %dot_general3A_175 = arith.constant dense<0.000000e+00> : vector<64x256xf32>
    %dot_general3A_176 = tpu.matmul %convert_element_type3A_163, %convert_element_type3A_171, %dot_general3A_175 {dimension_numbers = #tpu.dot_dimension_numbers<[0], [0], [1], [1], [0, 1, 1, 1], [], []>, transpose_lhs_hint = false} : vector<128x64xbf16>, vector<128x256xbf16>, vector<64x256xf32> -> vector<64x256xf32>
    %add3A_177 = arith.addf %get3A_174, %dot_general3A_176 : vector<64x256xf32>
    %swap3A_178 = arith.constant 0 : index
    %swap3A_179 = arith.constant 0 : index
    %swap3A_180 = vector.load %arg3[%swap3A_178, %swap3A_179] : memref<64x256xf32, #tpu.memory_space<vmem>>, vector<64x256xf32>
    tpu.vector_store %arg3[%swap3A_178, %swap3A_179], %add3A_177 {strides = array<i32>} : memref<64x256xf32, #tpu.memory_space<vmem>>, vector<64x256xf32>,
    %slice3A_181 = vector.extract_strided_slice %transpose3A {offsets = [0, 7], sizes = [128, 1], strides = [1, 1]} : vector<128x16xi32> to vector<128x1xi32>
    %shift_right_arithmetic3A_182 = arith.constant 8 : i32
    %shift_right_arithmetic3A_183 = vector.broadcast %shift_right_arithmetic3A_182 : i32 to vector<128x1xi32>
    %shift_right_arithmetic3A_184 = arith.shrsi %slice3A_181, %shift_right_arithmetic3A_183 : vector<128x1xi32>
    %eq3A_185 = vector.broadcast %shift_right_arithmetic3A_184 : vector<128x1xi32> to vector<128x64xi32>
    %eq3A_186 = arith.cmpi eq, %iota3A, %eq3A_185 : vector<128x64xi32>
    %convert_element_type3A_187 = arith.extui %eq3A_186 : vector<128x64xi1> to vector<128x64xi32>
    %convert_element_type3A_188 = arith.sitofp %convert_element_type3A_187 : vector<128x64xi32> to vector<128x64xf32>
    %convert_element_type3A_189 = arith.truncf %convert_element_type3A_188 : vector<128x64xf32> to vector<128x64xbf16>
    %and3A_190 = arith.constant 255 : i32
    %and3A_191 = vector.broadcast %and3A_190 : i32 to vector<128x1xi32>
    %and3A_192 = arith.andi %slice3A_181, %and3A_191 : vector<128x1xi32>
    %eq3A_193 = vector.broadcast %and3A_192 : vector<128x1xi32> to vector<128x256xi32>
    %eq3A_194 = arith.cmpi eq, %iota3A_4, %eq3A_193 : vector<128x256xi32>
    %convert_element_type3A_195 = arith.extui %eq3A_194 : vector<128x256xi1> to vector<128x256xi32>
    %convert_element_type3A_196 = arith.sitofp %convert_element_type3A_195 : vector<128x256xi32> to vector<128x256xf32>
    %convert_element_type3A_197 = arith.truncf %convert_element_type3A_196 : vector<128x256xf32> to vector<128x256xbf16>
    %get3A_198 = arith.constant 0 : index
    %get3A_199 = arith.constant 0 : index
    %get3A_200 = vector.load %arg3[%get3A_198, %get3A_199] : memref<64x256xf32, #tpu.memory_space<vmem>>, vector<64x256xf32>
    %dot_general3A_201 = arith.constant dense<0.000000e+00> : vector<64x256xf32>
    %dot_general3A_202 = tpu.matmul %convert_element_type3A_189, %convert_element_type3A_197, %dot_general3A_201 {dimension_numbers = #tpu.dot_dimension_numbers<[0], [0], [1], [1], [0, 1, 1, 1], [], []>, transpose_lhs_hint = false} : vector<128x64xbf16>, vector<128x256xbf16>, vector<64x256xf32> -> vector<64x256xf32>
    %add3A_203 = arith.addf %get3A_200, %dot_general3A_202 : vector<64x256xf32>
    %swap3A_204 = arith.constant 0 : index
    %swap3A_205 = arith.constant 0 : index
    %swap3A_206 = vector.load %arg3[%swap3A_204, %swap3A_205] : memref<64x256xf32, #tpu.memory_space<vmem>>, vector<64x256xf32>
    tpu.vector_store %arg3[%swap3A_204, %swap3A_205], %add3A_203 {strides = array<i32>} : memref<64x256xf32, #tpu.memory_space<vmem>>, vector<64x256xf32>,
    %slice3A_207 = vector.extract_strided_slice %transpose3A {offsets = [0, 8], sizes = [128, 1], strides = [1, 1]} : vector<128x16xi32> to vector<128x1xi32>
    %shift_right_arithmetic3A_208 = arith.constant 8 : i32
    %shift_right_arithmetic3A_209 = vector.broadcast %shift_right_arithmetic3A_208 : i32 to vector<128x1xi32>
    %shift_right_arithmetic3A_210 = arith.shrsi %slice3A_207, %shift_right_arithmetic3A_209 : vector<128x1xi32>
    %eq3A_211 = vector.broadcast %shift_right_arithmetic3A_210 : vector<128x1xi32> to vector<128x64xi32>
    %eq3A_212 = arith.cmpi eq, %iota3A, %eq3A_211 : vector<128x64xi32>
    %convert_element_type3A_213 = arith.extui %eq3A_212 : vector<128x64xi1> to vector<128x64xi32>
    %convert_element_type3A_214 = arith.sitofp %convert_element_type3A_213 : vector<128x64xi32> to vector<128x64xf32>
    %convert_element_type3A_215 = arith.truncf %convert_element_type3A_214 : vector<128x64xf32> to vector<128x64xbf16>
    %and3A_216 = arith.constant 255 : i32
    %and3A_217 = vector.broadcast %and3A_216 : i32 to vector<128x1xi32>
    %and3A_218 = arith.andi %slice3A_207, %and3A_217 : vector<128x1xi32>
    %eq3A_219 = vector.broadcast %and3A_218 : vector<128x1xi32> to vector<128x256xi32>
    %eq3A_220 = arith.cmpi eq, %iota3A_4, %eq3A_219 : vector<128x256xi32>
    %convert_element_type3A_221 = arith.extui %eq3A_220 : vector<128x256xi1> to vector<128x256xi32>
    %convert_element_type3A_222 = arith.sitofp %convert_element_type3A_221 : vector<128x256xi32> to vector<128x256xf32>
    %convert_element_type3A_223 = arith.truncf %convert_element_type3A_222 : vector<128x256xf32> to vector<128x256xbf16>
    %get3A_224 = arith.constant 0 : index
    %get3A_225 = arith.constant 0 : index
    %get3A_226 = vector.load %arg3[%get3A_224, %get3A_225] : memref<64x256xf32, #tpu.memory_space<vmem>>, vector<64x256xf32>
    %dot_general3A_227 = arith.constant dense<0.000000e+00> : vector<64x256xf32>
    %dot_general3A_228 = tpu.matmul %convert_element_type3A_215, %convert_element_type3A_223, %dot_general3A_227 {dimension_numbers = #tpu.dot_dimension_numbers<[0], [0], [1], [1], [0, 1, 1, 1], [], []>, transpose_lhs_hint = false} : vector<128x64xbf16>, vector<128x256xbf16>, vector<64x256xf32> -> vector<64x256xf32>
    %add3A_229 = arith.addf %get3A_226, %dot_general3A_228 : vector<64x256xf32>
    %swap3A_230 = arith.constant 0 : index
    %swap3A_231 = arith.constant 0 : index
    %swap3A_232 = vector.load %arg3[%swap3A_230, %swap3A_231] : memref<64x256xf32, #tpu.memory_space<vmem>>, vector<64x256xf32>
    tpu.vector_store %arg3[%swap3A_230, %swap3A_231], %add3A_229 {strides = array<i32>} : memref<64x256xf32, #tpu.memory_space<vmem>>, vector<64x256xf32>,
    %slice3A_233 = vector.extract_strided_slice %transpose3A {offsets = [0, 9], sizes = [128, 1], strides = [1, 1]} : vector<128x16xi32> to vector<128x1xi32>
    %shift_right_arithmetic3A_234 = arith.constant 8 : i32
    %shift_right_arithmetic3A_235 = vector.broadcast %shift_right_arithmetic3A_234 : i32 to vector<128x1xi32>
    %shift_right_arithmetic3A_236 = arith.shrsi %slice3A_233, %shift_right_arithmetic3A_235 : vector<128x1xi32>
    %eq3A_237 = vector.broadcast %shift_right_arithmetic3A_236 : vector<128x1xi32> to vector<128x64xi32>
    %eq3A_238 = arith.cmpi eq, %iota3A, %eq3A_237 : vector<128x64xi32>
    %convert_element_type3A_239 = arith.extui %eq3A_238 : vector<128x64xi1> to vector<128x64xi32>
    %convert_element_type3A_240 = arith.sitofp %convert_element_type3A_239 : vector<128x64xi32> to vector<128x64xf32>
    %convert_element_type3A_241 = arith.truncf %convert_element_type3A_240 : vector<128x64xf32> to vector<128x64xbf16>
    %and3A_242 = arith.constant 255 : i32
    %and3A_243 = vector.broadcast %and3A_242 : i32 to vector<128x1xi32>
    %and3A_244 = arith.andi %slice3A_233, %and3A_243 : vector<128x1xi32>
    %eq3A_245 = vector.broadcast %and3A_244 : vector<128x1xi32> to vector<128x256xi32>
    %eq3A_246 = arith.cmpi eq, %iota3A_4, %eq3A_245 : vector<128x256xi32>
    %convert_element_type3A_247 = arith.extui %eq3A_246 : vector<128x256xi1> to vector<128x256xi32>
    %convert_element_type3A_248 = arith.sitofp %convert_element_type3A_247 : vector<128x256xi32> to vector<128x256xf32>
    %convert_element_type3A_249 = arith.truncf %convert_element_type3A_248 : vector<128x256xf32> to vector<128x256xbf16>
    %get3A_250 = arith.constant 0 : index
    %get3A_251 = arith.constant 0 : index
    %get3A_252 = vector.load %arg3[%get3A_250, %get3A_251] : memref<64x256xf32, #tpu.memory_space<vmem>>, vector<64x256xf32>
    %dot_general3A_253 = arith.constant dense<0.000000e+00> : vector<64x256xf32>
    %dot_general3A_254 = tpu.matmul %convert_element_type3A_241, %convert_element_type3A_249, %dot_general3A_253 {dimension_numbers = #tpu.dot_dimension_numbers<[0], [0], [1], [1], [0, 1, 1, 1], [], []>, transpose_lhs_hint = false} : vector<128x64xbf16>, vector<128x256xbf16>, vector<64x256xf32> -> vector<64x256xf32>
    %add3A_255 = arith.addf %get3A_252, %dot_general3A_254 : vector<64x256xf32>
    %swap3A_256 = arith.constant 0 : index
    %swap3A_257 = arith.constant 0 : index
    %swap3A_258 = vector.load %arg3[%swap3A_256, %swap3A_257] : memref<64x256xf32, #tpu.memory_space<vmem>>, vector<64x256xf32>
    tpu.vector_store %arg3[%swap3A_256, %swap3A_257], %add3A_255 {strides = array<i32>} : memref<64x256xf32, #tpu.memory_space<vmem>>, vector<64x256xf32>,
    %slice3A_259 = vector.extract_strided_slice %transpose3A {offsets = [0, 10], sizes = [128, 1], strides = [1, 1]} : vector<128x16xi32> to vector<128x1xi32>
    %shift_right_arithmetic3A_260 = arith.constant 8 : i32
    %shift_right_arithmetic3A_261 = vector.broadcast %shift_right_arithmetic3A_260 : i32 to vector<128x1xi32>
    %shift_right_arithmetic3A_262 = arith.shrsi %slice3A_259, %shift_right_arithmetic3A_261 : vector<128x1xi32>
    %eq3A_263 = vector.broadcast %shift_right_arithmetic3A_262 : vector<128x1xi32> to vector<128x64xi32>
    %eq3A_264 = arith.cmpi eq, %iota3A, %eq3A_263 : vector<128x64xi32>
    %convert_element_type3A_265 = arith.extui %eq3A_264 : vector<128x64xi1> to vector<128x64xi32>
    %convert_element_type3A_266 = arith.sitofp %convert_element_type3A_265 : vector<128x64xi32> to vector<128x64xf32>
    %convert_element_type3A_267 = arith.truncf %convert_element_type3A_266 : vector<128x64xf32> to vector<128x64xbf16>
    %and3A_268 = arith.constant 255 : i32
    %and3A_269 = vector.broadcast %and3A_268 : i32 to vector<128x1xi32>
    %and3A_270 = arith.andi %slice3A_259, %and3A_269 : vector<128x1xi32>
    %eq3A_271 = vector.broadcast %and3A_270 : vector<128x1xi32> to vector<128x256xi32>
    %eq3A_272 = arith.cmpi eq, %iota3A_4, %eq3A_271 : vector<128x256xi32>
    %convert_element_type3A_273 = arith.extui %eq3A_272 : vector<128x256xi1> to vector<128x256xi32>
    %convert_element_type3A_274 = arith.sitofp %convert_element_type3A_273 : vector<128x256xi32> to vector<128x256xf32>
    %convert_element_type3A_275 = arith.truncf %convert_element_type3A_274 : vector<128x256xf32> to vector<128x256xbf16>
    %get3A_276 = arith.constant 0 : index
    %get3A_277 = arith.constant 0 : index
    %get3A_278 = vector.load %arg3[%get3A_276, %get3A_277] : memref<64x256xf32, #tpu.memory_space<vmem>>, vector<64x256xf32>
    %dot_general3A_279 = arith.constant dense<0.000000e+00> : vector<64x256xf32>
    %dot_general3A_280 = tpu.matmul %convert_element_type3A_267, %convert_element_type3A_275, %dot_general3A_279 {dimension_numbers = #tpu.dot_dimension_numbers<[0], [0], [1], [1], [0, 1, 1, 1], [], []>, transpose_lhs_hint = false} : vector<128x64xbf16>, vector<128x256xbf16>, vector<64x256xf32> -> vector<64x256xf32>
    %add3A_281 = arith.addf %get3A_278, %dot_general3A_280 : vector<64x256xf32>
    %swap3A_282 = arith.constant 0 : index
    %swap3A_283 = arith.constant 0 : index
    %swap3A_284 = vector.load %arg3[%swap3A_282, %swap3A_283] : memref<64x256xf32, #tpu.memory_space<vmem>>, vector<64x256xf32>
    tpu.vector_store %arg3[%swap3A_282, %swap3A_283], %add3A_281 {strides = array<i32>} : memref<64x256xf32, #tpu.memory_space<vmem>>, vector<64x256xf32>,
    %slice3A_285 = vector.extract_strided_slice %transpose3A {offsets = [0, 11], sizes = [128, 1], strides = [1, 1]} : vector<128x16xi32> to vector<128x1xi32>
    %shift_right_arithmetic3A_286 = arith.constant 8 : i32
    %shift_right_arithmetic3A_287 = vector.broadcast %shift_right_arithmetic3A_286 : i32 to vector<128x1xi32>
    %shift_right_arithmetic3A_288 = arith.shrsi %slice3A_285, %shift_right_arithmetic3A_287 : vector<128x1xi32>
    %eq3A_289 = vector.broadcast %shift_right_arithmetic3A_288 : vector<128x1xi32> to vector<128x64xi32>
    %eq3A_290 = arith.cmpi eq, %iota3A, %eq3A_289 : vector<128x64xi32>
    %convert_element_type3A_291 = arith.extui %eq3A_290 : vector<128x64xi1> to vector<128x64xi32>
    %convert_element_type3A_292 = arith.sitofp %convert_element_type3A_291 : vector<128x64xi32> to vector<128x64xf32>
    %convert_element_type3A_293 = arith.truncf %convert_element_type3A_292 : vector<128x64xf32> to vector<128x64xbf16>
    %and3A_294 = arith.constant 255 : i32
    %and3A_295 = vector.broadcast %and3A_294 : i32 to vector<128x1xi32>
    %and3A_296 = arith.andi %slice3A_285, %and3A_295 : vector<128x1xi32>
    %eq3A_297 = vector.broadcast %and3A_296 : vector<128x1xi32> to vector<128x256xi32>
    %eq3A_298 = arith.cmpi eq, %iota3A_4, %eq3A_297 : vector<128x256xi32>
    %convert_element_type3A_299 = arith.extui %eq3A_298 : vector<128x256xi1> to vector<128x256xi32>
    %convert_element_type3A_300 = arith.sitofp %convert_element_type3A_299 : vector<128x256xi32> to vector<128x256xf32>
    %convert_element_type3A_301 = arith.truncf %convert_element_type3A_300 : vector<128x256xf32> to vector<128x256xbf16>
    %get3A_302 = arith.constant 0 : index
    %get3A_303 = arith.constant 0 : index
    %get3A_304 = vector.load %arg3[%get3A_302, %get3A_303] : memref<64x256xf32, #tpu.memory_space<vmem>>, vector<64x256xf32>
    %dot_general3A_305 = arith.constant dense<0.000000e+00> : vector<64x256xf32>
    %dot_general3A_306 = tpu.matmul %convert_element_type3A_293, %convert_element_type3A_301, %dot_general3A_305 {dimension_numbers = #tpu.dot_dimension_numbers<[0], [0], [1], [1], [0, 1, 1, 1], [], []>, transpose_lhs_hint = false} : vector<128x64xbf16>, vector<128x256xbf16>, vector<64x256xf32> -> vector<64x256xf32>
    %add3A_307 = arith.addf %get3A_304, %dot_general3A_306 : vector<64x256xf32>
    %swap3A_308 = arith.constant 0 : index
    %swap3A_309 = arith.constant 0 : index
    %swap3A_310 = vector.load %arg3[%swap3A_308, %swap3A_309] : memref<64x256xf32, #tpu.memory_space<vmem>>, vector<64x256xf32>
    tpu.vector_store %arg3[%swap3A_308, %swap3A_309], %add3A_307 {strides = array<i32>} : memref<64x256xf32, #tpu.memory_space<vmem>>, vector<64x256xf32>,
    %slice3A_311 = vector.extract_strided_slice %transpose3A {offsets = [0, 12], sizes = [128, 1], strides = [1, 1]} : vector<128x16xi32> to vector<128x1xi32>
    %shift_right_arithmetic3A_312 = arith.constant 8 : i32
    %shift_right_arithmetic3A_313 = vector.broadcast %shift_right_arithmetic3A_312 : i32 to vector<128x1xi32>
    %shift_right_arithmetic3A_314 = arith.shrsi %slice3A_311, %shift_right_arithmetic3A_313 : vector<128x1xi32>
    %eq3A_315 = vector.broadcast %shift_right_arithmetic3A_314 : vector<128x1xi32> to vector<128x64xi32>
    %eq3A_316 = arith.cmpi eq, %iota3A, %eq3A_315 : vector<128x64xi32>
    %convert_element_type3A_317 = arith.extui %eq3A_316 : vector<128x64xi1> to vector<128x64xi32>
    %convert_element_type3A_318 = arith.sitofp %convert_element_type3A_317 : vector<128x64xi32> to vector<128x64xf32>
    %convert_element_type3A_319 = arith.truncf %convert_element_type3A_318 : vector<128x64xf32> to vector<128x64xbf16>
    %and3A_320 = arith.constant 255 : i32
    %and3A_321 = vector.broadcast %and3A_320 : i32 to vector<128x1xi32>
    %and3A_322 = arith.andi %slice3A_311, %and3A_321 : vector<128x1xi32>
    %eq3A_323 = vector.broadcast %and3A_322 : vector<128x1xi32> to vector<128x256xi32>
    %eq3A_324 = arith.cmpi eq, %iota3A_4, %eq3A_323 : vector<128x256xi32>
    %convert_element_type3A_325 = arith.extui %eq3A_324 : vector<128x256xi1> to vector<128x256xi32>
    %convert_element_type3A_326 = arith.sitofp %convert_element_type3A_325 : vector<128x256xi32> to vector<128x256xf32>
    %convert_element_type3A_327 = arith.truncf %convert_element_type3A_326 : vector<128x256xf32> to vector<128x256xbf16>
    %get3A_328 = arith.constant 0 : index
    %get3A_329 = arith.constant 0 : index
    %get3A_330 = vector.load %arg3[%get3A_328, %get3A_329] : memref<64x256xf32, #tpu.memory_space<vmem>>, vector<64x256xf32>
    %dot_general3A_331 = arith.constant dense<0.000000e+00> : vector<64x256xf32>
    %dot_general3A_332 = tpu.matmul %convert_element_type3A_319, %convert_element_type3A_327, %dot_general3A_331 {dimension_numbers = #tpu.dot_dimension_numbers<[0], [0], [1], [1], [0, 1, 1, 1], [], []>, transpose_lhs_hint = false} : vector<128x64xbf16>, vector<128x256xbf16>, vector<64x256xf32> -> vector<64x256xf32>
    %add3A_333 = arith.addf %get3A_330, %dot_general3A_332 : vector<64x256xf32>
    %swap3A_334 = arith.constant 0 : index
    %swap3A_335 = arith.constant 0 : index
    %swap3A_336 = vector.load %arg3[%swap3A_334, %swap3A_335] : memref<64x256xf32, #tpu.memory_space<vmem>>, vector<64x256xf32>
    tpu.vector_store %arg3[%swap3A_334, %swap3A_335], %add3A_333 {strides = array<i32>} : memref<64x256xf32, #tpu.memory_space<vmem>>, vector<64x256xf32>,
    %slice3A_337 = vector.extract_strided_slice %transpose3A {offsets = [0, 13], sizes = [128, 1], strides = [1, 1]} : vector<128x16xi32> to vector<128x1xi32>
    %shift_right_arithmetic3A_338 = arith.constant 8 : i32
    %shift_right_arithmetic3A_339 = vector.broadcast %shift_right_arithmetic3A_338 : i32 to vector<128x1xi32>
    %shift_right_arithmetic3A_340 = arith.shrsi %slice3A_337, %shift_right_arithmetic3A_339 : vector<128x1xi32>
    %eq3A_341 = vector.broadcast %shift_right_arithmetic3A_340 : vector<128x1xi32> to vector<128x64xi32>
    %eq3A_342 = arith.cmpi eq, %iota3A, %eq3A_341 : vector<128x64xi32>
    %convert_element_type3A_343 = arith.extui %eq3A_342 : vector<128x64xi1> to vector<128x64xi32>
    %convert_element_type3A_344 = arith.sitofp %convert_element_type3A_343 : vector<128x64xi32> to vector<128x64xf32>
    %convert_element_type3A_345 = arith.truncf %convert_element_type3A_344 : vector<128x64xf32> to vector<128x64xbf16>
    %and3A_346 = arith.constant 255 : i32
    %and3A_347 = vector.broadcast %and3A_346 : i32 to vector<128x1xi32>
    %and3A_348 = arith.andi %slice3A_337, %and3A_347 : vector<128x1xi32>
    %eq3A_349 = vector.broadcast %and3A_348 : vector<128x1xi32> to vector<128x256xi32>
    %eq3A_350 = arith.cmpi eq, %iota3A_4, %eq3A_349 : vector<128x256xi32>
    %convert_element_type3A_351 = arith.extui %eq3A_350 : vector<128x256xi1> to vector<128x256xi32>
    %convert_element_type3A_352 = arith.sitofp %convert_element_type3A_351 : vector<128x256xi32> to vector<128x256xf32>
    %convert_element_type3A_353 = arith.truncf %convert_element_type3A_352 : vector<128x256xf32> to vector<128x256xbf16>
    %get3A_354 = arith.constant 0 : index
    %get3A_355 = arith.constant 0 : index
    %get3A_356 = vector.load %arg3[%get3A_354, %get3A_355] : memref<64x256xf32, #tpu.memory_space<vmem>>, vector<64x256xf32>
    %dot_general3A_357 = arith.constant dense<0.000000e+00> : vector<64x256xf32>
    %dot_general3A_358 = tpu.matmul %convert_element_type3A_345, %convert_element_type3A_353, %dot_general3A_357 {dimension_numbers = #tpu.dot_dimension_numbers<[0], [0], [1], [1], [0, 1, 1, 1], [], []>, transpose_lhs_hint = false} : vector<128x64xbf16>, vector<128x256xbf16>, vector<64x256xf32> -> vector<64x256xf32>
    %add3A_359 = arith.addf %get3A_356, %dot_general3A_358 : vector<64x256xf32>
    %swap3A_360 = arith.constant 0 : index
    %swap3A_361 = arith.constant 0 : index
    %swap3A_362 = vector.load %arg3[%swap3A_360, %swap3A_361] : memref<64x256xf32, #tpu.memory_space<vmem>>, vector<64x256xf32>
    tpu.vector_store %arg3[%swap3A_360, %swap3A_361], %add3A_359 {strides = array<i32>} : memref<64x256xf32, #tpu.memory_space<vmem>>, vector<64x256xf32>,
    %slice3A_363 = vector.extract_strided_slice %transpose3A {offsets = [0, 14], sizes = [128, 1], strides = [1, 1]} : vector<128x16xi32> to vector<128x1xi32>
    %shift_right_arithmetic3A_364 = arith.constant 8 : i32
    %shift_right_arithmetic3A_365 = vector.broadcast %shift_right_arithmetic3A_364 : i32 to vector<128x1xi32>
    %shift_right_arithmetic3A_366 = arith.shrsi %slice3A_363, %shift_right_arithmetic3A_365 : vector<128x1xi32>
    %eq3A_367 = vector.broadcast %shift_right_arithmetic3A_366 : vector<128x1xi32> to vector<128x64xi32>
    %eq3A_368 = arith.cmpi eq, %iota3A, %eq3A_367 : vector<128x64xi32>
    %convert_element_type3A_369 = arith.extui %eq3A_368 : vector<128x64xi1> to vector<128x64xi32>
    %convert_element_type3A_370 = arith.sitofp %convert_element_type3A_369 : vector<128x64xi32> to vector<128x64xf32>
    %convert_element_type3A_371 = arith.truncf %convert_element_type3A_370 : vector<128x64xf32> to vector<128x64xbf16>
    %and3A_372 = arith.constant 255 : i32
    %and3A_373 = vector.broadcast %and3A_372 : i32 to vector<128x1xi32>
    %and3A_374 = arith.andi %slice3A_363, %and3A_373 : vector<128x1xi32>
    %eq3A_375 = vector.broadcast %and3A_374 : vector<128x1xi32> to vector<128x256xi32>
    %eq3A_376 = arith.cmpi eq, %iota3A_4, %eq3A_375 : vector<128x256xi32>
    %convert_element_type3A_377 = arith.extui %eq3A_376 : vector<128x256xi1> to vector<128x256xi32>
    %convert_element_type3A_378 = arith.sitofp %convert_element_type3A_377 : vector<128x256xi32> to vector<128x256xf32>
    %convert_element_type3A_379 = arith.truncf %convert_element_type3A_378 : vector<128x256xf32> to vector<128x256xbf16>
    %get3A_380 = arith.constant 0 : index
    %get3A_381 = arith.constant 0 : index
    %get3A_382 = vector.load %arg3[%get3A_380, %get3A_381] : memref<64x256xf32, #tpu.memory_space<vmem>>, vector<64x256xf32>
    %dot_general3A_383 = arith.constant dense<0.000000e+00> : vector<64x256xf32>
    %dot_general3A_384 = tpu.matmul %convert_element_type3A_371, %convert_element_type3A_379, %dot_general3A_383 {dimension_numbers = #tpu.dot_dimension_numbers<[0], [0], [1], [1], [0, 1, 1, 1], [], []>, transpose_lhs_hint = false} : vector<128x64xbf16>, vector<128x256xbf16>, vector<64x256xf32> -> vector<64x256xf32>
    %add3A_385 = arith.addf %get3A_382, %dot_general3A_384 : vector<64x256xf32>
    %swap3A_386 = arith.constant 0 : index
    %swap3A_387 = arith.constant 0 : index
    %swap3A_388 = vector.load %arg3[%swap3A_386, %swap3A_387] : memref<64x256xf32, #tpu.memory_space<vmem>>, vector<64x256xf32>
    tpu.vector_store %arg3[%swap3A_386, %swap3A_387], %add3A_385 {strides = array<i32>} : memref<64x256xf32, #tpu.memory_space<vmem>>, vector<64x256xf32>,
    %slice3A_389 = vector.extract_strided_slice %transpose3A {offsets = [0, 15], sizes = [128, 1], strides = [1, 1]} : vector<128x16xi32> to vector<128x1xi32>
    %shift_right_arithmetic3A_390 = arith.constant 8 : i32
    %shift_right_arithmetic3A_391 = vector.broadcast %shift_right_arithmetic3A_390 : i32 to vector<128x1xi32>
    %shift_right_arithmetic3A_392 = arith.shrsi %slice3A_389, %shift_right_arithmetic3A_391 : vector<128x1xi32>
    %eq3A_393 = vector.broadcast %shift_right_arithmetic3A_392 : vector<128x1xi32> to vector<128x64xi32>
    %eq3A_394 = arith.cmpi eq, %iota3A, %eq3A_393 : vector<128x64xi32>
    %convert_element_type3A_395 = arith.extui %eq3A_394 : vector<128x64xi1> to vector<128x64xi32>
    %convert_element_type3A_396 = arith.sitofp %convert_element_type3A_395 : vector<128x64xi32> to vector<128x64xf32>
    %convert_element_type3A_397 = arith.truncf %convert_element_type3A_396 : vector<128x64xf32> to vector<128x64xbf16>
    %and3A_398 = arith.constant 255 : i32
    %and3A_399 = vector.broadcast %and3A_398 : i32 to vector<128x1xi32>
    %and3A_400 = arith.andi %slice3A_389, %and3A_399 : vector<128x1xi32>
    %eq3A_401 = vector.broadcast %and3A_400 : vector<128x1xi32> to vector<128x256xi32>
    %eq3A_402 = arith.cmpi eq, %iota3A_4, %eq3A_401 : vector<128x256xi32>
    %convert_element_type3A_403 = arith.extui %eq3A_402 : vector<128x256xi1> to vector<128x256xi32>
    %convert_element_type3A_404 = arith.sitofp %convert_element_type3A_403 : vector<128x256xi32> to vector<128x256xf32>
    %convert_element_type3A_405 = arith.truncf %convert_element_type3A_404 : vector<128x256xf32> to vector<128x256xbf16>
    %get3A_406 = arith.constant 0 : index
    %get3A_407 = arith.constant 0 : index
    %get3A_408 = vector.load %arg3[%get3A_406, %get3A_407] : memref<64x256xf32, #tpu.memory_space<vmem>>, vector<64x256xf32>
    %dot_general3A_409 = arith.constant dense<0.000000e+00> : vector<64x256xf32>
    %dot_general3A_410 = tpu.matmul %convert_element_type3A_397, %convert_element_type3A_405, %dot_general3A_409 {dimension_numbers = #tpu.dot_dimension_numbers<[0], [0], [1], [1], [0, 1, 1, 1], [], []>, transpose_lhs_hint = false} : vector<128x64xbf16>, vector<128x256xbf16>, vector<64x256xf32> -> vector<64x256xf32>
    %add3A_411 = arith.addf %get3A_408, %dot_general3A_410 : vector<64x256xf32>
    %swap3A_412 = arith.constant 0 : index
    %swap3A_413 = arith.constant 0 : index
    %swap3A_414 = vector.load %arg3[%swap3A_412, %swap3A_413] : memref<64x256xf32, #tpu.memory_space<vmem>>, vector<64x256xf32>
    tpu.vector_store %arg3[%swap3A_412, %swap3A_413], %add3A_411 {strides = array<i32>} : memref<64x256xf32, #tpu.memory_space<vmem>>, vector<64x256xf32>,
    %get3A_415 = arith.constant 0 : index
    %get3A_416 = arith.constant 0 : index
    %get3A_417 = vector.load %arg2[%get3A_415, %get3A_416] : memref<16x128xi32, #tpu.memory_space<vmem>>, vector<16x128xi32>
    %transpose3A_418 = tpu.transpose %get3A_417, [1, 0] : vector<16x128xi32> -> vector<128x16xi32>
    %iota3A_419 = tpu.iota {dimensions = array<i32: 1>} : vector<128x64xi32>
    %iota3A_420 = tpu.iota {dimensions = array<i32: 1>} : vector<128x256xi32>
    %slice3A_421 = vector.extract_strided_slice %transpose3A_418 {offsets = [0, 0], sizes = [128, 1], strides = [1, 1]} : vector<128x16xi32> to vector<128x1xi32>
    %shift_right_arithmetic3A_422 = arith.constant 8 : i32
    %shift_right_arithmetic3A_423 = vector.broadcast %shift_right_arithmetic3A_422 : i32 to vector<128x1xi32>
    %shift_right_arithmetic3A_424 = arith.shrsi %slice3A_421, %shift_right_arithmetic3A_423 : vector<128x1xi32>
    %eq3A_425 = vector.broadcast %shift_right_arithmetic3A_424 : vector<128x1xi32> to vector<128x64xi32>
    %eq3A_426 = arith.cmpi eq, %iota3A_419, %eq3A_425 : vector<128x64xi32>
    %convert_element_type3A_427 = arith.extui %eq3A_426 : vector<128x64xi1> to vector<128x64xi32>
    %convert_element_type3A_428 = arith.sitofp %convert_element_type3A_427 : vector<128x64xi32> to vector<128x64xf32>
    %convert_element_type3A_429 = arith.truncf %convert_element_type3A_428 : vector<128x64xf32> to vector<128x64xbf16>
    %and3A_430 = arith.constant 255 : i32
    %and3A_431 = vector.broadcast %and3A_430 : i32 to vector<128x1xi32>
    %and3A_432 = arith.andi %slice3A_421, %and3A_431 : vector<128x1xi32>
    %eq3A_433 = vector.broadcast %and3A_432 : vector<128x1xi32> to vector<128x256xi32>
    %eq3A_434 = arith.cmpi eq, %iota3A_420, %eq3A_433 : vector<128x256xi32>
    %convert_element_type3A_435 = arith.extui %eq3A_434 : vector<128x256xi1> to vector<128x256xi32>
    %convert_element_type3A_436 = arith.sitofp %convert_element_type3A_435 : vector<128x256xi32> to vector<128x256xf32>
    %convert_element_type3A_437 = arith.truncf %convert_element_type3A_436 : vector<128x256xf32> to vector<128x256xbf16>
    %get3A_438 = arith.constant 0 : index
    %get3A_439 = arith.constant 0 : index
    %get3A_440 = vector.load %arg4[%get3A_438, %get3A_439] : memref<64x256xf32, #tpu.memory_space<vmem>>, vector<64x256xf32>
    %dot_general3A_441 = arith.constant dense<0.000000e+00> : vector<64x256xf32>
    %dot_general3A_442 = tpu.matmul %convert_element_type3A_429, %convert_element_type3A_437, %dot_general3A_441 {dimension_numbers = #tpu.dot_dimension_numbers<[0], [0], [1], [1], [0, 1, 1, 1], [], []>, transpose_lhs_hint = false} : vector<128x64xbf16>, vector<128x256xbf16>, vector<64x256xf32> -> vector<64x256xf32>
    %add3A_443 = arith.addf %get3A_440, %dot_general3A_442 : vector<64x256xf32>
    %swap3A_444 = arith.constant 0 : index
    %swap3A_445 = arith.constant 0 : index
    %swap3A_446 = vector.load %arg4[%swap3A_444, %swap3A_445] : memref<64x256xf32, #tpu.memory_space<vmem>>, vector<64x256xf32>
    tpu.vector_store %arg4[%swap3A_444, %swap3A_445], %add3A_443 {strides = array<i32>} : memref<64x256xf32, #tpu.memory_space<vmem>>, vector<64x256xf32>,
    %slice3A_447 = vector.extract_strided_slice %transpose3A_418 {offsets = [0, 1], sizes = [128, 1], strides = [1, 1]} : vector<128x16xi32> to vector<128x1xi32>
    %shift_right_arithmetic3A_448 = arith.constant 8 : i32
    %shift_right_arithmetic3A_449 = vector.broadcast %shift_right_arithmetic3A_448 : i32 to vector<128x1xi32>
    %shift_right_arithmetic3A_450 = arith.shrsi %slice3A_447, %shift_right_arithmetic3A_449 : vector<128x1xi32>
    %eq3A_451 = vector.broadcast %shift_right_arithmetic3A_450 : vector<128x1xi32> to vector<128x64xi32>
    %eq3A_452 = arith.cmpi eq, %iota3A_419, %eq3A_451 : vector<128x64xi32>
    %convert_element_type3A_453 = arith.extui %eq3A_452 : vector<128x64xi1> to vector<128x64xi32>
    %convert_element_type3A_454 = arith.sitofp %convert_element_type3A_453 : vector<128x64xi32> to vector<128x64xf32>
    %convert_element_type3A_455 = arith.truncf %convert_element_type3A_454 : vector<128x64xf32> to vector<128x64xbf16>
    %and3A_456 = arith.constant 255 : i32
    %and3A_457 = vector.broadcast %and3A_456 : i32 to vector<128x1xi32>
    %and3A_458 = arith.andi %slice3A_447, %and3A_457 : vector<128x1xi32>
    %eq3A_459 = vector.broadcast %and3A_458 : vector<128x1xi32> to vector<128x256xi32>
    %eq3A_460 = arith.cmpi eq, %iota3A_420, %eq3A_459 : vector<128x256xi32>
    %convert_element_type3A_461 = arith.extui %eq3A_460 : vector<128x256xi1> to vector<128x256xi32>
    %convert_element_type3A_462 = arith.sitofp %convert_element_type3A_461 : vector<128x256xi32> to vector<128x256xf32>
    %convert_element_type3A_463 = arith.truncf %convert_element_type3A_462 : vector<128x256xf32> to vector<128x256xbf16>
    %get3A_464 = arith.constant 0 : index
    %get3A_465 = arith.constant 0 : index
    %get3A_466 = vector.load %arg4[%get3A_464, %get3A_465] : memref<64x256xf32, #tpu.memory_space<vmem>>, vector<64x256xf32>
    %dot_general3A_467 = arith.constant dense<0.000000e+00> : vector<64x256xf32>
    %dot_general3A_468 = tpu.matmul %convert_element_type3A_455, %convert_element_type3A_463, %dot_general3A_467 {dimension_numbers = #tpu.dot_dimension_numbers<[0], [0], [1], [1], [0, 1, 1, 1], [], []>, transpose_lhs_hint = false} : vector<128x64xbf16>, vector<128x256xbf16>, vector<64x256xf32> -> vector<64x256xf32>
    %add3A_469 = arith.addf %get3A_466, %dot_general3A_468 : vector<64x256xf32>
    %swap3A_470 = arith.constant 0 : index
    %swap3A_471 = arith.constant 0 : index
    %swap3A_472 = vector.load %arg4[%swap3A_470, %swap3A_471] : memref<64x256xf32, #tpu.memory_space<vmem>>, vector<64x256xf32>
    tpu.vector_store %arg4[%swap3A_470, %swap3A_471], %add3A_469 {strides = array<i32>} : memref<64x256xf32, #tpu.memory_space<vmem>>, vector<64x256xf32>,
    %slice3A_473 = vector.extract_strided_slice %transpose3A_418 {offsets = [0, 2], sizes = [128, 1], strides = [1, 1]} : vector<128x16xi32> to vector<128x1xi32>
    %shift_right_arithmetic3A_474 = arith.constant 8 : i32
    %shift_right_arithmetic3A_475 = vector.broadcast %shift_right_arithmetic3A_474 : i32 to vector<128x1xi32>
    %shift_right_arithmetic3A_476 = arith.shrsi %slice3A_473, %shift_right_arithmetic3A_475 : vector<128x1xi32>
    %eq3A_477 = vector.broadcast %shift_right_arithmetic3A_476 : vector<128x1xi32> to vector<128x64xi32>
    %eq3A_478 = arith.cmpi eq, %iota3A_419, %eq3A_477 : vector<128x64xi32>
    %convert_element_type3A_479 = arith.extui %eq3A_478 : vector<128x64xi1> to vector<128x64xi32>
    %convert_element_type3A_480 = arith.sitofp %convert_element_type3A_479 : vector<128x64xi32> to vector<128x64xf32>
    %convert_element_type3A_481 = arith.truncf %convert_element_type3A_480 : vector<128x64xf32> to vector<128x64xbf16>
    %and3A_482 = arith.constant 255 : i32
    %and3A_483 = vector.broadcast %and3A_482 : i32 to vector<128x1xi32>
    %and3A_484 = arith.andi %slice3A_473, %and3A_483 : vector<128x1xi32>
    %eq3A_485 = vector.broadcast %and3A_484 : vector<128x1xi32> to vector<128x256xi32>
    %eq3A_486 = arith.cmpi eq, %iota3A_420, %eq3A_485 : vector<128x256xi32>
    %convert_element_type3A_487 = arith.extui %eq3A_486 : vector<128x256xi1> to vector<128x256xi32>
    %convert_element_type3A_488 = arith.sitofp %convert_element_type3A_487 : vector<128x256xi32> to vector<128x256xf32>
    %convert_element_type3A_489 = arith.truncf %convert_element_type3A_488 : vector<128x256xf32> to vector<128x256xbf16>
    %get3A_490 = arith.constant 0 : index
    %get3A_491 = arith.constant 0 : index
    %get3A_492 = vector.load %arg4[%get3A_490, %get3A_491] : memref<64x256xf32, #tpu.memory_space<vmem>>, vector<64x256xf32>
    %dot_general3A_493 = arith.constant dense<0.000000e+00> : vector<64x256xf32>
    %dot_general3A_494 = tpu.matmul %convert_element_type3A_481, %convert_element_type3A_489, %dot_general3A_493 {dimension_numbers = #tpu.dot_dimension_numbers<[0], [0], [1], [1], [0, 1, 1, 1], [], []>, transpose_lhs_hint = false} : vector<128x64xbf16>, vector<128x256xbf16>, vector<64x256xf32> -> vector<64x256xf32>
    %add3A_495 = arith.addf %get3A_492, %dot_general3A_494 : vector<64x256xf32>
    %swap3A_496 = arith.constant 0 : index
    %swap3A_497 = arith.constant 0 : index
    %swap3A_498 = vector.load %arg4[%swap3A_496, %swap3A_497] : memref<64x256xf32, #tpu.memory_space<vmem>>, vector<64x256xf32>
    tpu.vector_store %arg4[%swap3A_496, %swap3A_497], %add3A_495 {strides = array<i32>} : memref<64x256xf32, #tpu.memory_space<vmem>>, vector<64x256xf32>,
    %slice3A_499 = vector.extract_strided_slice %transpose3A_418 {offsets = [0, 3], sizes = [128, 1], strides = [1, 1]} : vector<128x16xi32> to vector<128x1xi32>
    %shift_right_arithmetic3A_500 = arith.constant 8 : i32
    %shift_right_arithmetic3A_501 = vector.broadcast %shift_right_arithmetic3A_500 : i32 to vector<128x1xi32>
    %shift_right_arithmetic3A_502 = arith.shrsi %slice3A_499, %shift_right_arithmetic3A_501 : vector<128x1xi32>
    %eq3A_503 = vector.broadcast %shift_right_arithmetic3A_502 : vector<128x1xi32> to vector<128x64xi32>
    %eq3A_504 = arith.cmpi eq, %iota3A_419, %eq3A_503 : vector<128x64xi32>
    %convert_element_type3A_505 = arith.extui %eq3A_504 : vector<128x64xi1> to vector<128x64xi32>
    %convert_element_type3A_506 = arith.sitofp %convert_element_type3A_505 : vector<128x64xi32> to vector<128x64xf32>
    %convert_element_type3A_507 = arith.truncf %convert_element_type3A_506 : vector<128x64xf32> to vector<128x64xbf16>
    %and3A_508 = arith.constant 255 : i32
    %and3A_509 = vector.broadcast %and3A_508 : i32 to vector<128x1xi32>
    %and3A_510 = arith.andi %slice3A_499, %and3A_509 : vector<128x1xi32>
    %eq3A_511 = vector.broadcast %and3A_510 : vector<128x1xi32> to vector<128x256xi32>
    %eq3A_512 = arith.cmpi eq, %iota3A_420, %eq3A_511 : vector<128x256xi32>
    %convert_element_type3A_513 = arith.extui %eq3A_512 : vector<128x256xi1> to vector<128x256xi32>
    %convert_element_type3A_514 = arith.sitofp %convert_element_type3A_513 : vector<128x256xi32> to vector<128x256xf32>
    %convert_element_type3A_515 = arith.truncf %convert_element_type3A_514 : vector<128x256xf32> to vector<128x256xbf16>
    %get3A_516 = arith.constant 0 : index
    %get3A_517 = arith.constant 0 : index
    %get3A_518 = vector.load %arg4[%get3A_516, %get3A_517] : memref<64x256xf32, #tpu.memory_space<vmem>>, vector<64x256xf32>
    %dot_general3A_519 = arith.constant dense<0.000000e+00> : vector<64x256xf32>
    %dot_general3A_520 = tpu.matmul %convert_element_type3A_507, %convert_element_type3A_515, %dot_general3A_519 {dimension_numbers = #tpu.dot_dimension_numbers<[0], [0], [1], [1], [0, 1, 1, 1], [], []>, transpose_lhs_hint = false} : vector<128x64xbf16>, vector<128x256xbf16>, vector<64x256xf32> -> vector<64x256xf32>
    %add3A_521 = arith.addf %get3A_518, %dot_general3A_520 : vector<64x256xf32>
    %swap3A_522 = arith.constant 0 : index
    %swap3A_523 = arith.constant 0 : index
    %swap3A_524 = vector.load %arg4[%swap3A_522, %swap3A_523] : memref<64x256xf32, #tpu.memory_space<vmem>>, vector<64x256xf32>
    tpu.vector_store %arg4[%swap3A_522, %swap3A_523], %add3A_521 {strides = array<i32>} : memref<64x256xf32, #tpu.memory_space<vmem>>, vector<64x256xf32>,
    %slice3A_525 = vector.extract_strided_slice %transpose3A_418 {offsets = [0, 4], sizes = [128, 1], strides = [1, 1]} : vector<128x16xi32> to vector<128x1xi32>
    %shift_right_arithmetic3A_526 = arith.constant 8 : i32
    %shift_right_arithmetic3A_527 = vector.broadcast %shift_right_arithmetic3A_526 : i32 to vector<128x1xi32>
    %shift_right_arithmetic3A_528 = arith.shrsi %slice3A_525, %shift_right_arithmetic3A_527 : vector<128x1xi32>
    %eq3A_529 = vector.broadcast %shift_right_arithmetic3A_528 : vector<128x1xi32> to vector<128x64xi32>
    %eq3A_530 = arith.cmpi eq, %iota3A_419, %eq3A_529 : vector<128x64xi32>
    %convert_element_type3A_531 = arith.extui %eq3A_530 : vector<128x64xi1> to vector<128x64xi32>
    %convert_element_type3A_532 = arith.sitofp %convert_element_type3A_531 : vector<128x64xi32> to vector<128x64xf32>
    %convert_element_type3A_533 = arith.truncf %convert_element_type3A_532 : vector<128x64xf32> to vector<128x64xbf16>
    %and3A_534 = arith.constant 255 : i32
    %and3A_535 = vector.broadcast %and3A_534 : i32 to vector<128x1xi32>
    %and3A_536 = arith.andi %slice3A_525, %and3A_535 : vector<128x1xi32>
    %eq3A_537 = vector.broadcast %and3A_536 : vector<128x1xi32> to vector<128x256xi32>
    %eq3A_538 = arith.cmpi eq, %iota3A_420, %eq3A_537 : vector<128x256xi32>
    %convert_element_type3A_539 = arith.extui %eq3A_538 : vector<128x256xi1> to vector<128x256xi32>
    %convert_element_type3A_540 = arith.sitofp %convert_element_type3A_539 : vector<128x256xi32> to vector<128x256xf32>
    %convert_element_type3A_541 = arith.truncf %convert_element_type3A_540 : vector<128x256xf32> to vector<128x256xbf16>
    %get3A_542 = arith.constant 0 : index
    %get3A_543 = arith.constant 0 : index
    %get3A_544 = vector.load %arg4[%get3A_542, %get3A_543] : memref<64x256xf32, #tpu.memory_space<vmem>>, vector<64x256xf32>
    %dot_general3A_545 = arith.constant dense<0.000000e+00> : vector<64x256xf32>
    %dot_general3A_546 = tpu.matmul %convert_element_type3A_533, %convert_element_type3A_541, %dot_general3A_545 {dimension_numbers = #tpu.dot_dimension_numbers<[0], [0], [1], [1], [0, 1, 1, 1], [], []>, transpose_lhs_hint = false} : vector<128x64xbf16>, vector<128x256xbf16>, vector<64x256xf32> -> vector<64x256xf32>
    %add3A_547 = arith.addf %get3A_544, %dot_general3A_546 : vector<64x256xf32>
    %swap3A_548 = arith.constant 0 : index
    %swap3A_549 = arith.constant 0 : index
    %swap3A_550 = vector.load %arg4[%swap3A_548, %swap3A_549] : memref<64x256xf32, #tpu.memory_space<vmem>>, vector<64x256xf32>
    tpu.vector_store %arg4[%swap3A_548, %swap3A_549], %add3A_547 {strides = array<i32>} : memref<64x256xf32, #tpu.memory_space<vmem>>, vector<64x256xf32>,
    %slice3A_551 = vector.extract_strided_slice %transpose3A_418 {offsets = [0, 5], sizes = [128, 1], strides = [1, 1]} : vector<128x16xi32> to vector<128x1xi32>
    %shift_right_arithmetic3A_552 = arith.constant 8 : i32
    %shift_right_arithmetic3A_553 = vector.broadcast %shift_right_arithmetic3A_552 : i32 to vector<128x1xi32>
    %shift_right_arithmetic3A_554 = arith.shrsi %slice3A_551, %shift_right_arithmetic3A_553 : vector<128x1xi32>
    %eq3A_555 = vector.broadcast %shift_right_arithmetic3A_554 : vector<128x1xi32> to vector<128x64xi32>
    %eq3A_556 = arith.cmpi eq, %iota3A_419, %eq3A_555 : vector<128x64xi32>
    %convert_element_type3A_557 = arith.extui %eq3A_556 : vector<128x64xi1> to vector<128x64xi32>
    %convert_element_type3A_558 = arith.sitofp %convert_element_type3A_557 : vector<128x64xi32> to vector<128x64xf32>
    %convert_element_type3A_559 = arith.truncf %convert_element_type3A_558 : vector<128x64xf32> to vector<128x64xbf16>
    %and3A_560 = arith.constant 255 : i32
    %and3A_561 = vector.broadcast %and3A_560 : i32 to vector<128x1xi32>
    %and3A_562 = arith.andi %slice3A_551, %and3A_561 : vector<128x1xi32>
    %eq3A_563 = vector.broadcast %and3A_562 : vector<128x1xi32> to vector<128x256xi32>
    %eq3A_564 = arith.cmpi eq, %iota3A_420, %eq3A_563 : vector<128x256xi32>
    %convert_element_type3A_565 = arith.extui %eq3A_564 : vector<128x256xi1> to vector<128x256xi32>
    %convert_element_type3A_566 = arith.sitofp %convert_element_type3A_565 : vector<128x256xi32> to vector<128x256xf32>
    %convert_element_type3A_567 = arith.truncf %convert_element_type3A_566 : vector<128x256xf32> to vector<128x256xbf16>
    %get3A_568 = arith.constant 0 : index
    %get3A_569 = arith.constant 0 : index
    %get3A_570 = vector.load %arg4[%get3A_568, %get3A_569] : memref<64x256xf32, #tpu.memory_space<vmem>>, vector<64x256xf32>
    %dot_general3A_571 = arith.constant dense<0.000000e+00> : vector<64x256xf32>
    %dot_general3A_572 = tpu.matmul %convert_element_type3A_559, %convert_element_type3A_567, %dot_general3A_571 {dimension_numbers = #tpu.dot_dimension_numbers<[0], [0], [1], [1], [0, 1, 1, 1], [], []>, transpose_lhs_hint = false} : vector<128x64xbf16>, vector<128x256xbf16>, vector<64x256xf32> -> vector<64x256xf32>
    %add3A_573 = arith.addf %get3A_570, %dot_general3A_572 : vector<64x256xf32>
    %swap3A_574 = arith.constant 0 : index
    %swap3A_575 = arith.constant 0 : index
    %swap3A_576 = vector.load %arg4[%swap3A_574, %swap3A_575] : memref<64x256xf32, #tpu.memory_space<vmem>>, vector<64x256xf32>
    tpu.vector_store %arg4[%swap3A_574, %swap3A_575], %add3A_573 {strides = array<i32>} : memref<64x256xf32, #tpu.memory_space<vmem>>, vector<64x256xf32>,
    %slice3A_577 = vector.extract_strided_slice %transpose3A_418 {offsets = [0, 6], sizes = [128, 1], strides = [1, 1]} : vector<128x16xi32> to vector<128x1xi32>
    %shift_right_arithmetic3A_578 = arith.constant 8 : i32
    %shift_right_arithmetic3A_579 = vector.broadcast %shift_right_arithmetic3A_578 : i32 to vector<128x1xi32>
    %shift_right_arithmetic3A_580 = arith.shrsi %slice3A_577, %shift_right_arithmetic3A_579 : vector<128x1xi32>
    %eq3A_581 = vector.broadcast %shift_right_arithmetic3A_580 : vector<128x1xi32> to vector<128x64xi32>
    %eq3A_582 = arith.cmpi eq, %iota3A_419, %eq3A_581 : vector<128x64xi32>
    %convert_element_type3A_583 = arith.extui %eq3A_582 : vector<128x64xi1> to vector<128x64xi32>
    %convert_element_type3A_584 = arith.sitofp %convert_element_type3A_583 : vector<128x64xi32> to vector<128x64xf32>
    %convert_element_type3A_585 = arith.truncf %convert_element_type3A_584 : vector<128x64xf32> to vector<128x64xbf16>
    %and3A_586 = arith.constant 255 : i32
    %and3A_587 = vector.broadcast %and3A_586 : i32 to vector<128x1xi32>
    %and3A_588 = arith.andi %slice3A_577, %and3A_587 : vector<128x1xi32>
    %eq3A_589 = vector.broadcast %and3A_588 : vector<128x1xi32> to vector<128x256xi32>
    %eq3A_590 = arith.cmpi eq, %iota3A_420, %eq3A_589 : vector<128x256xi32>
    %convert_element_type3A_591 = arith.extui %eq3A_590 : vector<128x256xi1> to vector<128x256xi32>
    %convert_element_type3A_592 = arith.sitofp %convert_element_type3A_591 : vector<128x256xi32> to vector<128x256xf32>
    %convert_element_type3A_593 = arith.truncf %convert_element_type3A_592 : vector<128x256xf32> to vector<128x256xbf16>
    %get3A_594 = arith.constant 0 : index
    %get3A_595 = arith.constant 0 : index
    %get3A_596 = vector.load %arg4[%get3A_594, %get3A_595] : memref<64x256xf32, #tpu.memory_space<vmem>>, vector<64x256xf32>
    %dot_general3A_597 = arith.constant dense<0.000000e+00> : vector<64x256xf32>
    %dot_general3A_598 = tpu.matmul %convert_element_type3A_585, %convert_element_type3A_593, %dot_general3A_597 {dimension_numbers = #tpu.dot_dimension_numbers<[0], [0], [1], [1], [0, 1, 1, 1], [], []>, transpose_lhs_hint = false} : vector<128x64xbf16>, vector<128x256xbf16>, vector<64x256xf32> -> vector<64x256xf32>
    %add3A_599 = arith.addf %get3A_596, %dot_general3A_598 : vector<64x256xf32>
    %swap3A_600 = arith.constant 0 : index
    %swap3A_601 = arith.constant 0 : index
    %swap3A_602 = vector.load %arg4[%swap3A_600, %swap3A_601] : memref<64x256xf32, #tpu.memory_space<vmem>>, vector<64x256xf32>
    tpu.vector_store %arg4[%swap3A_600, %swap3A_601], %add3A_599 {strides = array<i32>} : memref<64x256xf32, #tpu.memory_space<vmem>>, vector<64x256xf32>,
    %slice3A_603 = vector.extract_strided_slice %transpose3A_418 {offsets = [0, 7], sizes = [128, 1], strides = [1, 1]} : vector<128x16xi32> to vector<128x1xi32>
    %shift_right_arithmetic3A_604 = arith.constant 8 : i32
    %shift_right_arithmetic3A_605 = vector.broadcast %shift_right_arithmetic3A_604 : i32 to vector<128x1xi32>
    %shift_right_arithmetic3A_606 = arith.shrsi %slice3A_603, %shift_right_arithmetic3A_605 : vector<128x1xi32>
    %eq3A_607 = vector.broadcast %shift_right_arithmetic3A_606 : vector<128x1xi32> to vector<128x64xi32>
    %eq3A_608 = arith.cmpi eq, %iota3A_419, %eq3A_607 : vector<128x64xi32>
    %convert_element_type3A_609 = arith.extui %eq3A_608 : vector<128x64xi1> to vector<128x64xi32>
    %convert_element_type3A_610 = arith.sitofp %convert_element_type3A_609 : vector<128x64xi32> to vector<128x64xf32>
    %convert_element_type3A_611 = arith.truncf %convert_element_type3A_610 : vector<128x64xf32> to vector<128x64xbf16>
    %and3A_612 = arith.constant 255 : i32
    %and3A_613 = vector.broadcast %and3A_612 : i32 to vector<128x1xi32>
    %and3A_614 = arith.andi %slice3A_603, %and3A_613 : vector<128x1xi32>
    %eq3A_615 = vector.broadcast %and3A_614 : vector<128x1xi32> to vector<128x256xi32>
    %eq3A_616 = arith.cmpi eq, %iota3A_420, %eq3A_615 : vector<128x256xi32>
    %convert_element_type3A_617 = arith.extui %eq3A_616 : vector<128x256xi1> to vector<128x256xi32>
    %convert_element_type3A_618 = arith.sitofp %convert_element_type3A_617 : vector<128x256xi32> to vector<128x256xf32>
    %convert_element_type3A_619 = arith.truncf %convert_element_type3A_618 : vector<128x256xf32> to vector<128x256xbf16>
    %get3A_620 = arith.constant 0 : index
    %get3A_621 = arith.constant 0 : index
    %get3A_622 = vector.load %arg4[%get3A_620, %get3A_621] : memref<64x256xf32, #tpu.memory_space<vmem>>, vector<64x256xf32>
    %dot_general3A_623 = arith.constant dense<0.000000e+00> : vector<64x256xf32>
    %dot_general3A_624 = tpu.matmul %convert_element_type3A_611, %convert_element_type3A_619, %dot_general3A_623 {dimension_numbers = #tpu.dot_dimension_numbers<[0], [0], [1], [1], [0, 1, 1, 1], [], []>, transpose_lhs_hint = false} : vector<128x64xbf16>, vector<128x256xbf16>, vector<64x256xf32> -> vector<64x256xf32>
    %add3A_625 = arith.addf %get3A_622, %dot_general3A_624 : vector<64x256xf32>
    %swap3A_626 = arith.constant 0 : index
    %swap3A_627 = arith.constant 0 : index
    %swap3A_628 = vector.load %arg4[%swap3A_626, %swap3A_627] : memref<64x256xf32, #tpu.memory_space<vmem>>, vector<64x256xf32>
    tpu.vector_store %arg4[%swap3A_626, %swap3A_627], %add3A_625 {strides = array<i32>} : memref<64x256xf32, #tpu.memory_space<vmem>>, vector<64x256xf32>,
    %slice3A_629 = vector.extract_strided_slice %transpose3A_418 {offsets = [0, 8], sizes = [128, 1], strides = [1, 1]} : vector<128x16xi32> to vector<128x1xi32>
    %shift_right_arithmetic3A_630 = arith.constant 8 : i32
    %shift_right_arithmetic3A_631 = vector.broadcast %shift_right_arithmetic3A_630 : i32 to vector<128x1xi32>
    %shift_right_arithmetic3A_632 = arith.shrsi %slice3A_629, %shift_right_arithmetic3A_631 : vector<128x1xi32>
    %eq3A_633 = vector.broadcast %shift_right_arithmetic3A_632 : vector<128x1xi32> to vector<128x64xi32>
    %eq3A_634 = arith.cmpi eq, %iota3A_419, %eq3A_633 : vector<128x64xi32>
    %convert_element_type3A_635 = arith.extui %eq3A_634 : vector<128x64xi1> to vector<128x64xi32>
    %convert_element_type3A_636 = arith.sitofp %convert_element_type3A_635 : vector<128x64xi32> to vector<128x64xf32>
    %convert_element_type3A_637 = arith.truncf %convert_element_type3A_636 : vector<128x64xf32> to vector<128x64xbf16>
    %and3A_638 = arith.constant 255 : i32
    %and3A_639 = vector.broadcast %and3A_638 : i32 to vector<128x1xi32>
    %and3A_640 = arith.andi %slice3A_629, %and3A_639 : vector<128x1xi32>
    %eq3A_641 = vector.broadcast %and3A_640 : vector<128x1xi32> to vector<128x256xi32>
    %eq3A_642 = arith.cmpi eq, %iota3A_420, %eq3A_641 : vector<128x256xi32>
    %convert_element_type3A_643 = arith.extui %eq3A_642 : vector<128x256xi1> to vector<128x256xi32>
    %convert_element_type3A_644 = arith.sitofp %convert_element_type3A_643 : vector<128x256xi32> to vector<128x256xf32>
    %convert_element_type3A_645 = arith.truncf %convert_element_type3A_644 : vector<128x256xf32> to vector<128x256xbf16>
    %get3A_646 = arith.constant 0 : index
    %get3A_647 = arith.constant 0 : index
    %get3A_648 = vector.load %arg4[%get3A_646, %get3A_647] : memref<64x256xf32, #tpu.memory_space<vmem>>, vector<64x256xf32>
    %dot_general3A_649 = arith.constant dense<0.000000e+00> : vector<64x256xf32>
    %dot_general3A_650 = tpu.matmul %convert_element_type3A_637, %convert_element_type3A_645, %dot_general3A_649 {dimension_numbers = #tpu.dot_dimension_numbers<[0], [0], [1], [1], [0, 1, 1, 1], [], []>, transpose_lhs_hint = false} : vector<128x64xbf16>, vector<128x256xbf16>, vector<64x256xf32> -> vector<64x256xf32>
    %add3A_651 = arith.addf %get3A_648, %dot_general3A_650 : vector<64x256xf32>
    %swap3A_652 = arith.constant 0 : index
    %swap3A_653 = arith.constant 0 : index
    %swap3A_654 = vector.load %arg4[%swap3A_652, %swap3A_653] : memref<64x256xf32, #tpu.memory_space<vmem>>, vector<64x256xf32>
    tpu.vector_store %arg4[%swap3A_652, %swap3A_653], %add3A_651 {strides = array<i32>} : memref<64x256xf32, #tpu.memory_space<vmem>>, vector<64x256xf32>,
    %slice3A_655 = vector.extract_strided_slice %transpose3A_418 {offsets = [0, 9], sizes = [128, 1], strides = [1, 1]} : vector<128x16xi32> to vector<128x1xi32>
    %shift_right_arithmetic3A_656 = arith.constant 8 : i32
    %shift_right_arithmetic3A_657 = vector.broadcast %shift_right_arithmetic3A_656 : i32 to vector<128x1xi32>
    %shift_right_arithmetic3A_658 = arith.shrsi %slice3A_655, %shift_right_arithmetic3A_657 : vector<128x1xi32>
    %eq3A_659 = vector.broadcast %shift_right_arithmetic3A_658 : vector<128x1xi32> to vector<128x64xi32>
    %eq3A_660 = arith.cmpi eq, %iota3A_419, %eq3A_659 : vector<128x64xi32>
    %convert_element_type3A_661 = arith.extui %eq3A_660 : vector<128x64xi1> to vector<128x64xi32>
    %convert_element_type3A_662 = arith.sitofp %convert_element_type3A_661 : vector<128x64xi32> to vector<128x64xf32>
    %convert_element_type3A_663 = arith.truncf %convert_element_type3A_662 : vector<128x64xf32> to vector<128x64xbf16>
    %and3A_664 = arith.constant 255 : i32
    %and3A_665 = vector.broadcast %and3A_664 : i32 to vector<128x1xi32>
    %and3A_666 = arith.andi %slice3A_655, %and3A_665 : vector<128x1xi32>
    %eq3A_667 = vector.broadcast %and3A_666 : vector<128x1xi32> to vector<128x256xi32>
    %eq3A_668 = arith.cmpi eq, %iota3A_420, %eq3A_667 : vector<128x256xi32>
    %convert_element_type3A_669 = arith.extui %eq3A_668 : vector<128x256xi1> to vector<128x256xi32>
    %convert_element_type3A_670 = arith.sitofp %convert_element_type3A_669 : vector<128x256xi32> to vector<128x256xf32>
    %convert_element_type3A_671 = arith.truncf %convert_element_type3A_670 : vector<128x256xf32> to vector<128x256xbf16>
    %get3A_672 = arith.constant 0 : index
    %get3A_673 = arith.constant 0 : index
    %get3A_674 = vector.load %arg4[%get3A_672, %get3A_673] : memref<64x256xf32, #tpu.memory_space<vmem>>, vector<64x256xf32>
    %dot_general3A_675 = arith.constant dense<0.000000e+00> : vector<64x256xf32>
    %dot_general3A_676 = tpu.matmul %convert_element_type3A_663, %convert_element_type3A_671, %dot_general3A_675 {dimension_numbers = #tpu.dot_dimension_numbers<[0], [0], [1], [1], [0, 1, 1, 1], [], []>, transpose_lhs_hint = false} : vector<128x64xbf16>, vector<128x256xbf16>, vector<64x256xf32> -> vector<64x256xf32>
    %add3A_677 = arith.addf %get3A_674, %dot_general3A_676 : vector<64x256xf32>
    %swap3A_678 = arith.constant 0 : index
    %swap3A_679 = arith.constant 0 : index
    %swap3A_680 = vector.load %arg4[%swap3A_678, %swap3A_679] : memref<64x256xf32, #tpu.memory_space<vmem>>, vector<64x256xf32>
    tpu.vector_store %arg4[%swap3A_678, %swap3A_679], %add3A_677 {strides = array<i32>} : memref<64x256xf32, #tpu.memory_space<vmem>>, vector<64x256xf32>,
    %slice3A_681 = vector.extract_strided_slice %transpose3A_418 {offsets = [0, 10], sizes = [128, 1], strides = [1, 1]} : vector<128x16xi32> to vector<128x1xi32>
    %shift_right_arithmetic3A_682 = arith.constant 8 : i32
    %shift_right_arithmetic3A_683 = vector.broadcast %shift_right_arithmetic3A_682 : i32 to vector<128x1xi32>
    %shift_right_arithmetic3A_684 = arith.shrsi %slice3A_681, %shift_right_arithmetic3A_683 : vector<128x1xi32>
    %eq3A_685 = vector.broadcast %shift_right_arithmetic3A_684 : vector<128x1xi32> to vector<128x64xi32>
    %eq3A_686 = arith.cmpi eq, %iota3A_419, %eq3A_685 : vector<128x64xi32>
    %convert_element_type3A_687 = arith.extui %eq3A_686 : vector<128x64xi1> to vector<128x64xi32>
    %convert_element_type3A_688 = arith.sitofp %convert_element_type3A_687 : vector<128x64xi32> to vector<128x64xf32>
    %convert_element_type3A_689 = arith.truncf %convert_element_type3A_688 : vector<128x64xf32> to vector<128x64xbf16>
    %and3A_690 = arith.constant 255 : i32
    %and3A_691 = vector.broadcast %and3A_690 : i32 to vector<128x1xi32>
    %and3A_692 = arith.andi %slice3A_681, %and3A_691 : vector<128x1xi32>
    %eq3A_693 = vector.broadcast %and3A_692 : vector<128x1xi32> to vector<128x256xi32>
    %eq3A_694 = arith.cmpi eq, %iota3A_420, %eq3A_693 : vector<128x256xi32>
    %convert_element_type3A_695 = arith.extui %eq3A_694 : vector<128x256xi1> to vector<128x256xi32>
    %convert_element_type3A_696 = arith.sitofp %convert_element_type3A_695 : vector<128x256xi32> to vector<128x256xf32>
    %convert_element_type3A_697 = arith.truncf %convert_element_type3A_696 : vector<128x256xf32> to vector<128x256xbf16>
    %get3A_698 = arith.constant 0 : index
    %get3A_699 = arith.constant 0 : index
    %get3A_700 = vector.load %arg4[%get3A_698, %get3A_699] : memref<64x256xf32, #tpu.memory_space<vmem>>, vector<64x256xf32>
    %dot_general3A_701 = arith.constant dense<0.000000e+00> : vector<64x256xf32>
    %dot_general3A_702 = tpu.matmul %convert_element_type3A_689, %convert_element_type3A_697, %dot_general3A_701 {dimension_numbers = #tpu.dot_dimension_numbers<[0], [0], [1], [1], [0, 1, 1, 1], [], []>, transpose_lhs_hint = false} : vector<128x64xbf16>, vector<128x256xbf16>, vector<64x256xf32> -> vector<64x256xf32>
    %add3A_703 = arith.addf %get3A_700, %dot_general3A_702 : vector<64x256xf32>
    %swap3A_704 = arith.constant 0 : index
    %swap3A_705 = arith.constant 0 : index
    %swap3A_706 = vector.load %arg4[%swap3A_704, %swap3A_705] : memref<64x256xf32, #tpu.memory_space<vmem>>, vector<64x256xf32>
    tpu.vector_store %arg4[%swap3A_704, %swap3A_705], %add3A_703 {strides = array<i32>} : memref<64x256xf32, #tpu.memory_space<vmem>>, vector<64x256xf32>,
    %slice3A_707 = vector.extract_strided_slice %transpose3A_418 {offsets = [0, 11], sizes = [128, 1], strides = [1, 1]} : vector<128x16xi32> to vector<128x1xi32>
    %shift_right_arithmetic3A_708 = arith.constant 8 : i32
    %shift_right_arithmetic3A_709 = vector.broadcast %shift_right_arithmetic3A_708 : i32 to vector<128x1xi32>
    %shift_right_arithmetic3A_710 = arith.shrsi %slice3A_707, %shift_right_arithmetic3A_709 : vector<128x1xi32>
    %eq3A_711 = vector.broadcast %shift_right_arithmetic3A_710 : vector<128x1xi32> to vector<128x64xi32>
    %eq3A_712 = arith.cmpi eq, %iota3A_419, %eq3A_711 : vector<128x64xi32>
    %convert_element_type3A_713 = arith.extui %eq3A_712 : vector<128x64xi1> to vector<128x64xi32>
    %convert_element_type3A_714 = arith.sitofp %convert_element_type3A_713 : vector<128x64xi32> to vector<128x64xf32>
    %convert_element_type3A_715 = arith.truncf %convert_element_type3A_714 : vector<128x64xf32> to vector<128x64xbf16>
    %and3A_716 = arith.constant 255 : i32
    %and3A_717 = vector.broadcast %and3A_716 : i32 to vector<128x1xi32>
    %and3A_718 = arith.andi %slice3A_707, %and3A_717 : vector<128x1xi32>
    %eq3A_719 = vector.broadcast %and3A_718 : vector<128x1xi32> to vector<128x256xi32>
    %eq3A_720 = arith.cmpi eq, %iota3A_420, %eq3A_719 : vector<128x256xi32>
    %convert_element_type3A_721 = arith.extui %eq3A_720 : vector<128x256xi1> to vector<128x256xi32>
    %convert_element_type3A_722 = arith.sitofp %convert_element_type3A_721 : vector<128x256xi32> to vector<128x256xf32>
    %convert_element_type3A_723 = arith.truncf %convert_element_type3A_722 : vector<128x256xf32> to vector<128x256xbf16>
    %get3A_724 = arith.constant 0 : index
    %get3A_725 = arith.constant 0 : index
    %get3A_726 = vector.load %arg4[%get3A_724, %get3A_725] : memref<64x256xf32, #tpu.memory_space<vmem>>, vector<64x256xf32>
    %dot_general3A_727 = arith.constant dense<0.000000e+00> : vector<64x256xf32>
    %dot_general3A_728 = tpu.matmul %convert_element_type3A_715, %convert_element_type3A_723, %dot_general3A_727 {dimension_numbers = #tpu.dot_dimension_numbers<[0], [0], [1], [1], [0, 1, 1, 1], [], []>, transpose_lhs_hint = false} : vector<128x64xbf16>, vector<128x256xbf16>, vector<64x256xf32> -> vector<64x256xf32>
    %add3A_729 = arith.addf %get3A_726, %dot_general3A_728 : vector<64x256xf32>
    %swap3A_730 = arith.constant 0 : index
    %swap3A_731 = arith.constant 0 : index
    %swap3A_732 = vector.load %arg4[%swap3A_730, %swap3A_731] : memref<64x256xf32, #tpu.memory_space<vmem>>, vector<64x256xf32>
    tpu.vector_store %arg4[%swap3A_730, %swap3A_731], %add3A_729 {strides = array<i32>} : memref<64x256xf32, #tpu.memory_space<vmem>>, vector<64x256xf32>,
    %slice3A_733 = vector.extract_strided_slice %transpose3A_418 {offsets = [0, 12], sizes = [128, 1], strides = [1, 1]} : vector<128x16xi32> to vector<128x1xi32>
    %shift_right_arithmetic3A_734 = arith.constant 8 : i32
    %shift_right_arithmetic3A_735 = vector.broadcast %shift_right_arithmetic3A_734 : i32 to vector<128x1xi32>
    %shift_right_arithmetic3A_736 = arith.shrsi %slice3A_733, %shift_right_arithmetic3A_735 : vector<128x1xi32>
    %eq3A_737 = vector.broadcast %shift_right_arithmetic3A_736 : vector<128x1xi32> to vector<128x64xi32>
    %eq3A_738 = arith.cmpi eq, %iota3A_419, %eq3A_737 : vector<128x64xi32>
    %convert_element_type3A_739 = arith.extui %eq3A_738 : vector<128x64xi1> to vector<128x64xi32>
    %convert_element_type3A_740 = arith.sitofp %convert_element_type3A_739 : vector<128x64xi32> to vector<128x64xf32>
    %convert_element_type3A_741 = arith.truncf %convert_element_type3A_740 : vector<128x64xf32> to vector<128x64xbf16>
    %and3A_742 = arith.constant 255 : i32
    %and3A_743 = vector.broadcast %and3A_742 : i32 to vector<128x1xi32>
    %and3A_744 = arith.andi %slice3A_733, %and3A_743 : vector<128x1xi32>
    %eq3A_745 = vector.broadcast %and3A_744 : vector<128x1xi32> to vector<128x256xi32>
    %eq3A_746 = arith.cmpi eq, %iota3A_420, %eq3A_745 : vector<128x256xi32>
    %convert_element_type3A_747 = arith.extui %eq3A_746 : vector<128x256xi1> to vector<128x256xi32>
    %convert_element_type3A_748 = arith.sitofp %convert_element_type3A_747 : vector<128x256xi32> to vector<128x256xf32>
    %convert_element_type3A_749 = arith.truncf %convert_element_type3A_748 : vector<128x256xf32> to vector<128x256xbf16>
    %get3A_750 = arith.constant 0 : index
    %get3A_751 = arith.constant 0 : index
    %get3A_752 = vector.load %arg4[%get3A_750, %get3A_751] : memref<64x256xf32, #tpu.memory_space<vmem>>, vector<64x256xf32>
    %dot_general3A_753 = arith.constant dense<0.000000e+00> : vector<64x256xf32>
    %dot_general3A_754 = tpu.matmul %convert_element_type3A_741, %convert_element_type3A_749, %dot_general3A_753 {dimension_numbers = #tpu.dot_dimension_numbers<[0], [0], [1], [1], [0, 1, 1, 1], [], []>, transpose_lhs_hint = false} : vector<128x64xbf16>, vector<128x256xbf16>, vector<64x256xf32> -> vector<64x256xf32>
    %add3A_755 = arith.addf %get3A_752, %dot_general3A_754 : vector<64x256xf32>
    %swap3A_756 = arith.constant 0 : index
    %swap3A_757 = arith.constant 0 : index
    %swap3A_758 = vector.load %arg4[%swap3A_756, %swap3A_757] : memref<64x256xf32, #tpu.memory_space<vmem>>, vector<64x256xf32>
    tpu.vector_store %arg4[%swap3A_756, %swap3A_757], %add3A_755 {strides = array<i32>} : memref<64x256xf32, #tpu.memory_space<vmem>>, vector<64x256xf32>,
    %slice3A_759 = vector.extract_strided_slice %transpose3A_418 {offsets = [0, 13], sizes = [128, 1], strides = [1, 1]} : vector<128x16xi32> to vector<128x1xi32>
    %shift_right_arithmetic3A_760 = arith.constant 8 : i32
    %shift_right_arithmetic3A_761 = vector.broadcast %shift_right_arithmetic3A_760 : i32 to vector<128x1xi32>
    %shift_right_arithmetic3A_762 = arith.shrsi %slice3A_759, %shift_right_arithmetic3A_761 : vector<128x1xi32>
    %eq3A_763 = vector.broadcast %shift_right_arithmetic3A_762 : vector<128x1xi32> to vector<128x64xi32>
    %eq3A_764 = arith.cmpi eq, %iota3A_419, %eq3A_763 : vector<128x64xi32>
    %convert_element_type3A_765 = arith.extui %eq3A_764 : vector<128x64xi1> to vector<128x64xi32>
    %convert_element_type3A_766 = arith.sitofp %convert_element_type3A_765 : vector<128x64xi32> to vector<128x64xf32>
    %convert_element_type3A_767 = arith.truncf %convert_element_type3A_766 : vector<128x64xf32> to vector<128x64xbf16>
    %and3A_768 = arith.constant 255 : i32
    %and3A_769 = vector.broadcast %and3A_768 : i32 to vector<128x1xi32>
    %and3A_770 = arith.andi %slice3A_759, %and3A_769 : vector<128x1xi32>
    %eq3A_771 = vector.broadcast %and3A_770 : vector<128x1xi32> to vector<128x256xi32>
    %eq3A_772 = arith.cmpi eq, %iota3A_420, %eq3A_771 : vector<128x256xi32>
    %convert_element_type3A_773 = arith.extui %eq3A_772 : vector<128x256xi1> to vector<128x256xi32>
    %convert_element_type3A_774 = arith.sitofp %convert_element_type3A_773 : vector<128x256xi32> to vector<128x256xf32>
    %convert_element_type3A_775 = arith.truncf %convert_element_type3A_774 : vector<128x256xf32> to vector<128x256xbf16>
    %get3A_776 = arith.constant 0 : index
    %get3A_777 = arith.constant 0 : index
    %get3A_778 = vector.load %arg4[%get3A_776, %get3A_777] : memref<64x256xf32, #tpu.memory_space<vmem>>, vector<64x256xf32>
    %dot_general3A_779 = arith.constant dense<0.000000e+00> : vector<64x256xf32>
    %dot_general3A_780 = tpu.matmul %convert_element_type3A_767, %convert_element_type3A_775, %dot_general3A_779 {dimension_numbers = #tpu.dot_dimension_numbers<[0], [0], [1], [1], [0, 1, 1, 1], [], []>, transpose_lhs_hint = false} : vector<128x64xbf16>, vector<128x256xbf16>, vector<64x256xf32> -> vector<64x256xf32>
    %add3A_781 = arith.addf %get3A_778, %dot_general3A_780 : vector<64x256xf32>
    %swap3A_782 = arith.constant 0 : index
    %swap3A_783 = arith.constant 0 : index
    %swap3A_784 = vector.load %arg4[%swap3A_782, %swap3A_783] : memref<64x256xf32, #tpu.memory_space<vmem>>, vector<64x256xf32>
    tpu.vector_store %arg4[%swap3A_782, %swap3A_783], %add3A_781 {strides = array<i32>} : memref<64x256xf32, #tpu.memory_space<vmem>>, vector<64x256xf32>,
    %slice3A_785 = vector.extract_strided_slice %transpose3A_418 {offsets = [0, 14], sizes = [128, 1], strides = [1, 1]} : vector<128x16xi32> to vector<128x1xi32>
    %shift_right_arithmetic3A_786 = arith.constant 8 : i32
    %shift_right_arithmetic3A_787 = vector.broadcast %shift_right_arithmetic3A_786 : i32 to vector<128x1xi32>
    %shift_right_arithmetic3A_788 = arith.shrsi %slice3A_785, %shift_right_arithmetic3A_787 : vector<128x1xi32>
    %eq3A_789 = vector.broadcast %shift_right_arithmetic3A_788 : vector<128x1xi32> to vector<128x64xi32>
    %eq3A_790 = arith.cmpi eq, %iota3A_419, %eq3A_789 : vector<128x64xi32>
    %convert_element_type3A_791 = arith.extui %eq3A_790 : vector<128x64xi1> to vector<128x64xi32>
    %convert_element_type3A_792 = arith.sitofp %convert_element_type3A_791 : vector<128x64xi32> to vector<128x64xf32>
    %convert_element_type3A_793 = arith.truncf %convert_element_type3A_792 : vector<128x64xf32> to vector<128x64xbf16>
    %and3A_794 = arith.constant 255 : i32
    %and3A_795 = vector.broadcast %and3A_794 : i32 to vector<128x1xi32>
    %and3A_796 = arith.andi %slice3A_785, %and3A_795 : vector<128x1xi32>
    %eq3A_797 = vector.broadcast %and3A_796 : vector<128x1xi32> to vector<128x256xi32>
    %eq3A_798 = arith.cmpi eq, %iota3A_420, %eq3A_797 : vector<128x256xi32>
    %convert_element_type3A_799 = arith.extui %eq3A_798 : vector<128x256xi1> to vector<128x256xi32>
    %convert_element_type3A_800 = arith.sitofp %convert_element_type3A_799 : vector<128x256xi32> to vector<128x256xf32>
    %convert_element_type3A_801 = arith.truncf %convert_element_type3A_800 : vector<128x256xf32> to vector<128x256xbf16>
    %get3A_802 = arith.constant 0 : index
    %get3A_803 = arith.constant 0 : index
    %get3A_804 = vector.load %arg4[%get3A_802, %get3A_803] : memref<64x256xf32, #tpu.memory_space<vmem>>, vector<64x256xf32>
    %dot_general3A_805 = arith.constant dense<0.000000e+00> : vector<64x256xf32>
    %dot_general3A_806 = tpu.matmul %convert_element_type3A_793, %convert_element_type3A_801, %dot_general3A_805 {dimension_numbers = #tpu.dot_dimension_numbers<[0], [0], [1], [1], [0, 1, 1, 1], [], []>, transpose_lhs_hint = false} : vector<128x64xbf16>, vector<128x256xbf16>, vector<64x256xf32> -> vector<64x256xf32>
    %add3A_807 = arith.addf %get3A_804, %dot_general3A_806 : vector<64x256xf32>
    %swap3A_808 = arith.constant 0 : index
    %swap3A_809 = arith.constant 0 : index
    %swap3A_810 = vector.load %arg4[%swap3A_808, %swap3A_809] : memref<64x256xf32, #tpu.memory_space<vmem>>, vector<64x256xf32>
    tpu.vector_store %arg4[%swap3A_808, %swap3A_809], %add3A_807 {strides = array<i32>} : memref<64x256xf32, #tpu.memory_space<vmem>>, vector<64x256xf32>,
    %slice3A_811 = vector.extract_strided_slice %transpose3A_418 {offsets = [0, 15], sizes = [128, 1], strides = [1, 1]} : vector<128x16xi32> to vector<128x1xi32>
    %shift_right_arithmetic3A_812 = arith.constant 8 : i32
    %shift_right_arithmetic3A_813 = vector.broadcast %shift_right_arithmetic3A_812 : i32 to vector<128x1xi32>
    %shift_right_arithmetic3A_814 = arith.shrsi %slice3A_811, %shift_right_arithmetic3A_813 : vector<128x1xi32>
    %eq3A_815 = vector.broadcast %shift_right_arithmetic3A_814 : vector<128x1xi32> to vector<128x64xi32>
    %eq3A_816 = arith.cmpi eq, %iota3A_419, %eq3A_815 : vector<128x64xi32>
    %convert_element_type3A_817 = arith.extui %eq3A_816 : vector<128x64xi1> to vector<128x64xi32>
    %convert_element_type3A_818 = arith.sitofp %convert_element_type3A_817 : vector<128x64xi32> to vector<128x64xf32>
    %convert_element_type3A_819 = arith.truncf %convert_element_type3A_818 : vector<128x64xf32> to vector<128x64xbf16>
    %and3A_820 = arith.constant 255 : i32
    %and3A_821 = vector.broadcast %and3A_820 : i32 to vector<128x1xi32>
    %and3A_822 = arith.andi %slice3A_811, %and3A_821 : vector<128x1xi32>
    %eq3A_823 = vector.broadcast %and3A_822 : vector<128x1xi32> to vector<128x256xi32>
    %eq3A_824 = arith.cmpi eq, %iota3A_420, %eq3A_823 : vector<128x256xi32>
    %convert_element_type3A_825 = arith.extui %eq3A_824 : vector<128x256xi1> to vector<128x256xi32>
    %convert_element_type3A_826 = arith.sitofp %convert_element_type3A_825 : vector<128x256xi32> to vector<128x256xf32>
    %convert_element_type3A_827 = arith.truncf %convert_element_type3A_826 : vector<128x256xf32> to vector<128x256xbf16>
    %get3A_828 = arith.constant 0 : index
    %get3A_829 = arith.constant 0 : index
    %get3A_830 = vector.load %arg4[%get3A_828, %get3A_829] : memref<64x256xf32, #tpu.memory_space<vmem>>, vector<64x256xf32>
    %dot_general3A_831 = arith.constant dense<0.000000e+00> : vector<64x256xf32>
    %dot_general3A_832 = tpu.matmul %convert_element_type3A_819, %convert_element_type3A_827, %dot_general3A_831 {dimension_numbers = #tpu.dot_dimension_numbers<[0], [0], [1], [1], [0, 1, 1, 1], [], []>, transpose_lhs_hint = false} : vector<128x64xbf16>, vector<128x256xbf16>, vector<64x256xf32> -> vector<64x256xf32>
    %add3A_833 = arith.addf %get3A_830, %dot_general3A_832 : vector<64x256xf32>
    %swap3A_834 = arith.constant 0 : index
    %swap3A_835 = arith.constant 0 : index
    %swap3A_836 = vector.load %arg4[%swap3A_834, %swap3A_835] : memref<64x256xf32, #tpu.memory_space<vmem>>, vector<64x256xf32>
    tpu.vector_store %arg4[%swap3A_834, %swap3A_835], %add3A_833 {strides = array<i32>} : memref<64x256xf32, #tpu.memory_space<vmem>>, vector<64x256xf32>,
    return
  }
  func.func @transform_0(%arg0: i32) -> (i32, i32) {
    %c0_i32 = arith.constant 0 : i32
    %c0_i32_0 = arith.constant 0 : i32
    return %arg0, %c0_i32 : i32, i32
  }
  func.func @transform_1(%arg0: i32) -> (i32, i32) {
    %c0_i32 = arith.constant 0 : i32
    %c0_i32_0 = arith.constant 0 : i32
    return %arg0, %c0_i32 : i32, i32
  }
  func.func @transform_2(%arg0: i32) -> (i32, i32) {
    %c0_i32 = arith.constant 0 : i32
    %c0_i32_0 = arith.constant 0 : i32
    %c0_i32_1 = arith.constant 0 : i32
    return %c0_i32, %c0_i32_0 : i32, i32
  }
  func.func @transform_3(%arg0: i32) -> (i32, i32) {
    %c0_i32 = arith.constant 0 : i32
    %c0_i32_0 = arith.constant 0 : i32
    %c0_i32_1 = arith.constant 0 : i32
    return %c0_i32, %c0_i32_0 : i32, i32
  }
}

module attributes {stable_mosaic.version = 14 : i64} {
  func.func @_mm1_body(%arg0: i32, %arg1: memref<1024x128xf32, #tpu.memory_space<vmem>>, %arg2: memref<128x128xf32, #tpu.memory_space<vmem>>, %arg3: memref<1024x1xf32, #tpu.memory_space<vmem>>, %arg4: memref<1024x128xf32, #tpu.memory_space<vmem>>) attributes {dimension_semantics = [#tpu.dimension_semantics<arbitrary>], iteration_bounds = array<i64: 10>, scalar_prefetch = 0 : i64, scratch_operands = 0 : i64, tpu.core_type = #tpu.core_type<tc>, window_params = [{transform_indices = @transform_0, window_bounds = array<i64: 1024, 128>}, {pipeline_mode = #tpu.pipeline_mode<synchronous>, transform_indices = @transform_1, window_bounds = array<i64: 128, 128>}, {transform_indices = @transform_2, window_bounds = array<i64: 1024, 1>}, {transform_indices = @transform_3, window_bounds = array<i64: 1024, 128>}]} {
    %get3A = arith.constant 0 : index
    %get3A_0 = arith.constant 0 : index
    %get3A_1 = vector.load %arg1[%get3A, %get3A_0] : memref<1024x128xf32, #tpu.memory_space<vmem>>, vector<1024x128xf32>
    %get3A_2 = arith.constant 0 : index
    %get3A_3 = arith.constant 0 : index
    %get3A_4 = vector.load %arg2[%get3A_2, %get3A_3] : memref<128x128xf32, #tpu.memory_space<vmem>>, vector<128x128xf32>
    %dot_general3A = arith.constant dense<0.000000e+00> : vector<1024x128xf32>
    %dot_general3A_5 = tpu.matmul %get3A_1, %get3A_4, %dot_general3A {dimension_numbers = #tpu.dot_dimension_numbers<[1], [0], [0], [1], [0, 0, 1, 1], [], []>, transpose_lhs_hint = false} : vector<1024x128xf32>, vector<128x128xf32>, vector<1024x128xf32> -> vector<1024x128xf32>
    %get3A_6 = arith.constant 0 : index
    %get3A_7 = arith.constant 0 : index
    %get3A_8 = vector.load %arg3[%get3A_6, %get3A_7] : memref<1024x1xf32, #tpu.memory_space<vmem>>, vector<1024x1xf32>
    %max3A = arith.constant 1.000000e+00 : f32
    %max3A_9 = vector.broadcast %max3A : f32 to vector<1024x1xf32>
    %max3A_10 = arith.maximumf %get3A_8, %max3A_9 : vector<1024x1xf32>
    %rsqrt3A = math.rsqrt %max3A_10 : vector<1024x1xf32>
    %mul3A = vector.broadcast %rsqrt3A : vector<1024x1xf32> to vector<1024x128xf32>
    %mul3A_11 = arith.mulf %mul3A, %dot_general3A_5 : vector<1024x128xf32>
    %swap3A = arith.constant 0 : index
    %swap3A_12 = arith.constant 0 : index
    %swap3A_13 = vector.load %arg4[%swap3A, %swap3A_12] : memref<1024x128xf32, #tpu.memory_space<vmem>>, vector<1024x128xf32>
    tpu.vector_store %arg4[%swap3A, %swap3A_12], %mul3A_11 {strides = array<i32>} : memref<1024x128xf32, #tpu.memory_space<vmem>>, vector<1024x128xf32>,
    return
  }
  func.func @transform_0(%arg0: i32) -> (i32, i32) {
    %c0_i32 = arith.constant 0 : i32
    %c0_i32_0 = arith.constant 0 : i32
    return %arg0, %c0_i32 : i32, i32
  }
  func.func @transform_1(%arg0: i32) -> (i32, i32) {
    %c0_i32 = arith.constant 0 : i32
    %c0_i32_0 = arith.constant 0 : i32
    %c0_i32_1 = arith.constant 0 : i32
    return %c0_i32, %c0_i32_0 : i32, i32
  }
  func.func @transform_2(%arg0: i32) -> (i32, i32) {
    %c0_i32 = arith.constant 0 : i32
    %c0_i32_0 = arith.constant 0 : i32
    return %arg0, %c0_i32 : i32, i32
  }
  func.func @transform_3(%arg0: i32) -> (i32, i32) {
    %c0_i32 = arith.constant 0 : i32
    %c0_i32_0 = arith.constant 0 : i32
    return %arg0, %c0_i32 : i32, i32
  }
}

module attributes {stable_mosaic.version = 14 : i64} {
  func.func @_mid_body(%arg0: i32, %arg1: memref<2x1024x128xf32, #tpu.memory_space<vmem>>, %arg2: memref<1024x1xf32, #tpu.memory_space<vmem>>, %arg3: memref<1024x1xf32, #tpu.memory_space<vmem>>, %arg4: memref<1x128xf32, #tpu.memory_space<vmem>>, %arg5: memref<128x128xf32, #tpu.memory_space<vmem>>, %arg6: memref<1024x128xf32, #tpu.memory_space<vmem>>, %arg7: memref<1024x128xf32, #tpu.memory_space<vmem>>) attributes {dimension_semantics = [#tpu.dimension_semantics<arbitrary>], iteration_bounds = array<i64: 10>, scalar_prefetch = 0 : i64, scratch_operands = 0 : i64, tpu.core_type = #tpu.core_type<tc>, window_params = [{transform_indices = @transform_0, window_bounds = array<i64: 2, 1024, 128>}, {transform_indices = @transform_1, window_bounds = array<i64: 1024, 1>}, {transform_indices = @transform_2, window_bounds = array<i64: 1024, 1>}, {pipeline_mode = #tpu.pipeline_mode<synchronous>, transform_indices = @transform_3, window_bounds = array<i64: 1, 128>}, {pipeline_mode = #tpu.pipeline_mode<synchronous>, transform_indices = @transform_4, window_bounds = array<i64: 128, 128>}, {transform_indices = @transform_5, window_bounds = array<i64: 1024, 128>}, {transform_indices = @transform_6, window_bounds = array<i64: 1024, 128>}]} {
    %get3A = arith.constant 0 : index
    %get3A_0 = arith.constant 0 : index
    %get3A_1 = arith.constant 0 : index
    %get3A_2 = vector.load %arg1[%get3A, %get3A_0, %get3A_1] : memref<2x1024x128xf32, #tpu.memory_space<vmem>>, vector<1x1024x128xf32>
    %get3A_3 = vector.shape_cast %get3A_2 : vector<1x1024x128xf32> to vector<1024x128xf32>
    %get3A_4 = arith.constant 1 : index
    %get3A_5 = arith.constant 0 : index
    %get3A_6 = arith.constant 0 : index
    %get3A_7 = vector.load %arg1[%get3A_4, %get3A_5, %get3A_6] : memref<2x1024x128xf32, #tpu.memory_space<vmem>>, vector<1x1024x128xf32>
    %get3A_8 = vector.shape_cast %get3A_7 : vector<1x1024x128xf32> to vector<1024x128xf32>
    %add3A = arith.addf %get3A_3, %get3A_8 : vector<1024x128xf32>
    %get3A_9 = arith.constant 0 : index
    %get3A_10 = arith.constant 0 : index
    %get3A_11 = vector.load %arg2[%get3A_9, %get3A_10] : memref<1024x1xf32, #tpu.memory_space<vmem>>, vector<1024x1xf32>
    %max3A = arith.constant 1.000000e+00 : f32
    %max3A_12 = vector.broadcast %max3A : f32 to vector<1024x1xf32>
    %max3A_13 = arith.maximumf %get3A_11, %max3A_12 : vector<1024x1xf32>
    %rsqrt3A = math.rsqrt %max3A_13 : vector<1024x1xf32>
    %mul3A = vector.broadcast %rsqrt3A : vector<1024x1xf32> to vector<1024x128xf32>
    %mul3A_14 = arith.mulf %add3A, %mul3A : vector<1024x128xf32>
    %get3A_15 = arith.constant 0 : index
    %get3A_16 = arith.constant 0 : index
    %get3A_17 = vector.load %arg4[%get3A_15, %get3A_16] : memref<1x128xf32, #tpu.memory_space<vmem>>, vector<1x128xf32>
    %add3A_18 = vector.broadcast %get3A_17 : vector<1x128xf32> to vector<1024x128xf32>
    %add3A_19 = arith.addf %mul3A_14, %add3A_18 : vector<1024x128xf32>
    %max3A_20 = arith.constant 0.000000e+00 : f32
    %max3A_21 = vector.broadcast %max3A_20 : f32 to vector<1024x128xf32>
    %max3A_22 = arith.maximumf %add3A_19, %max3A_21 : vector<1024x128xf32>
    %swap3A = arith.constant 0 : index
    %swap3A_23 = arith.constant 0 : index
    %swap3A_24 = vector.load %arg6[%swap3A, %swap3A_23] : memref<1024x128xf32, #tpu.memory_space<vmem>>, vector<1024x128xf32>
    tpu.vector_store %arg6[%swap3A, %swap3A_23], %max3A_22 {strides = array<i32>} : memref<1024x128xf32, #tpu.memory_space<vmem>>, vector<1024x128xf32>,
    %get3A_25 = arith.constant 0 : index
    %get3A_26 = arith.constant 0 : index
    %get3A_27 = vector.load %arg3[%get3A_25, %get3A_26] : memref<1024x1xf32, #tpu.memory_space<vmem>>, vector<1024x1xf32>
    %max3A_28 = arith.constant 1.000000e+00 : f32
    %max3A_29 = vector.broadcast %max3A_28 : f32 to vector<1024x1xf32>
    %max3A_30 = arith.maximumf %get3A_27, %max3A_29 : vector<1024x1xf32>
    %rsqrt3A_31 = math.rsqrt %max3A_30 : vector<1024x1xf32>
    %mul3A_32 = vector.broadcast %rsqrt3A_31 : vector<1024x1xf32> to vector<1024x128xf32>
    %mul3A_33 = arith.mulf %max3A_22, %mul3A_32 : vector<1024x128xf32>
    %get3A_34 = arith.constant 0 : index
    %get3A_35 = arith.constant 0 : index
    %get3A_36 = vector.load %arg5[%get3A_34, %get3A_35] : memref<128x128xf32, #tpu.memory_space<vmem>>, vector<128x128xf32>
    %dot_general3A = arith.constant dense<0.000000e+00> : vector<1024x128xf32>
    %dot_general3A_37 = tpu.matmul %mul3A_33, %get3A_36, %dot_general3A {dimension_numbers = #tpu.dot_dimension_numbers<[1], [0], [0], [1], [0, 0, 1, 1], [], []>, transpose_lhs_hint = false} : vector<1024x128xf32>, vector<128x128xf32>, vector<1024x128xf32> -> vector<1024x128xf32>
    %swap3A_38 = arith.constant 0 : index
    %swap3A_39 = arith.constant 0 : index
    %swap3A_40 = vector.load %arg7[%swap3A_38, %swap3A_39] : memref<1024x128xf32, #tpu.memory_space<vmem>>, vector<1024x128xf32>
    tpu.vector_store %arg7[%swap3A_38, %swap3A_39], %dot_general3A_37 {strides = array<i32>} : memref<1024x128xf32, #tpu.memory_space<vmem>>, vector<1024x128xf32>,
    return
  }
  func.func @transform_0(%arg0: i32) -> (i32, i32, i32) {
    %c0_i32 = arith.constant 0 : i32
    %c0_i32_0 = arith.constant 0 : i32
    %c0_i32_1 = arith.constant 0 : i32
    return %c0_i32, %arg0, %c0_i32_0 : i32, i32, i32
  }
  func.func @transform_1(%arg0: i32) -> (i32, i32) {
    %c0_i32 = arith.constant 0 : i32
    %c0_i32_0 = arith.constant 0 : i32
    return %arg0, %c0_i32 : i32, i32
  }
  func.func @transform_2(%arg0: i32) -> (i32, i32) {
    %c0_i32 = arith.constant 0 : i32
    %c0_i32_0 = arith.constant 0 : i32
    return %arg0, %c0_i32 : i32, i32
  }
  func.func @transform_3(%arg0: i32) -> (i32, i32) {
    %c0_i32 = arith.constant 0 : i32
    %c0_i32_0 = arith.constant 0 : i32
    %c0_i32_1 = arith.constant 0 : i32
    return %c0_i32, %c0_i32_0 : i32, i32
  }
  func.func @transform_4(%arg0: i32) -> (i32, i32) {
    %c0_i32 = arith.constant 0 : i32
    %c0_i32_0 = arith.constant 0 : i32
    %c0_i32_1 = arith.constant 0 : i32
    return %c0_i32, %c0_i32_0 : i32, i32
  }
  func.func @transform_5(%arg0: i32) -> (i32, i32) {
    %c0_i32 = arith.constant 0 : i32
    %c0_i32_0 = arith.constant 0 : i32
    return %arg0, %c0_i32 : i32, i32
  }
  func.func @transform_6(%arg0: i32) -> (i32, i32) {
    %c0_i32 = arith.constant 0 : i32
    %c0_i32_0 = arith.constant 0 : i32
    return %arg0, %c0_i32 : i32, i32
  }
}

module attributes {stable_mosaic.version = 14 : i64} {
  func.func @_fin_body(%arg0: i32, %arg1: memref<2x1024x128xf32, #tpu.memory_space<vmem>>, %arg2: memref<1024x1xf32, #tpu.memory_space<vmem>>, %arg3: memref<1x64xf32, #tpu.memory_space<vmem>>, %arg4: memref<1024x64xf32, #tpu.memory_space<vmem>>) attributes {dimension_semantics = [#tpu.dimension_semantics<arbitrary>], iteration_bounds = array<i64: 10>, scalar_prefetch = 0 : i64, scratch_operands = 0 : i64, tpu.core_type = #tpu.core_type<tc>, window_params = [{transform_indices = @transform_0, window_bounds = array<i64: 2, 1024, 128>}, {transform_indices = @transform_1, window_bounds = array<i64: 1024, 1>}, {pipeline_mode = #tpu.pipeline_mode<synchronous>, transform_indices = @transform_2, window_bounds = array<i64: 1, 64>}, {transform_indices = @transform_3, window_bounds = array<i64: 1024, 64>}]} {
    %get3A = arith.constant 0 : index
    %get3A_0 = arith.constant 0 : index
    %get3A_1 = arith.constant 0 : index
    %get3A_2 = vector.load %arg1[%get3A, %get3A_0, %get3A_1] : memref<2x1024x128xf32, #tpu.memory_space<vmem>>, vector<1x1024x128xf32>
    %get3A_3 = vector.shape_cast %get3A_2 : vector<1x1024x128xf32> to vector<1024x128xf32>
    %slice3A = vector.extract_strided_slice %get3A_3 {offsets = [0, 0], sizes = [1024, 64], strides = [1, 1]} : vector<1024x128xf32> to vector<1024x64xf32>
    %get3A_4 = arith.constant 1 : index
    %get3A_5 = arith.constant 0 : index
    %get3A_6 = arith.constant 0 : index
    %get3A_7 = vector.load %arg1[%get3A_4, %get3A_5, %get3A_6] : memref<2x1024x128xf32, #tpu.memory_space<vmem>>, vector<1x1024x128xf32>
    %get3A_8 = vector.shape_cast %get3A_7 : vector<1x1024x128xf32> to vector<1024x128xf32>
    %slice3A_9 = vector.extract_strided_slice %get3A_8 {offsets = [0, 0], sizes = [1024, 64], strides = [1, 1]} : vector<1024x128xf32> to vector<1024x64xf32>
    %add3A = arith.addf %slice3A, %slice3A_9 : vector<1024x64xf32>
    %get3A_10 = arith.constant 0 : index
    %get3A_11 = arith.constant 0 : index
    %get3A_12 = vector.load %arg2[%get3A_10, %get3A_11] : memref<1024x1xf32, #tpu.memory_space<vmem>>, vector<1024x1xf32>
    %max3A = arith.constant 1.000000e+00 : f32
    %max3A_13 = vector.broadcast %max3A : f32 to vector<1024x1xf32>
    %max3A_14 = arith.maximumf %get3A_12, %max3A_13 : vector<1024x1xf32>
    %rsqrt3A = math.rsqrt %max3A_14 : vector<1024x1xf32>
    %mul3A = vector.broadcast %rsqrt3A : vector<1024x1xf32> to vector<1024x64xf32>
    %mul3A_15 = arith.mulf %add3A, %mul3A : vector<1024x64xf32>
    %get3A_16 = arith.constant 0 : index
    %get3A_17 = arith.constant 0 : index
    %get3A_18 = vector.load %arg3[%get3A_16, %get3A_17] : memref<1x64xf32, #tpu.memory_space<vmem>>, vector<1x64xf32>
    %add3A_19 = vector.broadcast %get3A_18 : vector<1x64xf32> to vector<1024x64xf32>
    %add3A_20 = arith.addf %mul3A_15, %add3A_19 : vector<1024x64xf32>
    %max3A_21 = arith.constant 0.000000e+00 : f32
    %max3A_22 = vector.broadcast %max3A_21 : f32 to vector<1024x64xf32>
    %max3A_23 = arith.maximumf %add3A_20, %max3A_22 : vector<1024x64xf32>
    %swap3A = arith.constant 0 : index
    %swap3A_24 = arith.constant 0 : index
    %swap3A_25 = vector.load %arg4[%swap3A, %swap3A_24] : memref<1024x64xf32, #tpu.memory_space<vmem>>, vector<1024x64xf32>
    tpu.vector_store %arg4[%swap3A, %swap3A_24], %max3A_23 {strides = array<i32>} : memref<1024x64xf32, #tpu.memory_space<vmem>>, vector<1024x64xf32>,
    return
  }
  func.func @transform_0(%arg0: i32) -> (i32, i32, i32) {
    %c0_i32 = arith.constant 0 : i32
    %c0_i32_0 = arith.constant 0 : i32
    %c0_i32_1 = arith.constant 0 : i32
    return %c0_i32, %arg0, %c0_i32_0 : i32, i32, i32
  }
  func.func @transform_1(%arg0: i32) -> (i32, i32) {
    %c0_i32 = arith.constant 0 : i32
    %c0_i32_0 = arith.constant 0 : i32
    return %arg0, %c0_i32 : i32, i32
  }
  func.func @transform_2(%arg0: i32) -> (i32, i32) {
    %c0_i32 = arith.constant 0 : i32
    %c0_i32_0 = arith.constant 0 : i32
    %c0_i32_1 = arith.constant 0 : i32
    return %c0_i32, %c0_i32_0 : i32, i32
  }
  func.func @transform_3(%arg0: i32) -> (i32, i32) {
    %c0_i32 = arith.constant 0 : i32
    %c0_i32_0 = arith.constant 0 : i32
    return %arg0, %c0_i32 : i32, i32
  }
}

</mosaic_0001>

<sc_bundles>
// kernel: kernel.11.cloned.1.call-start
scs
__scs_entry_jumppad:
0x0: {  	(pc) =	sbr.rel $0x88, $3  }
0x1: {  	(tag) =	ssettag $0x0;
	lr =	simm.s32 $0x1  }
0x2: {  	[smem:$0x3F9B] =	sst lr;
	_ =	strace $0xD0000000  }
0x3: {  	_ = 	snop  }
0x4: {  	_ = 	snop  }
0x5: {  	_ = 	snop  }
0x6: {  	_ = 	snop  }
0x7: {  	_ = 	snop  }
__scs_overlays_trampoline_lowered:
0x8: {  	[smem:$0x3FAA] =	sst s0  }
0x9: {  	[smem:$0x3FAB] =	sst s1  }
0xa: {  	[smem:$0x3FAC] =	sst s2  }
0xb: {  	[smem:$0x3FAD] =	sst s3  }
0xc: {  	[smem:$0x3FAE] =	sst s4  }
0xd: {  	[smem:$0x3FAF] =	sst s5  }
0xe: {  	[smem:$0x3FB0] =	sst s6  }
0xf: {  	[smem:$0x3FB1] =	sst s7  }
0x10: {  	[smem:$0x3FB2] =	sst s8  }
0x11: {  	[smem:$0x3FB3] =	sst s9;
	s0 =	simm.s32 @!p0 $0x0  }
0x12: {  	s1 =	sld [smem:$0x3F99];
	s0 =	simm.s32 @p0 $0x1  }
0x13: {  	[smem:$0x3FB4] =	sst s0;
	s0 =	simm.s32 @!p1 $0x0  }
0x14: {  	s2 =	sld [smem:$0x3F98];
	s0 =	simm.s32 @p1 $0x1  }
0x15: {  	[smem:$0x3FB5] =	sst s0;
	s0 =	simm.s32 @!p2 $0x0  }
0x16: {  	s3 =	sld [smem:$0x3FDB];
	s0 =	simm.s32 @p2 $0x1  }
0x17: {  	s4 =	simm.s32 $0x1BF5;
	[smem:$0x3FB7] =	sst s0  }
0x18: {  	s0 =	sld [smem:$0x3F9A];
	_ =	swait.ge [sflag:s4], $0x0  }
0x19: {  	s7 =	sld [smem:$0x3F9B]  }
0x1a: {  	s8 =	sadd.s32 $0xFFFFE003, lr  }
0x1b: {  	s9 =	sadd.s32 $0xFFFFFEF7, lr;
	s5 =	simm.s32 $0xFFFFFFFF;
	p2 =	slt.u32 s8, $0xFFFFF086  }
0x1c: {  	p1 =	slt.u32 s9, $0xF7A;
	s5 =	simm.s32 @!p2 $0x0  }
0x1d: {  	s5 =	simm.s32 @p1 $0x1;
	p0 =	seq.s32 s7, s2  }
0x1e: {  	s7 =	smul.u32 @!p0 $0xF7A, s2;
	p2 =	seq.s32 @!p0 s5, $0x0  }
0x1f: {  	s9 =	smul.u32 $0xF7A, s1;
	s8 =	simm.s32 @!p0 $0x1BF5;
	p2 =	por !p2, p0  }
0x20: {  	[sflag:s8] =	ssyncset.s32 @!p0 $0xFFFFF086;
	s6 =	sadd.s32 @!p0 s3, s7;
	s7 =	simm.s32 @!p0 $0x108  }
0x21: {  	s3 =	sadd.s32 s3, s9;
	s6 =	sadd.s32 @!p0 $0x88, s6;
	s7 =	simm.s32 @p2 $0x1082  }
0x22: {  	[simem:s7], [sflag:s8] =	dma.local @!p0 [hbm:s6], $0xF7A  }
0x23: {  	s9 =	sor.u32 $0xD0000000, s2;
	s6 =	simm.s32 $0x108;
	_ =	swait.ge @!p0 [sflag:s8], $0x0  }
0x24: {  	s3 =	sadd.s32 $0x88, s3;
	s6 =	simm.s32 @!p1 $0x1082;
	[sflag:s4] =	ssyncset.s32 $0xFFFFF086  }
0x25: {  	[simem:s6], [sflag:s4] =	dma.local [hbm:s3], $0xF7A  }
0x26: {  	[smem:$0x3F9B] =	sst s1;
	(tag) =	ssettag s2;
	_ =	strace s9  }
0x27: {  	s1 =	sld [smem:$0x3FAB]  }
0x28: {  	s2 =	sld [smem:$0x3FAC]  }
0x29: {  	s4 =	sld [smem:$0x3FAE]  }
0x2a: {  	p0 =	seq.s32 s5, $0x0;
	s5 =	sld [smem:$0x3FAF]  }
0x2b: {  	s6 =	sld [smem:$0x3FB0]  }
0x2c: {  	s7 =	sld [smem:$0x3FB1]  }
0x2d: {  	s3 =	simm.s32 $0x108;
	s8 =	sld [smem:$0x3FB2]  }
0x2e: {  	s3 =	simm.s32 @!p0 $0x1082;
	s9 =	sld [smem:$0x3FB3]  }
0x2f: {  	lr =	sadd.s32 s0, s3;
	s0 =	sld [smem:$0x3FAA]  }
0x30: {  	s3 =	sld [smem:$0x3FAD]  }
0x31: {  	[smem:$0x3FB6] =	sst s10  }
0x32: {  	s10 =	sld [smem:$0x3FB4];
	_ =	sdelay $0x3  }
0x33: {  	p0 =	seq.s32 s10, $0x1;
	s10 =	sld [smem:$0x3FB6];
	_ =	sdelay $0x3  }
0x34: {  	[smem:$0x3FB6] =	sst s10  }
0x35: {  	s10 =	sld [smem:$0x3FB5];
	_ =	sdelay $0x3  }
0x36: {  	p1 =	seq.s32 s10, $0x1;
	s10 =	sld [smem:$0x3FB6];
	_ =	sdelay $0x3  }
0x37: {  	[smem:$0x3FB6] =	sst s10  }
0x38: {  	s10 =	sld [smem:$0x3FB7]  }
0x39: {  	_ = 	snop;
	(pc) =	sbr.ind lr, $3  }
0x3a: {  	_ = 	snop  }
0x3b: {  	_ = 	snop  }
0x3c: {  	p2 =	seq.s32 s10, $0x1;
	s10 =	sld [smem:$0x3FB6]  }
0x3d: {  	_ =	shalt  }
0x3e: {  	_ =	shalt  }
0x3f: {  	_ =	shalt  }
0x40: {  	_ =	shalt  }
0x41: {  	_ =	shalt  }
0x42: {  	_ =	shalt  }
0x43: {  	_ =	shalt  }
0x44: {  	_ =	shalt  }
0x45: {  	_ =	shalt  }
0x46: {  	_ =	shalt  }
0x47: {  	_ =	shalt  }
0x48: {  	_ =	shalt  }
0x49: {  	_ =	shalt  }
0x4a: {  	_ =	shalt  }
0x4b: {  	_ =	shalt  }
0x4c: {  	_ =	shalt  }
0x4d: {  	_ =	shalt  }
0x4e: {  	_ =	shalt  }
0x4f: {  	_ =	shalt  }
0x50: {  	_ =	shalt  }
0x51: {  	_ =	shalt  }
0x52: {  	_ =	shalt  }
0x53: {  	_ =	shalt  }
0x54: {  	_ =	shalt  }
0x55: {  	_ =	shalt  }
0x56: {  	_ =	shalt  }
0x57: {  	_ =	shalt  }
0x58: {  	_ =	shalt  }
0x59: {  	_ =	shalt  }
0x5a: {  	_ =	shalt  }
0x5b: {  	_ =	shalt  }
0x5c: {  	_ =	shalt  }
0x5d: {  	_ =	shalt  }
0x5e: {  	_ =	shalt  }
0x5f: {  	_ =	shalt  }
0x60: {  	_ =	shalt  }
0x61: {  	_ =	shalt  }
0x62: {  	_ =	shalt  }
0x63: {  	_ =	shalt  }
0x64: {  	_ =	shalt  }
0x65: {  	_ =	shalt  }
0x66: {  	_ =	shalt  }
0x67: {  	_ =	shalt  }
0x68: {  	_ =	shalt  }
0x69: {  	_ =	shalt  }
0x6a: {  	_ =	shalt  }
0x6b: {  	_ =	shalt  }
0x6c: {  	_ =	shalt  }
0x6d: {  	_ =	shalt  }
0x6e: {  	_ =	shalt  }
0x6f: {  	_ =	shalt  }
0x70: {  	_ =	shalt  }
0x71: {  	_ =	shalt  }
0x72: {  	_ =	shalt  }
0x73: {  	_ =	shalt  }
0x74: {  	_ =	shalt  }
0x75: {  	_ =	shalt  }
0x76: {  	_ =	shalt  }
0x77: {  	_ =	shalt  }
0x78: {  	_ =	shalt  }
0x79: {  	_ =	shalt  }
0x7a: {  	_ =	shalt  }
0x7b: {  	_ =	shalt  }
0x7c: {  	_ =	shalt  }
0x7d: {  	_ =	shalt  }
0x7e: {  	_ =	shalt  }
0x7f: {  	_ =	shalt  }
0x80: {  	_ =	shalt  }
0x81: {  	_ =	shalt  }
0x82: {  	_ =	shalt  }
0x83: {  	_ =	shalt  }
0x84: {  	_ =	shalt  }
0x85: {  	_ =	shalt  }
0x86: {  	_ =	shalt  }
0x87: {  	_ =	shalt  }
.Lfunc_end0:
.L_simem_size_0:
called_computation.1_lowered:
.L_overlay_start_0:
0x88: {  	s2 =	sld [smem:$0x3FD9]  }
0x89: {  	s3 =	sld [smem:$0x3FFE];
	_ =	sdelay $0x1  }
0x8a: {  	s1 =	srdreg.scid  }
0x8b: {  	s0 =	sand.u32 $0x1, s1  }
0x8c: {  	s14 =	sshll.u32 s0, $0xA;
	s2 =	sadd.s32 s3, s2  }
0x8d: {  	s2 =	sadd.s32 s2, s14  }
0x8e: {  	[smem:$0x3FC2] =	sst s2  }
0x8f: {  	_ = 	snop  }
0x90: {  	s2 =	sld [smem:$0x3FD0];
	_ =	sdelay $0x2  }
0x91: {  	s15 =	simm.s32 $0xA;
	s4 =	simm.s32 $0x10  }
0x92: {  	[smem:s4], [sflag:s15] =	dma.local [hbm:s2], $0x1  }
0x93: {  	_ =	swait.eq [sflag:s15], $0x1  }
0x94: {  	[sflag:s15] =	ssyncset.done $0x0  }
0x95: {  	[sflag:s15] =	ssyncadd.s32 $0xFFFFFFFF  }
0x96: {  	s16 =	sld [smem:$0x11];
	(tm) =	ssettm $0x1  }
0x97: {  	s17 =	sld [smem:$0x3FFB];
	_ =	sdelay $0x3  }
0x98: {  	_ =	strace s17  }
0x99: {  	s3 =	sld [smem:$0x3FFC];
	_ =	sdelay $0x3  }
0x9a: {  	_ =	strace s3  }
0x9b: {  	s3 =	sld [smem:$0x3FFD];
	_ =	sdelay $0x3  }
0x9c: {  	_ =	strace s3  }
0x9d: {  	_ =	strace $0x8FFFFFFF  }
0x9e: {  	s18 =	sld [smem:$0x3FDB];
	_ =	sdelay $0x1  }
0x9f: {  	s19 =	simm.s32 $_scs_section_size  }
0xa0: {  	s5 =	simm.s32 $_size__tile_overlayer_lowered;
	s6 =	simm.s32 $_tile_overlayer_lowered  }
0xa1: {  	s22 =	simm.s32 $0x1BFF;
	s21 =	sshll.u32 s6, $0x1;
	s3 =	sadd.s32 s19, s18  }
0xa2: {  	s7 =	simm.s32 $0x0;
	s20 =	sshll.u32 s5, $0x1;
	s5 =	sadd.s32 s21, s3  }
0xa3: {  	[timem:s7], [sflag:s22] =	dma.local [hbm:s5], s20  }
0xa4: {  	_ =	swait.ge [sflag:s22], s20  }
0xa5: {  	s4 =	ssub.s32 $0x0, s20;
	[sflag:s22] =	ssyncset.done $0x0  }
0xa6: {  	[sflag:s22] =	ssyncadd.s32 s4;
	_ =	sdelay $0x1  }
0xa7: {  	s23 =	simm.s32 $0x1B8B  }
0xa8: {  	_ =	swait.ge [sflag:s23], $0x1  }
0xa9: {  	[sflag:s23] =	ssyncset.done $0x0  }
0xaa: {  	s25 =	simm.s32 $0x1B8E;
	s24 =	sld [smem:$0x3FFE];
	[sflag:s23] =	ssyncadd.s32 $0xFFFFFFFF  }
0xab: {  	s26 =	simm.s32 $execute0_lowered;
	[smem:$0x3FD2] =	sst s25  }
0xac: {  	s5 =	sshll.u32 s26, $0x1;
	_ =	strace $0x80000049;
	[dreg:$0x1] =	wrdreg $0xFFFFFFFF  }
0xad: {  	s28 =	simm.s32 $_size_execute0_lowered;
	s3 =	sadd.s32 s3, s5;
	[dreg:$0x0] =	wrdreg $0x0  }
0xae: {  	s5 =	sshll.u32 s28, $0x1;
	[dreg:$0x2] =	wrdreg s3  }
0xaf: {  	[dreg:$0x3] =	wrdreg s5  }
0xb0: {  	[dreg:$0x4] =	wrdreg $0xC0  }
0xb1: {  	_ =	task [dreg:s7], $0x5FFFF  }
0xb2: {  	[dreg:$0x1] =	wrdreg $0xFFFFFFFF  }
0xb3: {  	[dreg:$0x0] =	wrdreg $0x60  }
0xb4: {  	[dreg:$0x2] =	wrdreg s16  }
0xb5: {  	[dreg:$0x3] =	wrdreg s24  }
0xb6: {  	[dreg:$0x4] =	wrdreg $0x90000  }
0xb7: {  	[dreg:$0x5] =	wrdreg $0x9  }
0xb8: {  	_ =	task.clear_ibuf [dreg:s7], $0x6FFFF;
	_ =	strace $0x90000049  }
0xb9: {  	s29 =	simm.s32 $0x9;
	_ =	strace $0x8000004B  }
0xba: {  	_ =	swait.ge [sflag:s29], $0x1  }
0xbb: {  	[sflag:s29] =	ssyncadd.s32 $0xFFFFFFFF  }
0xbc: {  	_ =	strace $0x9000004B  }
0xbd: {  	_ =	sfence  }
0xbe: {  	s30 =	sld [smem:$0x0];
	_ =	sdelay $0x2  }
0xbf: {  	s31 =	sshll.u32 s1, $0xD;
	s1 =	sshrl.u32 s1, $0x2  }
0xc0: {  	s3 =	sand.u32 $0x4000, s31;
	s1 =	sadd.s32 s1, s30  }
0xc1: {  	s0 =	sor.u32 s3, s0;
	s1 =	sshll.u32 s1, $0x11  }
0xc2: {  	s0 =	sor.u32 s1, s0  }
0xc3: {  	s0 =	sadd.s32 $0x8F2B, s0  }
0xc4: {  	[sflag:s0] =	ssyncadd.remote.s32 $0x1  }
0xc5: {  	_ =	sfence.sel $0xFFFF  }
0xc6: {  	[dreg:$0x0] =	wrdreg $0xFFFFFFFF;
	(pc) =	sbr.abs _section_cstart, $3  }
0xc7: {  	[dreg:$0x1] =	wrdreg $0xFFFFFFFF  }
0xc8: {  	_ =	task.clear_ibuf [dreg:s7], $0x2FFFF;
	_ =	strace $0x9FFFFFFF  }
0xc9: {  	(tm) =	ssettm $0x7FFFFFFF  }
tec
execute0_lowered:
.L_overlay_start_1:
0x0: {  	(tag) =	ssettag $0x1  }
0x1: {  	s0 =	rddreg [dreg:$0x0]  }
0x2: {  	s1 =	srdreg.scid;
	s5 =	rddreg [dreg:$0x1]  }
0x3: {  	s13 =	stileid.u32;
	s2 =	rddreg [dreg:$0x2]  }
0x4: {  	s3 =	simm.s32 $0x0;
	s26 =	simm.s32 $0x100;
	s14 =	simm.s32 $0x900  }
0x5: {  	s16 =	simm.s32 $0x200;
	s18 =	simm.s32 $0x980;
	s6 =	smul.u32 $0xA0, s13  }
0x6: {  	s19 =	simm.s32 $0x280;
	s20 =	simm.s32 $0xA00;
	s21 =	smul.u32 $0x14000, s13  }
0x7: {  	[smem:$0x7FF] =	sst s3;
	s11 =	smul.u32 $0x50000, s13;
	s25 =	sshll.u32 s13, $0x6  }
0x8: {  	s13 =	simm.s32 $0x180;
	_ =	strace $0x8000004A;
	[dreg:$0x4] =	wrdreg s26  }
0x9: {  	s28 =	simm.s32 $0xD80;
	s29 =	simm.s32 $0x680;
	[dreg:$0x6] =	wrdreg s13  }
0xa: {  	s30 =	simm.s32 $0xE00;
	s1 =	sand.u32 $0x1, s1;
	[dreg:$0x7] =	wrdreg s14  }
0xb: {  	s31 =	simm.s32 $0x700;
	s4 =	ssub.s32 $0x0, s1;
	[dreg:$0x8] =	wrdreg s16  }
0xc: {  	s8 =	smul.u32 $0x140000, s1;
	s22 =	ssub.s32 $0x2, s1;
	[dreg:$0x9] =	wrdreg s18  }
0xd: {  	p0 =	seq.s32 s1, $0x0;
	[dreg:$0xa] =	wrdreg s19;
	s13 =	simm.s32 $0x3  }
0xe: {  	[dreg:$0xb] =	wrdreg s20;
	s14 =	simm.s32 $0x800;
	s16 =	simm.s32 $0x1000  }
0xf: {  	s18 =	simm.s32 $0x1;
	s26 =	simm.s32 $0xB80;
	s19 =	simm.s32 $0x2  }
0x10: {  	s20 =	simm.s32 $0x480;
	s1 =	simm.s32 $0xE80;
	s4 =	sand.u32 $0x70, s4  }
0x11: {  	s10 =	sshrl.u32 s21, $0x3;
	s12 =	sshrl.u32 s22, $0x1;
	s24 =	sshrl.u32 s11, $0x2  }
0x12: {  	s11 =	simm.s32 $0x7;
	[dreg:$0x11] =	wrdreg s26;
	s26 =	simm.s32 $0x600  }
0x13: {  	s4 =	sadd.s32 s6, s4;
	s6 =	sadd.s32 s21, s8;
	s10 =	sadd.s32 s10, s5  }
0x14: {  	s23 =	ssub.s32 s22, s12;
	s8 =	sadd.s32 s24, s2;
	s12 =	simm.s32 $0x880  }
0x15: {  	s11 =	simm.s32 @!p0 $0x3;
	s21 =	simm.s32 $0x300;
	s22 =	simm.s32 $0xA80  }
0x16: {  	s24 =	simm.s32 $0xB00;
	s7 =	sshll.u32 s4, $0x4;
	[dreg:$0x13] =	wrdreg s11  }
0x17: {  	s4 =	sadd.s32 $0xC400, s5;
	s6 =	sshrl.u32 s6, $0x3;
	[dreg:$0x5] =	wrdreg s12  }
0x18: {  	s10 =	sadd.s32 $0x34400, s10;
	s15 =	smax.u32 s23, $0x1;
	[dreg:$0xc] =	wrdreg s21  }
0x19: {  	s11 =	sshrl.u32 s8, $0x3;
	[dreg:$0xd] =	wrdreg s22;
	s23 =	simm.s32 $0x380  }
0x1a: {  	[dreg:$0xf] =	wrdreg s24;
	s21 =	simm.s32 $0xC00;
	s22 =	simm.s32 $0x500  }
0x1b: {  	s24 =	simm.s32 $0x580;
	s8 =	simm.s32 $0xF80;
	[dreg:$0x12] =	wrdreg s10  }
0x1c: {  	s9 =	sadd.s32 s7, s5;
	s5 =	sadd.s32 s6, s5;
	[dreg:$0x15] =	wrdreg s15  }
0x1d: {  	s10 =	sor.u32 $0x1C03, s25;
	s0 =	sadd.s32 s7, s0;
	[dreg:$0xe] =	wrdreg s23  }
0x1e: {  	s15 =	simm.s32 $0x80;
	s25 =	simm.s32 $0x400;
	[dreg:$0x18] =	wrdreg s11  }
0x1f: {  	s23 =	simm.s32 $0xC80;
	s5 =	sadd.s32 $0x5C400, s5;
	[dreg:$0x17] =	wrdreg s0  }
0x20: {  	s17 =	sadd.s32 $0x2400, s9;
	[dreg:$0x10] =	wrdreg s25;
	s25 =	simm.s32 $0xD00  }
0x21: {  	s0 =	simm.s32 $0x780;
	s9 =	simm.s32 $0x0;
	[dreg:$0x14] =	wrdreg s5  }
0x22: {  	[dreg:$0x16] =	wrdreg s17;
	s17 =	simm.s32 $0x5000;
	s5 =	simm.s32 $0xF00  }
.LBB2_1:
0x23: {  	s6 =	rddreg [dreg:$0x12]  }
0x24: {  	[spmem:s11], [sflag:s10] =	dma.local [hbm:s6], $0x2800  }
0x25: {  	_ =	swait.ge [sflag:s13], $0x2800  }
0x26: {  	[sflag:s13] =	ssyncset.done $0x0  }
0x27: {  	[sflag:s13] =	ssyncadd.s32 $0xFFFFD800  }
0x28: {  	[bflag:$0x0] =	sbarrier.arrive $0xFFFF  }
0x29: {  	s11 =	rddreg [dreg:$0x17]  }
0x2a: {  	[tilespmem:s3], [sflag:$0x3] =	stream.linear.gather [hbm4b:s11+s3], $0x800, $0x38;
	[tilespmem:$0x1D000] =	vst v63  }
0x2b: {  	_ =	swait.ge [sflag:s13], $0x800  }
0x2c: {  	[sflag:s13] =	ssyncset.done $0x0  }
0x2d: {  	s7 =	smov.u32 s10;
	s10 =	rddreg [dreg:$0x16];
	[sflag:s13] =	ssyncadd.s32 $0xFFFFF800  }
0x2e: {  	[tilespmem:s14], [sflag:$0x3] =	stream.linear.gather [hbm4b:s10+s3], $0x800, $0x38;
	[tilespmem:$0x1D000] =	vst v63  }
0x2f: {  	_ =	swait.ge [sflag:s13], $0x800  }
0x30: {  	[sflag:s13] =	ssyncset.done $0x0  }
0x31: {  	[sflag:s13] =	ssyncadd.s32 $0xFFFFF800  }
0x32: {  	[tilespmem:s16], [sflag:$0x1] =	stream.indirect.gather [hbm4b:s4+s15], $0x80, s3, s15, $0xb8;
	[tilespmem:$0x1D000] =	vst v63  }
0x33: {  	_ = 	snop  }
0x34: {  	[tilespmem:s17], [sflag:$0x2] =	stream.indirect.gather [hbm4b:s4+s15], $0x80, s15, s15, $0xb8;
	[tilespmem:$0x1D000] =	vst v63  }
0x35: {  	_ =	swait.ge [sflag:s18], $0x4000  }
0x36: {  	[sflag:s18] =	ssyncset.done $0x0  }
0x37: {  	[sflag:s18] =	ssyncadd.s32 $0xFFFFC000  }
0x38: {  	[spmem:s2] =	stream.indirect.scatter.add.f32 [tilespmem:s16], [sflag:$0x3], $0x80, s14, s15, $0xb8;
	[tilespmem:$0x1D000] =	vst v63  }
0x39: {  	_ =	swait.ge [sflag:s13], $0x4000  }
0x3a: {  	[sflag:s13] =	ssyncset.done $0x0  }
0x3b: {  	s12 =	rddreg [dreg:$0x4];
	[sflag:s13] =	ssyncadd.s32 $0xFFFFC000  }
0x3c: {  	[tilespmem:s16], [sflag:$0x1] =	stream.indirect.gather [hbm4b:s4+s15], $0x80, s12, s15, $0xb8;
	[tilespmem:$0x1D000] =	vst v63  }
0x3d: {  	_ =	swait.ge [sflag:s19], $0x4000  }
0x3e: {  	[sflag:s19] =	ssyncset.done $0x0  }
0x3f: {  	s12 =	rddreg [dreg:$0x5];
	[sflag:s19] =	ssyncadd.s32 $0xFFFFC000  }
0x40: {  	[spmem:s2] =	stream.indirect.scatter.add.f32 [tilespmem:s17], [sflag:$0x3], $0x80, s12, s15, $0xb8;
	[tilespmem:$0x1D000] =	vst v63  }
0x41: {  	_ =	swait.ge [sflag:s13], $0x4000  }
0x42: {  	[sflag:s13] =	ssyncset.done $0x0  }
0x43: {  	s12 =	rddreg [dreg:$0x6];
	[sflag:s13] =	ssyncadd.s32 $0xFFFFC000  }
0x44: {  	[tilespmem:s17], [sflag:$0x2] =	stream.indirect.gather [hbm4b:s4+s15], $0x80, s12, s15, $0xb8;
	[tilespmem:$0x1D000] =	vst v63  }
0x45: {  	_ =	swait.ge [sflag:s18], $0x4000  }
0x46: {  	[sflag:s18] =	ssyncset.done $0x0  }
0x47: {  	s12 =	rddreg [dreg:$0x7];
	[sflag:s18] =	ssyncadd.s32 $0xFFFFC000  }
0x48: {  	[spmem:s2] =	stream.indirect.scatter.add.f32 [tilespmem:s16], [sflag:$0x3], $0x80, s12, s15, $0xb8;
	[tilespmem:$0x1D000] =	vst v63  }
0x49: {  	_ =	swait.ge [sflag:s13], $0x4000  }
0x4a: {  	[sflag:s13] =	ssyncset.done $0x0  }
0x4b: {  	s12 =	rddreg [dreg:$0x8];
	[sflag:s13] =	ssyncadd.s32 $0xFFFFC000  }
0x4c: {  	[tilespmem:s16], [sflag:$0x1] =	stream.indirect.gather [hbm4b:s4+s15], $0x80, s12, s15, $0xb8;
	[tilespmem:$0x1D000] =	vst v63  }
0x4d: {  	_ =	swait.ge [sflag:s19], $0x4000  }
0x4e: {  	[sflag:s19] =	ssyncset.done $0x0  }
0x4f: {  	s12 =	rddreg [dreg:$0x9];
	[sflag:s19] =	ssyncadd.s32 $0xFFFFC000  }
0x50: {  	[spmem:s2] =	stream.indirect.scatter.add.f32 [tilespmem:s17], [sflag:$0x3], $0x80, s12, s15, $0xb8;
	[tilespmem:$0x1D000] =	vst v63  }
0x51: {  	_ =	swait.ge [sflag:s13], $0x4000  }
0x52: {  	[sflag:s13] =	ssyncset.done $0x0  }
0x53: {  	s12 =	rddreg [dreg:$0xa];
	[sflag:s13] =	ssyncadd.s32 $0xFFFFC000  }
0x54: {  	[tilespmem:s17], [sflag:$0x2] =	stream.indirect.gather [hbm4b:s4+s15], $0x80, s12, s15, $0xb8;
	[tilespmem:$0x1D000] =	vst v63  }
0x55: {  	_ =	swait.ge [sflag:s18], $0x4000  }
0x56: {  	[sflag:s18] =	ssyncset.done $0x0  }
0x57: {  	s12 =	rddreg [dreg:$0xb];
	[sflag:s18] =	ssyncadd.s32 $0xFFFFC000  }
0x58: {  	[spmem:s2] =	stream.indirect.scatter.add.f32 [tilespmem:s16], [sflag:$0x3], $0x80, s12, s15, $0xb8;
	[tilespmem:$0x1D000] =	vst v63  }
0x59: {  	_ =	swait.ge [sflag:s13], $0x4000  }
0x5a: {  	[sflag:s13] =	ssyncset.done $0x0  }
0x5b: {  	s12 =	rddreg [dreg:$0xc];
	[sflag:s13] =	ssyncadd.s32 $0xFFFFC000  }
0x5c: {  	[tilespmem:s16], [sflag:$0x1] =	stream.indirect.gather [hbm4b:s4+s15], $0x80, s12, s15, $0xb8;
	[tilespmem:$0x1D000] =	vst v63  }
0x5d: {  	_ =	swait.ge [sflag:s19], $0x4000  }
0x5e: {  	[sflag:s19] =	ssyncset.done $0x0  }
0x5f: {  	s12 =	rddreg [dreg:$0xd];
	[sflag:s19] =	ssyncadd.s32 $0xFFFFC000  }
0x60: {  	[spmem:s2] =	stream.indirect.scatter.add.f32 [tilespmem:s17], [sflag:$0x3], $0x80, s12, s15, $0xb8;
	[tilespmem:$0x1D000] =	vst v63  }
0x61: {  	_ =	swait.ge [sflag:s13], $0x4000  }
0x62: {  	[sflag:s13] =	ssyncset.done $0x0  }
0x63: {  	s12 =	rddreg [dreg:$0xe];
	[sflag:s13] =	ssyncadd.s32 $0xFFFFC000  }
0x64: {  	[tilespmem:s17], [sflag:$0x2] =	stream.indirect.gather [hbm4b:s4+s15], $0x80, s12, s15, $0xb8;
	[tilespmem:$0x1D000] =	vst v63  }
0x65: {  	_ =	swait.ge [sflag:s18], $0x4000  }
0x66: {  	[sflag:s18] =	ssyncset.done $0x0  }
0x67: {  	s12 =	rddreg [dreg:$0xf];
	[sflag:s18] =	ssyncadd.s32 $0xFFFFC000  }
0x68: {  	[spmem:s2] =	stream.indirect.scatter.add.f32 [tilespmem:s16], [sflag:$0x3], $0x80, s12, s15, $0xb8;
	[tilespmem:$0x1D000] =	vst v63  }
0x69: {  	_ =	swait.ge [sflag:s13], $0x4000  }
0x6a: {  	[sflag:s13] =	ssyncset.done $0x0  }
0x6b: {  	s12 =	rddreg [dreg:$0x10];
	[sflag:s13] =	ssyncadd.s32 $0xFFFFC000  }
0x6c: {  	[tilespmem:s16], [sflag:$0x1] =	stream.indirect.gather [hbm4b:s4+s15], $0x80, s12, s15, $0xb8;
	[tilespmem:$0x1D000] =	vst v63  }
0x6d: {  	_ =	swait.ge [sflag:s19], $0x4000  }
0x6e: {  	[sflag:s19] =	ssyncset.done $0x0  }
0x6f: {  	s12 =	rddreg [dreg:$0x11];
	[sflag:s19] =	ssyncadd.s32 $0xFFFFC000  }
0x70: {  	[spmem:s2] =	stream.indirect.scatter.add.f32 [tilespmem:s17], [sflag:$0x3], $0x80, s12, s15, $0xb8;
	[tilespmem:$0x1D000] =	vst v63  }
0x71: {  	_ =	swait.ge [sflag:s13], $0x4000  }
0x72: {  	[sflag:s13] =	ssyncset.done $0x0  }
0x73: {  	[sflag:s13] =	ssyncadd.s32 $0xFFFFC000  }
0x74: {  	[tilespmem:s17], [sflag:$0x2] =	stream.indirect.gather [hbm4b:s4+s15], $0x80, s20, s15, $0xb8;
	[tilespmem:$0x1D000] =	vst v63  }
0x75: {  	_ =	swait.ge [sflag:s18], $0x4000  }
0x76: {  	[sflag:s18] =	ssyncset.done $0x0  }
0x77: {  	[sflag:s18] =	ssyncadd.s32 $0xFFFFC000  }
0x78: {  	[spmem:s2] =	stream.indirect.scatter.add.f32 [tilespmem:s16], [sflag:$0x3], $0x80, s21, s15, $0xb8;
	[tilespmem:$0x1D000] =	vst v63  }
0x79: {  	_ =	swait.ge [sflag:s13], $0x4000  }
0x7a: {  	[sflag:s13] =	ssyncset.done $0x0  }
0x7b: {  	[sflag:s13] =	ssyncadd.s32 $0xFFFFC000  }
0x7c: {  	[tilespmem:s16], [sflag:$0x1] =	stream.indirect.gather [hbm4b:s4+s15], $0x80, s22, s15, $0xb8;
	[tilespmem:$0x1D000] =	vst v63  }
0x7d: {  	_ =	swait.ge [sflag:s19], $0x4000  }
0x7e: {  	[sflag:s19] =	ssyncset.done $0x0  }
0x7f: {  	[sflag:s19] =	ssyncadd.s32 $0xFFFFC000  }
0x80: {  	[spmem:s2] =	stream.indirect.scatter.add.f32 [tilespmem:s17], [sflag:$0x3], $0x80, s23, s15, $0xb8;
	[tilespmem:$0x1D000] =	vst v63  }
0x81: {  	_ =	swait.ge [sflag:s13], $0x4000  }
0x82: {  	[sflag:s13] =	ssyncset.done $0x0  }
0x83: {  	[sflag:s13] =	ssyncadd.s32 $0xFFFFC000  }
0x84: {  	[tilespmem:s17], [sflag:$0x2] =	stream.indirect.gather [hbm4b:s4+s15], $0x80, s24, s15, $0xb8;
	[tilespmem:$0x1D000] =	vst v63  }
0x85: {  	_ =	swait.ge [sflag:s18], $0x4000  }
0x86: {  	[sflag:s18] =	ssyncset.done $0x0  }
0x87: {  	[sflag:s18] =	ssyncadd.s32 $0xFFFFC000  }
0x88: {  	[spmem:s2] =	stream.indirect.scatter.add.f32 [tilespmem:s16], [sflag:$0x3], $0x80, s25, s15, $0xb8;
	[tilespmem:$0x1D000] =	vst v63  }
0x89: {  	_ =	swait.ge [sflag:s13], $0x4000  }
0x8a: {  	[sflag:s13] =	ssyncset.done $0x0  }
0x8b: {  	[sflag:s13] =	ssyncadd.s32 $0xFFFFC000  }
0x8c: {  	[tilespmem:s16], [sflag:$0x1] =	stream.indirect.gather [hbm4b:s4+s15], $0x80, s26, s15, $0xb8;
	[tilespmem:$0x1D000] =	vst v63  }
0x8d: {  	_ =	swait.ge [sflag:s19], $0x4000  }
0x8e: {  	[sflag:s19] =	ssyncset.done $0x0  }
0x8f: {  	[sflag:s19] =	ssyncadd.s32 $0xFFFFC000  }
0x90: {  	[spmem:s2] =	stream.indirect.scatter.add.f32 [tilespmem:s17], [sflag:$0x3], $0x80, s28, s15, $0xb8;
	[tilespmem:$0x1D000] =	vst v63  }
0x91: {  	_ =	swait.ge [sflag:s13], $0x4000  }
0x92: {  	[sflag:s13] =	ssyncset.done $0x0  }
0x93: {  	[sflag:s13] =	ssyncadd.s32 $0xFFFFC000  }
0x94: {  	[tilespmem:s17], [sflag:$0x2] =	stream.indirect.gather [hbm4b:s4+s15], $0x80, s29, s15, $0xb8;
	[tilespmem:$0x1D000] =	vst v63  }
0x95: {  	_ =	swait.ge [sflag:s18], $0x4000  }
0x96: {  	[sflag:s18] =	ssyncset.done $0x0  }
0x97: {  	[sflag:s18] =	ssyncadd.s32 $0xFFFFC000  }
0x98: {  	[spmem:s2] =	stream.indirect.scatter.add.f32 [tilespmem:s16], [sflag:$0x3], $0x80, s30, s15, $0xb8;
	[tilespmem:$0x1D000] =	vst v63  }
0x99: {  	_ =	swait.ge [sflag:s13], $0x4000  }
0x9a: {  	[sflag:s13] =	ssyncset.done $0x0  }
0x9b: {  	[sflag:s13] =	ssyncadd.s32 $0xFFFFC000  }
0x9c: {  	[tilespmem:s16], [sflag:$0x1] =	stream.indirect.gather [hbm4b:s4+s15], $0x80, s31, s15, $0xb8;
	[tilespmem:$0x1D000] =	vst v63  }
0x9d: {  	_ =	swait.ge [sflag:s19], $0x4000  }
0x9e: {  	[sflag:s19] =	ssyncset.done $0x0  }
0x9f: {  	[sflag:s19] =	ssyncadd.s32 $0xFFFFC000  }
0xa0: {  	[spmem:s2] =	stream.indirect.scatter.add.f32 [tilespmem:s17], [sflag:$0x3], $0x80, s1, s15, $0xb8;
	[tilespmem:$0x1D000] =	vst v63  }
0xa1: {  	_ =	swait.ge [sflag:s13], $0x4000  }
0xa2: {  	[sflag:s13] =	ssyncset.done $0x0  }
0xa3: {  	[sflag:s13] =	ssyncadd.s32 $0xFFFFC000  }
0xa4: {  	[tilespmem:s17], [sflag:$0x2] =	stream.indirect.gather [hbm4b:s4+s15], $0x80, s0, s15, $0xb8;
	[tilespmem:$0x1D000] =	vst v63  }
0xa5: {  	_ =	swait.ge [sflag:s18], $0x4000  }
0xa6: {  	[sflag:s18] =	ssyncset.done $0x0  }
0xa7: {  	[sflag:s18] =	ssyncadd.s32 $0xFFFFC000  }
0xa8: {  	[spmem:s2] =	stream.indirect.scatter.add.f32 [tilespmem:s16], [sflag:$0x3], $0x80, s5, s15, $0xb8;
	[tilespmem:$0x1D000] =	vst v63  }
0xa9: {  	_ =	swait.ge [sflag:s13], $0x4000  }
0xaa: {  	[sflag:s13] =	ssyncset.done $0x0  }
0xab: {  	[sflag:s13] =	ssyncadd.s32 $0xFFFFC000  }
0xac: {  	_ =	swait.ge [sflag:s19], $0x4000  }
0xad: {  	s12 =	rddreg [dreg:$0x13]  }
0xae: {  	p0 =	sne.s32 s12, $0x1  }
.Ltmp0:
0xaf: {  	[sflag:s19] =	ssyncset.done $0x0;
	(pc) =	sbr.rel @!p0 .LBB2_3-.Ltmp0, $4  }
0xb0: {  	[sflag:s19] =	ssyncadd.s32 $0xFFFFC000  }
0xb1: {  	[spmem:s2] =	stream.indirect.scatter.add.f32 [tilespmem:s17], [sflag:$0x3], $0x80, s8, s15, $0xb8;
	[tilespmem:$0x1D000] =	vst v63  }
0xb2: {  	_ =	swait.ge [sflag:s13], $0x4000  }
0xb3: {  	s6 =	sadd.s32 $0xFFFFFFFF, s12;
	[sflag:s13] =	ssyncset.done $0x0  }
.LBB2_2:
0xb4: {  	[sflag:s13] =	ssyncadd.s32 $0xFFFFC000;
	s11 =	sadd.s32 $0x100, s11  }
0xb5: {  	[tilespmem:s3], [sflag:$0x3] =	stream.linear.gather [hbm4b:s11+s3], $0x800, $0x38;
	[tilespmem:$0x1D000] =	vst v63  }
0xb6: {  	_ =	swait.ge [sflag:s13], $0x800  }
0xb7: {  	[sflag:s13] =	ssyncset.done $0x0  }
0xb8: {  	s10 =	sadd.s32 $0x100, s10;
	[sflag:s13] =	ssyncadd.s32 $0xFFFFF800  }
0xb9: {  	[tilespmem:s14], [sflag:$0x3] =	stream.linear.gather [hbm4b:s10+s3], $0x800, $0x38;
	[tilespmem:$0x1D000] =	vst v63  }
0xba: {  	_ =	swait.ge [sflag:s13], $0x800  }
0xbb: {  	[sflag:s13] =	ssyncset.done $0x0  }
0xbc: {  	[sflag:s13] =	ssyncadd.s32 $0xFFFFF800  }
0xbd: {  	[tilespmem:s16], [sflag:$0x1] =	stream.indirect.gather [hbm4b:s4+s15], $0x80, s3, s15, $0xb8;
	[tilespmem:$0x1D000] =	vst v63  }
0xbe: {  	_ = 	snop  }
0xbf: {  	[tilespmem:s17], [sflag:$0x2] =	stream.indirect.gather [hbm4b:s4+s15], $0x80, s15, s15, $0xb8;
	[tilespmem:$0x1D000] =	vst v63  }
0xc0: {  	_ =	swait.ge [sflag:s18], $0x4000  }
0xc1: {  	[sflag:s18] =	ssyncset.done $0x0  }
0xc2: {  	[sflag:s18] =	ssyncadd.s32 $0xFFFFC000  }
0xc3: {  	[spmem:s2] =	stream.indirect.scatter.add.f32 [tilespmem:s16], [sflag:$0x3], $0x80, s14, s15, $0xb8;
	[tilespmem:$0x1D000] =	vst v63  }
0xc4: {  	_ =	swait.ge [sflag:s13], $0x4000  }
0xc5: {  	[sflag:s13] =	ssyncset.done $0x0  }
0xc6: {  	s12 =	rddreg [dreg:$0x4];
	[sflag:s13] =	ssyncadd.s32 $0xFFFFC000  }
0xc7: {  	[tilespmem:s16], [sflag:$0x1] =	stream.indirect.gather [hbm4b:s4+s15], $0x80, s12, s15, $0xb8;
	[tilespmem:$0x1D000] =	vst v63  }
0xc8: {  	_ =	swait.ge [sflag:s19], $0x4000  }
0xc9: {  	[sflag:s19] =	ssyncset.done $0x0  }
0xca: {  	s12 =	rddreg [dreg:$0x5];
	[sflag:s19] =	ssyncadd.s32 $0xFFFFC000  }
0xcb: {  	[spmem:s2] =	stream.indirect.scatter.add.f32 [tilespmem:s17], [sflag:$0x3], $0x80, s12, s15, $0xb8;
	[tilespmem:$0x1D000] =	vst v63  }
0xcc: {  	_ =	swait.ge [sflag:s13], $0x4000  }
0xcd: {  	[sflag:s13] =	ssyncset.done $0x0  }
0xce: {  	s12 =	rddreg [dreg:$0x6];
	[sflag:s13] =	ssyncadd.s32 $0xFFFFC000  }
0xcf: {  	[tilespmem:s17], [sflag:$0x2] =	stream.indirect.gather [hbm4b:s4+s15], $0x80, s12, s15, $0xb8;
	[tilespmem:$0x1D000] =	vst v63  }
0xd0: {  	_ =	swait.ge [sflag:s18], $0x4000  }
0xd1: {  	[sflag:s18] =	ssyncset.done $0x0  }
0xd2: {  	s12 =	rddreg [dreg:$0x7];
	[sflag:s18] =	ssyncadd.s32 $0xFFFFC000  }
0xd3: {  	[spmem:s2] =	stream.indirect.scatter.add.f32 [tilespmem:s16], [sflag:$0x3], $0x80, s12, s15, $0xb8;
	[tilespmem:$0x1D000] =	vst v63  }
0xd4: {  	_ =	swait.ge [sflag:s13], $0x4000  }
0xd5: {  	[sflag:s13] =	ssyncset.done $0x0  }
0xd6: {  	s12 =	rddreg [dreg:$0x8];
	[sflag:s13] =	ssyncadd.s32 $0xFFFFC000  }
0xd7: {  	[tilespmem:s16], [sflag:$0x1] =	stream.indirect.gather [hbm4b:s4+s15], $0x80, s12, s15, $0xb8;
	[tilespmem:$0x1D000] =	vst v63  }
0xd8: {  	_ =	swait.ge [sflag:s19], $0x4000  }
0xd9: {  	[sflag:s19] =	ssyncset.done $0x0  }
0xda: {  	s12 =	rddreg [dreg:$0x9];
	[sflag:s19] =	ssyncadd.s32 $0xFFFFC000  }
0xdb: {  	[spmem:s2] =	stream.indirect.scatter.add.f32 [tilespmem:s17], [sflag:$0x3], $0x80, s12, s15, $0xb8;
	[tilespmem:$0x1D000] =	vst v63  }
0xdc: {  	_ =	swait.ge [sflag:s13], $0x4000  }
0xdd: {  	[sflag:s13] =	ssyncset.done $0x0  }
0xde: {  	s12 =	rddreg [dreg:$0xa];
	[sflag:s13] =	ssyncadd.s32 $0xFFFFC000  }
0xdf: {  	[tilespmem:s17], [sflag:$0x2] =	stream.indirect.gather [hbm4b:s4+s15], $0x80, s12, s15, $0xb8;
	[tilespmem:$0x1D000] =	vst v63  }
0xe0: {  	_ =	swait.ge [sflag:s18], $0x4000  }
0xe1: {  	[sflag:s18] =	ssyncset.done $0x0  }
0xe2: {  	s12 =	rddreg [dreg:$0xb];
	[sflag:s18] =	ssyncadd.s32 $0xFFFFC000  }
0xe3: {  	[spmem:s2] =	stream.indirect.scatter.add.f32 [tilespmem:s16], [sflag:$0x3], $0x80, s12, s15, $0xb8;
	[tilespmem:$0x1D000] =	vst v63  }
0xe4: {  	_ =	swait.ge [sflag:s13], $0x4000  }
0xe5: {  	[sflag:s13] =	ssyncset.done $0x0  }
0xe6: {  	s12 =	rddreg [dreg:$0xc];
	[sflag:s13] =	ssyncadd.s32 $0xFFFFC000  }
0xe7: {  	[tilespmem:s16], [sflag:$0x1] =	stream.indirect.gather [hbm4b:s4+s15], $0x80, s12, s15, $0xb8;
	[tilespmem:$0x1D000] =	vst v63  }
0xe8: {  	_ =	swait.ge [sflag:s19], $0x4000  }
0xe9: {  	[sflag:s19] =	ssyncset.done $0x0  }
0xea: {  	s12 =	rddreg [dreg:$0xd];
	[sflag:s19] =	ssyncadd.s32 $0xFFFFC000  }
0xeb: {  	[spmem:s2] =	stream.indirect.scatter.add.f32 [tilespmem:s17], [sflag:$0x3], $0x80, s12, s15, $0xb8;
	[tilespmem:$0x1D000] =	vst v63  }
0xec: {  	_ =	swait.ge [sflag:s13], $0x4000  }
0xed: {  	[sflag:s13] =	ssyncset.done $0x0  }
0xee: {  	s12 =	rddreg [dreg:$0xe];
	[sflag:s13] =	ssyncadd.s32 $0xFFFFC000  }
0xef: {  	[tilespmem:s17], [sflag:$0x2] =	stream.indirect.gather [hbm4b:s4+s15], $0x80, s12, s15, $0xb8;
	[tilespmem:$0x1D000] =	vst v63  }
0xf0: {  	_ =	swait.ge [sflag:s18], $0x4000  }
0xf1: {  	[sflag:s18] =	ssyncset.done $0x0  }
0xf2: {  	s12 =	rddreg [dreg:$0xf];
	[sflag:s18] =	ssyncadd.s32 $0xFFFFC000  }
0xf3: {  	[spmem:s2] =	stream.indirect.scatter.add.f32 [tilespmem:s16], [sflag:$0x3], $0x80, s12, s15, $0xb8;
	[tilespmem:$0x1D000] =	vst v63  }
0xf4: {  	_ =	swait.ge [sflag:s13], $0x4000  }
0xf5: {  	[sflag:s13] =	ssyncset.done $0x0  }
0xf6: {  	s12 =	rddreg [dreg:$0x10];
	[sflag:s13] =	ssyncadd.s32 $0xFFFFC000  }
0xf7: {  	[tilespmem:s16], [sflag:$0x1] =	stream.indirect.gather [hbm4b:s4+s15], $0x80, s12, s15, $0xb8;
	[tilespmem:$0x1D000] =	vst v63  }
0xf8: {  	_ =	swait.ge [sflag:s19], $0x4000  }
0xf9: {  	[sflag:s19] =	ssyncset.done $0x0  }
0xfa: {  	s12 =	rddreg [dreg:$0x11];
	[sflag:s19] =	ssyncadd.s32 $0xFFFFC000  }
0xfb: {  	[spmem:s2] =	stream.indirect.scatter.add.f32 [tilespmem:s17], [sflag:$0x3], $0x80, s12, s15, $0xb8;
	[tilespmem:$0x1D000] =	vst v63  }
0xfc: {  	_ =	swait.ge [sflag:s13], $0x4000  }
0xfd: {  	[sflag:s13] =	ssyncset.done $0x0  }
0xfe: {  	[sflag:s13] =	ssyncadd.s32 $0xFFFFC000  }
0xff: {  	[tilespmem:s17], [sflag:$0x2] =	stream.indirect.gather [hbm4b:s4+s15], $0x80, s20, s15, $0xb8;
	[tilespmem:$0x1D000] =	vst v63  }
0x100: {  	_ =	swait.ge [sflag:s18], $0x4000  }
0x101: {  	[sflag:s18] =	ssyncset.done $0x0  }
0x102: {  	[sflag:s18] =	ssyncadd.s32 $0xFFFFC000  }
0x103: {  	[spmem:s2] =	stream.indirect.scatter.add.f32 [tilespmem:s16], [sflag:$0x3], $0x80, s21, s15, $0xb8;
	[tilespmem:$0x1D000] =	vst v63  }
0x104: {  	_ =	swait.ge [sflag:s13], $0x4000  }
0x105: {  	[sflag:s13] =	ssyncset.done $0x0  }
0x106: {  	[sflag:s13] =	ssyncadd.s32 $0xFFFFC000  }
0x107: {  	[tilespmem:s16], [sflag:$0x1] =	stream.indirect.gather [hbm4b:s4+s15], $0x80, s22, s15, $0xb8;
	[tilespmem:$0x1D000] =	vst v63  }
0x108: {  	_ =	swait.ge [sflag:s19], $0x4000  }
0x109: {  	[sflag:s19] =	ssyncset.done $0x0  }
0x10a: {  	[sflag:s19] =	ssyncadd.s32 $0xFFFFC000  }
0x10b: {  	[spmem:s2] =	stream.indirect.scatter.add.f32 [tilespmem:s17], [sflag:$0x3], $0x80, s23, s15, $0xb8;
	[tilespmem:$0x1D000] =	vst v63  }
0x10c: {  	_ =	swait.ge [sflag:s13], $0x4000  }
0x10d: {  	[sflag:s13] =	ssyncset.done $0x0  }
0x10e: {  	[sflag:s13] =	ssyncadd.s32 $0xFFFFC000  }
0x10f: {  	[tilespmem:s17], [sflag:$0x2] =	stream.indirect.gather [hbm4b:s4+s15], $0x80, s24, s15, $0xb8;
	[tilespmem:$0x1D000] =	vst v63  }
0x110: {  	_ =	swait.ge [sflag:s18], $0x4000  }
0x111: {  	[sflag:s18] =	ssyncset.done $0x0  }
0x112: {  	[sflag:s18] =	ssyncadd.s32 $0xFFFFC000  }
0x113: {  	[spmem:s2] =	stream.indirect.scatter.add.f32 [tilespmem:s16], [sflag:$0x3], $0x80, s25, s15, $0xb8;
	[tilespmem:$0x1D000] =	vst v63  }
0x114: {  	_ =	swait.ge [sflag:s13], $0x4000  }
0x115: {  	[sflag:s13] =	ssyncset.done $0x0  }
0x116: {  	[sflag:s13] =	ssyncadd.s32 $0xFFFFC000  }
0x117: {  	[tilespmem:s16], [sflag:$0x1] =	stream.indirect.gather [hbm4b:s4+s15], $0x80, s26, s15, $0xb8;
	[tilespmem:$0x1D000] =	vst v63  }
0x118: {  	_ =	swait.ge [sflag:s19], $0x4000  }
0x119: {  	[sflag:s19] =	ssyncset.done $0x0  }
0x11a: {  	[sflag:s19] =	ssyncadd.s32 $0xFFFFC000  }
0x11b: {  	[spmem:s2] =	stream.indirect.scatter.add.f32 [tilespmem:s17], [sflag:$0x3], $0x80, s28, s15, $0xb8;
	[tilespmem:$0x1D000] =	vst v63  }
0x11c: {  	_ =	swait.ge [sflag:s13], $0x4000  }
0x11d: {  	[sflag:s13] =	ssyncset.done $0x0  }
0x11e: {  	[sflag:s13] =	ssyncadd.s32 $0xFFFFC000  }
0x11f: {  	[tilespmem:s17], [sflag:$0x2] =	stream.indirect.gather [hbm4b:s4+s15], $0x80, s29, s15, $0xb8;
	[tilespmem:$0x1D000] =	vst v63  }
0x120: {  	_ =	swait.ge [sflag:s18], $0x4000  }
0x121: {  	[sflag:s18] =	ssyncset.done $0x0  }
0x122: {  	[sflag:s18] =	ssyncadd.s32 $0xFFFFC000  }
0x123: {  	[spmem:s2] =	stream.indirect.scatter.add.f32 [tilespmem:s16], [sflag:$0x3], $0x80, s30, s15, $0xb8;
	[tilespmem:$0x1D000] =	vst v63  }
0x124: {  	_ =	swait.ge [sflag:s13], $0x4000  }
0x125: {  	[sflag:s13] =	ssyncset.done $0x0  }
0x126: {  	[sflag:s13] =	ssyncadd.s32 $0xFFFFC000  }
0x127: {  	[tilespmem:s16], [sflag:$0x1] =	stream.indirect.gather [hbm4b:s4+s15], $0x80, s31, s15, $0xb8;
	[tilespmem:$0x1D000] =	vst v63  }
0x128: {  	_ =	swait.ge [sflag:s19], $0x4000  }
0x129: {  	[sflag:s19] =	ssyncset.done $0x0  }
0x12a: {  	[sflag:s19] =	ssyncadd.s32 $0xFFFFC000  }
0x12b: {  	[spmem:s2] =	stream.indirect.scatter.add.f32 [tilespmem:s17], [sflag:$0x3], $0x80, s1, s15, $0xb8;
	[tilespmem:$0x1D000] =	vst v63  }
0x12c: {  	_ =	swait.ge [sflag:s13], $0x4000  }
0x12d: {  	[sflag:s13] =	ssyncset.done $0x0  }
0x12e: {  	[sflag:s13] =	ssyncadd.s32 $0xFFFFC000  }
0x12f: {  	[tilespmem:s17], [sflag:$0x2] =	stream.indirect.gather [hbm4b:s4+s15], $0x80, s0, s15, $0xb8;
	[tilespmem:$0x1D000] =	vst v63  }
0x130: {  	_ =	swait.ge [sflag:s18], $0x4000  }
0x131: {  	[sflag:s18] =	ssyncset.done $0x0  }
0x132: {  	[sflag:s18] =	ssyncadd.s32 $0xFFFFC000  }
0x133: {  	[spmem:s2] =	stream.indirect.scatter.add.f32 [tilespmem:s16], [sflag:$0x3], $0x80, s5, s15, $0xb8;
	[tilespmem:$0x1D000] =	vst v63  }
0x134: {  	_ =	swait.ge [sflag:s13], $0x4000  }
0x135: {  	[sflag:s13] =	ssyncset.done $0x0  }
0x136: {  	[sflag:s13] =	ssyncadd.s32 $0xFFFFC000  }
0x137: {  	p0 =	sne.s32 s6, $0x1;
	_ =	swait.ge [sflag:s19], $0x4000  }
.Ltmp1:
0x138: {  	[sflag:s19] =	ssyncset.done $0x0;
	(pc) =	sbr.rel @p0 .LBB2_2-.Ltmp1, $4  }
0x139: {  	[sflag:s19] =	ssyncadd.s32 $0xFFFFC000  }
0x13a: {  	[spmem:s2] =	stream.indirect.scatter.add.f32 [tilespmem:s17], [sflag:$0x3], $0x80, s8, s15, $0xb8;
	[tilespmem:$0x1D000] =	vst v63  }
0x13b: {  	_ =	swait.ge [sflag:s13], $0x4000  }
0x13c: {  	s6 =	sadd.s32 $0xFFFFFFFF, s6;
	[sflag:s13] =	ssyncset.done $0x0  }
.LBB2_3:
0x13d: {  	[sflag:s13] =	ssyncadd.s32 $0xFFFFC000  }
0x13e: {  	[bflag:$0x0] =	sbarrier.arrive $0xFFFF  }
0x13f: {  	s6 =	rddreg [dreg:$0x14]  }
0x140: {  	s11 =	rddreg [dreg:$0x18]  }
0x141: {  	[hbm:s6], [sflag:s7] =	dma.local [spmem:s11], $0x2800  }
0x142: {  	_ =	swait.ge [sflag:s13], $0x2800  }
0x143: {  	s9 =	sadd.s32 $0x1, s9;
	s12 =	rddreg [dreg:$0x15]  }
0x144: {  	p0 =	sne.s32 s9, s12  }
.Ltmp2:
0x145: {  	_ = 	snop;
	(pc) =	sbr.rel @p0 .LBB2_1-.Ltmp2, $3  }
0x146: {  	_ =	sdelay $0x1  }
0x147: {  	[sflag:s13] =	ssyncset.done $0x0  }
0x148: {  	s10 =	smov.u32 s7;
	[sflag:s13] =	ssyncadd.s32 $0xFFFFD800  }
0x149: {  	_ =	sfence.sel $0x180000  }
0x14a: {  	[bflag:$0x0] =	sbarrier.arrive $0xFFFF  }
0x14b: {  	_ =	strace $0x9000004A  }
0x14c: {  	s0 =	stileid.u32;
	[bflag:$0x2] =	sbarrier.arrive $0xFFFF  }
0x14d: {  	p0 =	sne.s32 s0, $0x0;
	s0 =	rddreg [dreg:$0x3]  }
0x14e: {  	s0 =	sadd.s32 @!p0 $0x100000, s0  }
0x14f: {  	[sflag:s0] =	ssyncadd.tile.s32 @!p0 $0x1;
	_ =	shalt  }
.Lfunc_end2:
_tile_overlayer_lowered:
.L_overlay_start_2:
0x150: {  	(tag) =	ssettag $0x2  }
0x151: {  	s0 =	rddreg [dreg:$0x0];
	s2 =	stileid.u32  }
0x152: {  	s1 =	rddreg [dreg:$0x1];
	p0 =	sne.s32 s2, $0x0  }
0x153: {  	s3 =	rddreg [dreg:$0x2];
	[bflag:$0x3] =	sbarrier.arrive $0xFFFF;
	s2 =	simm.s32 @!p0 $0x1C03  }
0x154: {  	[timem:s3], [sflag:s2] =	dma.local @!p0 [hbm:s0], s1  }
0x155: {  	s0 =	simm.s32 @!p0 $0x3  }
0x156: {  	_ =	swait.ge @!p0 [sflag:s0], s1  }
0x157: {  	s1 =	ssub.s32 @!p0 $0x0, s1;
	[sflag:s0] =	ssyncset.done @!p0 $0x0  }
0x158: {  	[sflag:s0] =	ssyncadd.s32 @!p0 s1  }
0x159: {  	[bflag:$0x3] =	sbarrier.arrive $0xFFFF  }
0x15a: {  	_ =	shalt  }

// kernel: kernel.8.cloned.1.call-start
scs
__scs_entry_jumppad:
0x0: {  	(pc) =	sbr.rel $0x88, $3  }
0x1: {  	(tag) =	ssettag $0x0;
	lr =	simm.s32 $0x1  }
0x2: {  	[smem:$0x3F9B] =	sst lr;
	_ =	strace $0xD0000000  }
0x3: {  	_ = 	snop  }
0x4: {  	_ = 	snop  }
0x5: {  	_ = 	snop  }
0x6: {  	_ = 	snop  }
0x7: {  	_ = 	snop  }
__scs_overlays_trampoline_lowered:
0x8: {  	[smem:$0x3FAA] =	sst s0  }
0x9: {  	[smem:$0x3FAB] =	sst s1  }
0xa: {  	[smem:$0x3FAC] =	sst s2  }
0xb: {  	[smem:$0x3FAD] =	sst s3  }
0xc: {  	[smem:$0x3FAE] =	sst s4  }
0xd: {  	[smem:$0x3FAF] =	sst s5  }
0xe: {  	[smem:$0x3FB0] =	sst s6  }
0xf: {  	[smem:$0x3FB1] =	sst s7  }
0x10: {  	[smem:$0x3FB2] =	sst s8  }
0x11: {  	[smem:$0x3FB3] =	sst s9;
	s0 =	simm.s32 @!p0 $0x0  }
0x12: {  	s1 =	sld [smem:$0x3F99];
	s0 =	simm.s32 @p0 $0x1  }
0x13: {  	[smem:$0x3FB4] =	sst s0;
	s0 =	simm.s32 @!p1 $0x0  }
0x14: {  	s2 =	sld [smem:$0x3F98];
	s0 =	simm.s32 @p1 $0x1  }
0x15: {  	[smem:$0x3FB5] =	sst s0;
	s0 =	simm.s32 @!p2 $0x0  }
0x16: {  	s3 =	sld [smem:$0x3FDB];
	s0 =	simm.s32 @p2 $0x1  }
0x17: {  	s4 =	simm.s32 $0x1BF5;
	[smem:$0x3FB7] =	sst s0  }
0x18: {  	s0 =	sld [smem:$0x3F9A];
	_ =	swait.ge [sflag:s4], $0x0  }
0x19: {  	s7 =	sld [smem:$0x3F9B]  }
0x1a: {  	s8 =	sadd.s32 $0xFFFFE003, lr  }
0x1b: {  	s9 =	sadd.s32 $0xFFFFFEF7, lr;
	s5 =	simm.s32 $0xFFFFFFFF;
	p2 =	slt.u32 s8, $0xFFFFF086  }
0x1c: {  	p1 =	slt.u32 s9, $0xF7A;
	s5 =	simm.s32 @!p2 $0x0  }
0x1d: {  	s5 =	simm.s32 @p1 $0x1;
	p0 =	seq.s32 s7, s2  }
0x1e: {  	s7 =	smul.u32 @!p0 $0xF7A, s2;
	p2 =	seq.s32 @!p0 s5, $0x0  }
0x1f: {  	s9 =	smul.u32 $0xF7A, s1;
	s8 =	simm.s32 @!p0 $0x1BF5;
	p2 =	por !p2, p0  }
0x20: {  	[sflag:s8] =	ssyncset.s32 @!p0 $0xFFFFF086;
	s6 =	sadd.s32 @!p0 s3, s7;
	s7 =	simm.s32 @!p0 $0x108  }
0x21: {  	s3 =	sadd.s32 s3, s9;
	s6 =	sadd.s32 @!p0 $0x88, s6;
	s7 =	simm.s32 @p2 $0x1082  }
0x22: {  	[simem:s7], [sflag:s8] =	dma.local @!p0 [hbm:s6], $0xF7A  }
0x23: {  	s9 =	sor.u32 $0xD0000000, s2;
	s6 =	simm.s32 $0x108;
	_ =	swait.ge @!p0 [sflag:s8], $0x0  }
0x24: {  	s3 =	sadd.s32 $0x88, s3;
	s6 =	simm.s32 @!p1 $0x1082;
	[sflag:s4] =	ssyncset.s32 $0xFFFFF086  }
0x25: {  	[simem:s6], [sflag:s4] =	dma.local [hbm:s3], $0xF7A  }
0x26: {  	[smem:$0x3F9B] =	sst s1;
	(tag) =	ssettag s2;
	_ =	strace s9  }
0x27: {  	s1 =	sld [smem:$0x3FAB]  }
0x28: {  	s2 =	sld [smem:$0x3FAC]  }
0x29: {  	s4 =	sld [smem:$0x3FAE]  }
0x2a: {  	p0 =	seq.s32 s5, $0x0;
	s5 =	sld [smem:$0x3FAF]  }
0x2b: {  	s6 =	sld [smem:$0x3FB0]  }
0x2c: {  	s7 =	sld [smem:$0x3FB1]  }
0x2d: {  	s3 =	simm.s32 $0x108;
	s8 =	sld [smem:$0x3FB2]  }
0x2e: {  	s3 =	simm.s32 @!p0 $0x1082;
	s9 =	sld [smem:$0x3FB3]  }
0x2f: {  	lr =	sadd.s32 s0, s3;
	s0 =	sld [smem:$0x3FAA]  }
0x30: {  	s3 =	sld [smem:$0x3FAD]  }
0x31: {  	[smem:$0x3FB6] =	sst s10  }
0x32: {  	s10 =	sld [smem:$0x3FB4];
	_ =	sdelay $0x3  }
0x33: {  	p0 =	seq.s32 s10, $0x1;
	s10 =	sld [smem:$0x3FB6];
	_ =	sdelay $0x3  }
0x34: {  	[smem:$0x3FB6] =	sst s10  }
0x35: {  	s10 =	sld [smem:$0x3FB5];
	_ =	sdelay $0x3  }
0x36: {  	p1 =	seq.s32 s10, $0x1;
	s10 =	sld [smem:$0x3FB6];
	_ =	sdelay $0x3  }
0x37: {  	[smem:$0x3FB6] =	sst s10  }
0x38: {  	s10 =	sld [smem:$0x3FB7]  }
0x39: {  	_ = 	snop;
	(pc) =	sbr.ind lr, $3  }
0x3a: {  	_ = 	snop  }
0x3b: {  	_ = 	snop  }
0x3c: {  	p2 =	seq.s32 s10, $0x1;
	s10 =	sld [smem:$0x3FB6]  }
0x3d: {  	_ =	shalt  }
0x3e: {  	_ =	shalt  }
0x3f: {  	_ =	shalt  }
0x40: {  	_ =	shalt  }
0x41: {  	_ =	shalt  }
0x42: {  	_ =	shalt  }
0x43: {  	_ =	shalt  }
0x44: {  	_ =	shalt  }
0x45: {  	_ =	shalt  }
0x46: {  	_ =	shalt  }
0x47: {  	_ =	shalt  }
0x48: {  	_ =	shalt  }
0x49: {  	_ =	shalt  }
0x4a: {  	_ =	shalt  }
0x4b: {  	_ =	shalt  }
0x4c: {  	_ =	shalt  }
0x4d: {  	_ =	shalt  }
0x4e: {  	_ =	shalt  }
0x4f: {  	_ =	shalt  }
0x50: {  	_ =	shalt  }
0x51: {  	_ =	shalt  }
0x52: {  	_ =	shalt  }
0x53: {  	_ =	shalt  }
0x54: {  	_ =	shalt  }
0x55: {  	_ =	shalt  }
0x56: {  	_ =	shalt  }
0x57: {  	_ =	shalt  }
0x58: {  	_ =	shalt  }
0x59: {  	_ =	shalt  }
0x5a: {  	_ =	shalt  }
0x5b: {  	_ =	shalt  }
0x5c: {  	_ =	shalt  }
0x5d: {  	_ =	shalt  }
0x5e: {  	_ =	shalt  }
0x5f: {  	_ =	shalt  }
0x60: {  	_ =	shalt  }
0x61: {  	_ =	shalt  }
0x62: {  	_ =	shalt  }
0x63: {  	_ =	shalt  }
0x64: {  	_ =	shalt  }
0x65: {  	_ =	shalt  }
0x66: {  	_ =	shalt  }
0x67: {  	_ =	shalt  }
0x68: {  	_ =	shalt  }
0x69: {  	_ =	shalt  }
0x6a: {  	_ =	shalt  }
0x6b: {  	_ =	shalt  }
0x6c: {  	_ =	shalt  }
0x6d: {  	_ =	shalt  }
0x6e: {  	_ =	shalt  }
0x6f: {  	_ =	shalt  }
0x70: {  	_ =	shalt  }
0x71: {  	_ =	shalt  }
0x72: {  	_ =	shalt  }
0x73: {  	_ =	shalt  }
0x74: {  	_ =	shalt  }
0x75: {  	_ =	shalt  }
0x76: {  	_ =	shalt  }
0x77: {  	_ =	shalt  }
0x78: {  	_ =	shalt  }
0x79: {  	_ =	shalt  }
0x7a: {  	_ =	shalt  }
0x7b: {  	_ =	shalt  }
0x7c: {  	_ =	shalt  }
0x7d: {  	_ =	shalt  }
0x7e: {  	_ =	shalt  }
0x7f: {  	_ =	shalt  }
0x80: {  	_ =	shalt  }
0x81: {  	_ =	shalt  }
0x82: {  	_ =	shalt  }
0x83: {  	_ =	shalt  }
0x84: {  	_ =	shalt  }
0x85: {  	_ =	shalt  }
0x86: {  	_ =	shalt  }
0x87: {  	_ =	shalt  }
.Lfunc_end0:
.L_simem_size_0:
called_computation_lowered:
.L_overlay_start_0:
0x88: {  	s2 =	sld [smem:$0x3FD9]  }
0x89: {  	s3 =	sld [smem:$0x3FFE];
	_ =	sdelay $0x1  }
0x8a: {  	s1 =	srdreg.scid  }
0x8b: {  	s0 =	sand.u32 $0x1, s1  }
0x8c: {  	s14 =	sshll.u32 s0, $0xA;
	s2 =	sadd.s32 s3, s2  }
0x8d: {  	s2 =	sadd.s32 s2, s14  }
0x8e: {  	[smem:$0x3FC2] =	sst s2  }
0x8f: {  	_ = 	snop  }
0x90: {  	s2 =	sld [smem:$0x3FD0];
	_ =	sdelay $0x2  }
0x91: {  	s15 =	simm.s32 $0xA;
	s4 =	simm.s32 $0x10  }
0x92: {  	[smem:s4], [sflag:s15] =	dma.local [hbm:s2], $0x1  }
0x93: {  	_ =	swait.eq [sflag:s15], $0x1  }
0x94: {  	[sflag:s15] =	ssyncset.done $0x0  }
0x95: {  	[sflag:s15] =	ssyncadd.s32 $0xFFFFFFFF  }
0x96: {  	s16 =	sld [smem:$0x11];
	(tm) =	ssettm $0x1  }
0x97: {  	s17 =	sld [smem:$0x3FFB];
	_ =	sdelay $0x3  }
0x98: {  	_ =	strace s17  }
0x99: {  	s3 =	sld [smem:$0x3FFC];
	_ =	sdelay $0x3  }
0x9a: {  	_ =	strace s3  }
0x9b: {  	s3 =	sld [smem:$0x3FFD];
	_ =	sdelay $0x3  }
0x9c: {  	_ =	strace s3  }
0x9d: {  	_ =	strace $0x8FFFFFFF  }
0x9e: {  	s18 =	sld [smem:$0x3FDB];
	_ =	sdelay $0x1  }
0x9f: {  	s19 =	simm.s32 $_scs_section_size  }
0xa0: {  	s5 =	simm.s32 $_size__tile_overlayer_lowered;
	s6 =	simm.s32 $_tile_overlayer_lowered  }
0xa1: {  	s22 =	simm.s32 $0x1BFF;
	s21 =	sshll.u32 s6, $0x1;
	s3 =	sadd.s32 s19, s18  }
0xa2: {  	s7 =	simm.s32 $0x0;
	s20 =	sshll.u32 s5, $0x1;
	s5 =	sadd.s32 s21, s3  }
0xa3: {  	[timem:s7], [sflag:s22] =	dma.local [hbm:s5], s20  }
0xa4: {  	_ =	swait.ge [sflag:s22], s20  }
0xa5: {  	s4 =	ssub.s32 $0x0, s20;
	[sflag:s22] =	ssyncset.done $0x0  }
0xa6: {  	[sflag:s22] =	ssyncadd.s32 s4;
	_ =	sdelay $0x1  }
0xa7: {  	s23 =	simm.s32 $0x1B8B  }
0xa8: {  	_ =	swait.ge [sflag:s23], $0x1  }
0xa9: {  	[sflag:s23] =	ssyncset.done $0x0  }
0xaa: {  	s25 =	simm.s32 $0x1B8E;
	s24 =	sld [smem:$0x3FFE];
	[sflag:s23] =	ssyncadd.s32 $0xFFFFFFFF  }
0xab: {  	s26 =	simm.s32 $execute0_lowered;
	[smem:$0x3FD2] =	sst s25  }
0xac: {  	s5 =	sshll.u32 s26, $0x1;
	_ =	strace $0x80000046;
	[dreg:$0x1] =	wrdreg $0xFFFFFFFF  }
0xad: {  	s28 =	simm.s32 $_size_execute0_lowered;
	s3 =	sadd.s32 s3, s5;
	[dreg:$0x0] =	wrdreg $0x0  }
0xae: {  	s5 =	sshll.u32 s28, $0x1;
	[dreg:$0x2] =	wrdreg s3  }
0xaf: {  	[dreg:$0x3] =	wrdreg s5  }
0xb0: {  	[dreg:$0x4] =	wrdreg $0xC0  }
0xb1: {  	_ =	task [dreg:s7], $0x5FFFF  }
0xb2: {  	[dreg:$0x1] =	wrdreg $0xFFFFFFFF  }
0xb3: {  	[dreg:$0x0] =	wrdreg $0x60  }
0xb4: {  	[dreg:$0x2] =	wrdreg s16  }
0xb5: {  	[dreg:$0x3] =	wrdreg s24  }
0xb6: {  	[dreg:$0x4] =	wrdreg $0x90000  }
0xb7: {  	[dreg:$0x5] =	wrdreg $0x9  }
0xb8: {  	_ =	task.clear_ibuf [dreg:s7], $0x6FFFF;
	_ =	strace $0x90000046  }
0xb9: {  	s29 =	simm.s32 $0x9;
	_ =	strace $0x80000048  }
0xba: {  	_ =	swait.ge [sflag:s29], $0x1  }
0xbb: {  	[sflag:s29] =	ssyncadd.s32 $0xFFFFFFFF  }
0xbc: {  	_ =	strace $0x90000048  }
0xbd: {  	_ =	sfence  }
0xbe: {  	s30 =	sld [smem:$0x0];
	_ =	sdelay $0x2  }
0xbf: {  	s31 =	sshll.u32 s1, $0xD;
	s1 =	sshrl.u32 s1, $0x2  }
0xc0: {  	s3 =	sand.u32 $0x4000, s31;
	s1 =	sadd.s32 s1, s30  }
0xc1: {  	s0 =	sor.u32 s3, s0;
	s1 =	sshll.u32 s1, $0x11  }
0xc2: {  	s0 =	sor.u32 s1, s0  }
0xc3: {  	s0 =	sadd.s32 $0x8F2B, s0  }
0xc4: {  	[sflag:s0] =	ssyncadd.remote.s32 $0x1  }
0xc5: {  	_ =	sfence.sel $0xFFFF  }
0xc6: {  	[dreg:$0x0] =	wrdreg $0xFFFFFFFF;
	(pc) =	sbr.abs _section_cstart, $3  }
0xc7: {  	[dreg:$0x1] =	wrdreg $0xFFFFFFFF  }
0xc8: {  	_ =	task.clear_ibuf [dreg:s7], $0x2FFFF;
	_ =	strace $0x9FFFFFFF  }
0xc9: {  	(tm) =	ssettm $0x7FFFFFFF  }
tec
execute0_lowered:
.L_overlay_start_1:
0x0: {  	(tag) =	ssettag $0x1  }
0x1: {  	s0 =	rddreg [dreg:$0x0]  }
0x2: {  	s1 =	srdreg.scid;
	s5 =	rddreg [dreg:$0x1]  }
0x3: {  	s13 =	stileid.u32;
	s2 =	rddreg [dreg:$0x2]  }
0x4: {  	s3 =	simm.s32 $0x0;
	s26 =	simm.s32 $0x100;
	s14 =	simm.s32 $0x900  }
0x5: {  	s16 =	simm.s32 $0x200;
	s18 =	simm.s32 $0x980;
	s6 =	smul.u32 $0xA0, s13  }
0x6: {  	s19 =	simm.s32 $0x280;
	s20 =	simm.s32 $0xA00;
	s21 =	smul.u32 $0x14000, s13  }
0x7: {  	[smem:$0x7FF] =	sst s3;
	s11 =	smul.u32 $0x50000, s13;
	s25 =	sshll.u32 s13, $0x6  }
0x8: {  	s13 =	simm.s32 $0x180;
	_ =	strace $0x80000047;
	[dreg:$0x4] =	wrdreg s26  }
0x9: {  	s28 =	simm.s32 $0xD80;
	s29 =	simm.s32 $0x680;
	[dreg:$0x6] =	wrdreg s13  }
0xa: {  	s30 =	simm.s32 $0xE00;
	s1 =	sand.u32 $0x1, s1;
	[dreg:$0x7] =	wrdreg s14  }
0xb: {  	s31 =	simm.s32 $0x700;
	s4 =	ssub.s32 $0x0, s1;
	[dreg:$0x8] =	wrdreg s16  }
0xc: {  	s8 =	smul.u32 $0x140000, s1;
	s22 =	ssub.s32 $0x2, s1;
	[dreg:$0x9] =	wrdreg s18  }
0xd: {  	p0 =	seq.s32 s1, $0x0;
	[dreg:$0xa] =	wrdreg s19;
	s13 =	simm.s32 $0x3  }
0xe: {  	[dreg:$0xb] =	wrdreg s20;
	s14 =	simm.s32 $0x800;
	s16 =	simm.s32 $0x1000  }
0xf: {  	s18 =	simm.s32 $0x1;
	s26 =	simm.s32 $0xB80;
	s19 =	simm.s32 $0x2  }
0x10: {  	s20 =	simm.s32 $0x480;
	s1 =	simm.s32 $0xE80;
	s4 =	sand.u32 $0x70, s4  }
0x11: {  	s10 =	sshrl.u32 s21, $0x3;
	s12 =	sshrl.u32 s22, $0x1;
	s24 =	sshrl.u32 s11, $0x2  }
0x12: {  	s11 =	simm.s32 $0x7;
	[dreg:$0x11] =	wrdreg s26;
	s26 =	simm.s32 $0x600  }
0x13: {  	s4 =	sadd.s32 s6, s4;
	s6 =	sadd.s32 s21, s8;
	s10 =	sadd.s32 s10, s5  }
0x14: {  	s23 =	ssub.s32 s22, s12;
	s8 =	sadd.s32 s24, s2;
	s12 =	simm.s32 $0x880  }
0x15: {  	s11 =	simm.s32 @!p0 $0x3;
	s21 =	simm.s32 $0x300;
	s22 =	simm.s32 $0xA80  }
0x16: {  	s24 =	simm.s32 $0xB00;
	s7 =	sshll.u32 s4, $0x4;
	[dreg:$0x13] =	wrdreg s11  }
0x17: {  	s4 =	sadd.s32 $0xC400, s5;
	s6 =	sshrl.u32 s6, $0x3;
	[dreg:$0x5] =	wrdreg s12  }
0x18: {  	s10 =	sadd.s32 $0x34400, s10;
	s15 =	smax.u32 s23, $0x1;
	[dreg:$0xc] =	wrdreg s21  }
0x19: {  	s11 =	sshrl.u32 s8, $0x3;
	[dreg:$0xd] =	wrdreg s22;
	s23 =	simm.s32 $0x380  }
0x1a: {  	[dreg:$0xf] =	wrdreg s24;
	s21 =	simm.s32 $0xC00;
	s22 =	simm.s32 $0x500  }
0x1b: {  	s24 =	simm.s32 $0x580;
	s8 =	simm.s32 $0xF80;
	[dreg:$0x12] =	wrdreg s10  }
0x1c: {  	s9 =	sadd.s32 s7, s5;
	s5 =	sadd.s32 s6, s5;
	[dreg:$0x15] =	wrdreg s15  }
0x1d: {  	s10 =	sor.u32 $0x1C03, s25;
	s0 =	sadd.s32 s7, s0;
	[dreg:$0xe] =	wrdreg s23  }
0x1e: {  	s15 =	simm.s32 $0x80;
	s25 =	simm.s32 $0x400;
	[dreg:$0x18] =	wrdreg s11  }
0x1f: {  	s23 =	simm.s32 $0xC80;
	s5 =	sadd.s32 $0x5C400, s5;
	[dreg:$0x17] =	wrdreg s0  }
0x20: {  	s17 =	sadd.s32 $0x2400, s9;
	[dreg:$0x10] =	wrdreg s25;
	s25 =	simm.s32 $0xD00  }
0x21: {  	s0 =	simm.s32 $0x780;
	s9 =	simm.s32 $0x0;
	[dreg:$0x14] =	wrdreg s5  }
0x22: {  	[dreg:$0x16] =	wrdreg s17;
	s17 =	simm.s32 $0x5000;
	s5 =	simm.s32 $0xF00  }
.LBB2_1:
0x23: {  	s6 =	rddreg [dreg:$0x12]  }
0x24: {  	[spmem:s11], [sflag:s10] =	dma.local [hbm:s6], $0x2800  }
0x25: {  	_ =	swait.ge [sflag:s13], $0x2800  }
0x26: {  	[sflag:s13] =	ssyncset.done $0x0  }
0x27: {  	[sflag:s13] =	ssyncadd.s32 $0xFFFFD800  }
0x28: {  	[bflag:$0x0] =	sbarrier.arrive $0xFFFF  }
0x29: {  	s11 =	rddreg [dreg:$0x17]  }
0x2a: {  	[tilespmem:s3], [sflag:$0x3] =	stream.linear.gather [hbm4b:s11+s3], $0x800, $0x38;
	[tilespmem:$0x1D000] =	vst v63  }
0x2b: {  	_ =	swait.ge [sflag:s13], $0x800  }
0x2c: {  	[sflag:s13] =	ssyncset.done $0x0  }
0x2d: {  	s7 =	smov.u32 s10;
	s10 =	rddreg [dreg:$0x16];
	[sflag:s13] =	ssyncadd.s32 $0xFFFFF800  }
0x2e: {  	[tilespmem:s14], [sflag:$0x3] =	stream.linear.gather [hbm4b:s10+s3], $0x800, $0x38;
	[tilespmem:$0x1D000] =	vst v63  }
0x2f: {  	_ =	swait.ge [sflag:s13], $0x800  }
0x30: {  	[sflag:s13] =	ssyncset.done $0x0  }
0x31: {  	[sflag:s13] =	ssyncadd.s32 $0xFFFFF800  }
0x32: {  	[tilespmem:s16], [sflag:$0x1] =	stream.indirect.gather [hbm4b:s4+s15], $0x80, s3, s15, $0xb8;
	[tilespmem:$0x1D000] =	vst v63  }
0x33: {  	_ = 	snop  }
0x34: {  	[tilespmem:s17], [sflag:$0x2] =	stream.indirect.gather [hbm4b:s4+s15], $0x80, s15, s15, $0xb8;
	[tilespmem:$0x1D000] =	vst v63  }
0x35: {  	_ =	swait.ge [sflag:s18], $0x4000  }
0x36: {  	[sflag:s18] =	ssyncset.done $0x0  }
0x37: {  	[sflag:s18] =	ssyncadd.s32 $0xFFFFC000  }
0x38: {  	[spmem:s2] =	stream.indirect.scatter.add.f32 [tilespmem:s16], [sflag:$0x3], $0x80, s14, s15, $0xb8;
	[tilespmem:$0x1D000] =	vst v63  }
0x39: {  	_ =	swait.ge [sflag:s13], $0x4000  }
0x3a: {  	[sflag:s13] =	ssyncset.done $0x0  }
0x3b: {  	s12 =	rddreg [dreg:$0x4];
	[sflag:s13] =	ssyncadd.s32 $0xFFFFC000  }
0x3c: {  	[tilespmem:s16], [sflag:$0x1] =	stream.indirect.gather [hbm4b:s4+s15], $0x80, s12, s15, $0xb8;
	[tilespmem:$0x1D000] =	vst v63  }
0x3d: {  	_ =	swait.ge [sflag:s19], $0x4000  }
0x3e: {  	[sflag:s19] =	ssyncset.done $0x0  }
0x3f: {  	s12 =	rddreg [dreg:$0x5];
	[sflag:s19] =	ssyncadd.s32 $0xFFFFC000  }
0x40: {  	[spmem:s2] =	stream.indirect.scatter.add.f32 [tilespmem:s17], [sflag:$0x3], $0x80, s12, s15, $0xb8;
	[tilespmem:$0x1D000] =	vst v63  }
0x41: {  	_ =	swait.ge [sflag:s13], $0x4000  }
0x42: {  	[sflag:s13] =	ssyncset.done $0x0  }
0x43: {  	s12 =	rddreg [dreg:$0x6];
	[sflag:s13] =	ssyncadd.s32 $0xFFFFC000  }
0x44: {  	[tilespmem:s17], [sflag:$0x2] =	stream.indirect.gather [hbm4b:s4+s15], $0x80, s12, s15, $0xb8;
	[tilespmem:$0x1D000] =	vst v63  }
0x45: {  	_ =	swait.ge [sflag:s18], $0x4000  }
0x46: {  	[sflag:s18] =	ssyncset.done $0x0  }
0x47: {  	s12 =	rddreg [dreg:$0x7];
	[sflag:s18] =	ssyncadd.s32 $0xFFFFC000  }
0x48: {  	[spmem:s2] =	stream.indirect.scatter.add.f32 [tilespmem:s16], [sflag:$0x3], $0x80, s12, s15, $0xb8;
	[tilespmem:$0x1D000] =	vst v63  }
0x49: {  	_ =	swait.ge [sflag:s13], $0x4000  }
0x4a: {  	[sflag:s13] =	ssyncset.done $0x0  }
0x4b: {  	s12 =	rddreg [dreg:$0x8];
	[sflag:s13] =	ssyncadd.s32 $0xFFFFC000  }
0x4c: {  	[tilespmem:s16], [sflag:$0x1] =	stream.indirect.gather [hbm4b:s4+s15], $0x80, s12, s15, $0xb8;
	[tilespmem:$0x1D000] =	vst v63  }
0x4d: {  	_ =	swait.ge [sflag:s19], $0x4000  }
0x4e: {  	[sflag:s19] =	ssyncset.done $0x0  }
0x4f: {  	s12 =	rddreg [dreg:$0x9];
	[sflag:s19] =	ssyncadd.s32 $0xFFFFC000  }
0x50: {  	[spmem:s2] =	stream.indirect.scatter.add.f32 [tilespmem:s17], [sflag:$0x3], $0x80, s12, s15, $0xb8;
	[tilespmem:$0x1D000] =	vst v63  }
0x51: {  	_ =	swait.ge [sflag:s13], $0x4000  }
0x52: {  	[sflag:s13] =	ssyncset.done $0x0  }
0x53: {  	s12 =	rddreg [dreg:$0xa];
	[sflag:s13] =	ssyncadd.s32 $0xFFFFC000  }
0x54: {  	[tilespmem:s17], [sflag:$0x2] =	stream.indirect.gather [hbm4b:s4+s15], $0x80, s12, s15, $0xb8;
	[tilespmem:$0x1D000] =	vst v63  }
0x55: {  	_ =	swait.ge [sflag:s18], $0x4000  }
0x56: {  	[sflag:s18] =	ssyncset.done $0x0  }
0x57: {  	s12 =	rddreg [dreg:$0xb];
	[sflag:s18] =	ssyncadd.s32 $0xFFFFC000  }
0x58: {  	[spmem:s2] =	stream.indirect.scatter.add.f32 [tilespmem:s16], [sflag:$0x3], $0x80, s12, s15, $0xb8;
	[tilespmem:$0x1D000] =	vst v63  }
0x59: {  	_ =	swait.ge [sflag:s13], $0x4000  }
0x5a: {  	[sflag:s13] =	ssyncset.done $0x0  }
0x5b: {  	s12 =	rddreg [dreg:$0xc];
	[sflag:s13] =	ssyncadd.s32 $0xFFFFC000  }
0x5c: {  	[tilespmem:s16], [sflag:$0x1] =	stream.indirect.gather [hbm4b:s4+s15], $0x80, s12, s15, $0xb8;
	[tilespmem:$0x1D000] =	vst v63  }
0x5d: {  	_ =	swait.ge [sflag:s19], $0x4000  }
0x5e: {  	[sflag:s19] =	ssyncset.done $0x0  }
0x5f: {  	s12 =	rddreg [dreg:$0xd];
	[sflag:s19] =	ssyncadd.s32 $0xFFFFC000  }
0x60: {  	[spmem:s2] =	stream.indirect.scatter.add.f32 [tilespmem:s17], [sflag:$0x3], $0x80, s12, s15, $0xb8;
	[tilespmem:$0x1D000] =	vst v63  }
0x61: {  	_ =	swait.ge [sflag:s13], $0x4000  }
0x62: {  	[sflag:s13] =	ssyncset.done $0x0  }
0x63: {  	s12 =	rddreg [dreg:$0xe];
	[sflag:s13] =	ssyncadd.s32 $0xFFFFC000  }
0x64: {  	[tilespmem:s17], [sflag:$0x2] =	stream.indirect.gather [hbm4b:s4+s15], $0x80, s12, s15, $0xb8;
	[tilespmem:$0x1D000] =	vst v63  }
0x65: {  	_ =	swait.ge [sflag:s18], $0x4000  }
0x66: {  	[sflag:s18] =	ssyncset.done $0x0  }
0x67: {  	s12 =	rddreg [dreg:$0xf];
	[sflag:s18] =	ssyncadd.s32 $0xFFFFC000  }
0x68: {  	[spmem:s2] =	stream.indirect.scatter.add.f32 [tilespmem:s16], [sflag:$0x3], $0x80, s12, s15, $0xb8;
	[tilespmem:$0x1D000] =	vst v63  }
0x69: {  	_ =	swait.ge [sflag:s13], $0x4000  }
0x6a: {  	[sflag:s13] =	ssyncset.done $0x0  }
0x6b: {  	s12 =	rddreg [dreg:$0x10];
	[sflag:s13] =	ssyncadd.s32 $0xFFFFC000  }
0x6c: {  	[tilespmem:s16], [sflag:$0x1] =	stream.indirect.gather [hbm4b:s4+s15], $0x80, s12, s15, $0xb8;
	[tilespmem:$0x1D000] =	vst v63  }
0x6d: {  	_ =	swait.ge [sflag:s19], $0x4000  }
0x6e: {  	[sflag:s19] =	ssyncset.done $0x0  }
0x6f: {  	s12 =	rddreg [dreg:$0x11];
	[sflag:s19] =	ssyncadd.s32 $0xFFFFC000  }
0x70: {  	[spmem:s2] =	stream.indirect.scatter.add.f32 [tilespmem:s17], [sflag:$0x3], $0x80, s12, s15, $0xb8;
	[tilespmem:$0x1D000] =	vst v63  }
0x71: {  	_ =	swait.ge [sflag:s13], $0x4000  }
0x72: {  	[sflag:s13] =	ssyncset.done $0x0  }
0x73: {  	[sflag:s13] =	ssyncadd.s32 $0xFFFFC000  }
0x74: {  	[tilespmem:s17], [sflag:$0x2] =	stream.indirect.gather [hbm4b:s4+s15], $0x80, s20, s15, $0xb8;
	[tilespmem:$0x1D000] =	vst v63  }
0x75: {  	_ =	swait.ge [sflag:s18], $0x4000  }
0x76: {  	[sflag:s18] =	ssyncset.done $0x0  }
0x77: {  	[sflag:s18] =	ssyncadd.s32 $0xFFFFC000  }
0x78: {  	[spmem:s2] =	stream.indirect.scatter.add.f32 [tilespmem:s16], [sflag:$0x3], $0x80, s21, s15, $0xb8;
	[tilespmem:$0x1D000] =	vst v63  }
0x79: {  	_ =	swait.ge [sflag:s13], $0x4000  }
0x7a: {  	[sflag:s13] =	ssyncset.done $0x0  }
0x7b: {  	[sflag:s13] =	ssyncadd.s32 $0xFFFFC000  }
0x7c: {  	[tilespmem:s16], [sflag:$0x1] =	stream.indirect.gather [hbm4b:s4+s15], $0x80, s22, s15, $0xb8;
	[tilespmem:$0x1D000] =	vst v63  }
0x7d: {  	_ =	swait.ge [sflag:s19], $0x4000  }
0x7e: {  	[sflag:s19] =	ssyncset.done $0x0  }
0x7f: {  	[sflag:s19] =	ssyncadd.s32 $0xFFFFC000  }
0x80: {  	[spmem:s2] =	stream.indirect.scatter.add.f32 [tilespmem:s17], [sflag:$0x3], $0x80, s23, s15, $0xb8;
	[tilespmem:$0x1D000] =	vst v63  }
0x81: {  	_ =	swait.ge [sflag:s13], $0x4000  }
0x82: {  	[sflag:s13] =	ssyncset.done $0x0  }
0x83: {  	[sflag:s13] =	ssyncadd.s32 $0xFFFFC000  }
0x84: {  	[tilespmem:s17], [sflag:$0x2] =	stream.indirect.gather [hbm4b:s4+s15], $0x80, s24, s15, $0xb8;
	[tilespmem:$0x1D000] =	vst v63  }
0x85: {  	_ =	swait.ge [sflag:s18], $0x4000  }
0x86: {  	[sflag:s18] =	ssyncset.done $0x0  }
0x87: {  	[sflag:s18] =	ssyncadd.s32 $0xFFFFC000  }
0x88: {  	[spmem:s2] =	stream.indirect.scatter.add.f32 [tilespmem:s16], [sflag:$0x3], $0x80, s25, s15, $0xb8;
	[tilespmem:$0x1D000] =	vst v63  }
0x89: {  	_ =	swait.ge [sflag:s13], $0x4000  }
0x8a: {  	[sflag:s13] =	ssyncset.done $0x0  }
0x8b: {  	[sflag:s13] =	ssyncadd.s32 $0xFFFFC000  }
0x8c: {  	[tilespmem:s16], [sflag:$0x1] =	stream.indirect.gather [hbm4b:s4+s15], $0x80, s26, s15, $0xb8;
	[tilespmem:$0x1D000] =	vst v63  }
0x8d: {  	_ =	swait.ge [sflag:s19], $0x4000  }
0x8e: {  	[sflag:s19] =	ssyncset.done $0x0  }
0x8f: {  	[sflag:s19] =	ssyncadd.s32 $0xFFFFC000  }
0x90: {  	[spmem:s2] =	stream.indirect.scatter.add.f32 [tilespmem:s17], [sflag:$0x3], $0x80, s28, s15, $0xb8;
	[tilespmem:$0x1D000] =	vst v63  }
0x91: {  	_ =	swait.ge [sflag:s13], $0x4000  }
0x92: {  	[sflag:s13] =	ssyncset.done $0x0  }
0x93: {  	[sflag:s13] =	ssyncadd.s32 $0xFFFFC000  }
0x94: {  	[tilespmem:s17], [sflag:$0x2] =	stream.indirect.gather [hbm4b:s4+s15], $0x80, s29, s15, $0xb8;
	[tilespmem:$0x1D000] =	vst v63  }
0x95: {  	_ =	swait.ge [sflag:s18], $0x4000  }
0x96: {  	[sflag:s18] =	ssyncset.done $0x0  }
0x97: {  	[sflag:s18] =	ssyncadd.s32 $0xFFFFC000  }
0x98: {  	[spmem:s2] =	stream.indirect.scatter.add.f32 [tilespmem:s16], [sflag:$0x3], $0x80, s30, s15, $0xb8;
	[tilespmem:$0x1D000] =	vst v63  }
0x99: {  	_ =	swait.ge [sflag:s13], $0x4000  }
0x9a: {  	[sflag:s13] =	ssyncset.done $0x0  }
0x9b: {  	[sflag:s13] =	ssyncadd.s32 $0xFFFFC000  }
0x9c: {  	[tilespmem:s16], [sflag:$0x1] =	stream.indirect.gather [hbm4b:s4+s15], $0x80, s31, s15, $0xb8;
	[tilespmem:$0x1D000] =	vst v63  }
0x9d: {  	_ =	swait.ge [sflag:s19], $0x4000  }
0x9e: {  	[sflag:s19] =	ssyncset.done $0x0  }
0x9f: {  	[sflag:s19] =	ssyncadd.s32 $0xFFFFC000  }
0xa0: {  	[spmem:s2] =	stream.indirect.scatter.add.f32 [tilespmem:s17], [sflag:$0x3], $0x80, s1, s15, $0xb8;
	[tilespmem:$0x1D000] =	vst v63  }
0xa1: {  	_ =	swait.ge [sflag:s13], $0x4000  }
0xa2: {  	[sflag:s13] =	ssyncset.done $0x0  }
0xa3: {  	[sflag:s13] =	ssyncadd.s32 $0xFFFFC000  }
0xa4: {  	[tilespmem:s17], [sflag:$0x2] =	stream.indirect.gather [hbm4b:s4+s15], $0x80, s0, s15, $0xb8;
	[tilespmem:$0x1D000] =	vst v63  }
0xa5: {  	_ =	swait.ge [sflag:s18], $0x4000  }
0xa6: {  	[sflag:s18] =	ssyncset.done $0x0  }
0xa7: {  	[sflag:s18] =	ssyncadd.s32 $0xFFFFC000  }
0xa8: {  	[spmem:s2] =	stream.indirect.scatter.add.f32 [tilespmem:s16], [sflag:$0x3], $0x80, s5, s15, $0xb8;
	[tilespmem:$0x1D000] =	vst v63  }
0xa9: {  	_ =	swait.ge [sflag:s13], $0x4000  }
0xaa: {  	[sflag:s13] =	ssyncset.done $0x0  }
0xab: {  	[sflag:s13] =	ssyncadd.s32 $0xFFFFC000  }
0xac: {  	_ =	swait.ge [sflag:s19], $0x4000  }
0xad: {  	s12 =	rddreg [dreg:$0x13]  }
0xae: {  	p0 =	sne.s32 s12, $0x1  }
.Ltmp0:
0xaf: {  	[sflag:s19] =	ssyncset.done $0x0;
	(pc) =	sbr.rel @!p0 .LBB2_3-.Ltmp0, $4  }
0xb0: {  	[sflag:s19] =	ssyncadd.s32 $0xFFFFC000  }
0xb1: {  	[spmem:s2] =	stream.indirect.scatter.add.f32 [tilespmem:s17], [sflag:$0x3], $0x80, s8, s15, $0xb8;
	[tilespmem:$0x1D000] =	vst v63  }
0xb2: {  	_ =	swait.ge [sflag:s13], $0x4000  }
0xb3: {  	s6 =	sadd.s32 $0xFFFFFFFF, s12;
	[sflag:s13] =	ssyncset.done $0x0  }
.LBB2_2:
0xb4: {  	[sflag:s13] =	ssyncadd.s32 $0xFFFFC000;
	s11 =	sadd.s32 $0x100, s11  }
0xb5: {  	[tilespmem:s3], [sflag:$0x3] =	stream.linear.gather [hbm4b:s11+s3], $0x800, $0x38;
	[tilespmem:$0x1D000] =	vst v63  }
0xb6: {  	_ =	swait.ge [sflag:s13], $0x800  }
0xb7: {  	[sflag:s13] =	ssyncset.done $0x0  }
0xb8: {  	s10 =	sadd.s32 $0x100, s10;
	[sflag:s13] =	ssyncadd.s32 $0xFFFFF800  }
0xb9: {  	[tilespmem:s14], [sflag:$0x3] =	stream.linear.gather [hbm4b:s10+s3], $0x800, $0x38;
	[tilespmem:$0x1D000] =	vst v63  }
0xba: {  	_ =	swait.ge [sflag:s13], $0x800  }
0xbb: {  	[sflag:s13] =	ssyncset.done $0x0  }
0xbc: {  	[sflag:s13] =	ssyncadd.s32 $0xFFFFF800  }
0xbd: {  	[tilespmem:s16], [sflag:$0x1] =	stream.indirect.gather [hbm4b:s4+s15], $0x80, s3, s15, $0xb8;
	[tilespmem:$0x1D000] =	vst v63  }
0xbe: {  	_ = 	snop  }
0xbf: {  	[tilespmem:s17], [sflag:$0x2] =	stream.indirect.gather [hbm4b:s4+s15], $0x80, s15, s15, $0xb8;
	[tilespmem:$0x1D000] =	vst v63  }
0xc0: {  	_ =	swait.ge [sflag:s18], $0x4000  }
0xc1: {  	[sflag:s18] =	ssyncset.done $0x0  }
0xc2: {  	[sflag:s18] =	ssyncadd.s32 $0xFFFFC000  }
0xc3: {  	[spmem:s2] =	stream.indirect.scatter.add.f32 [tilespmem:s16], [sflag:$0x3], $0x80, s14, s15, $0xb8;
	[tilespmem:$0x1D000] =	vst v63  }
0xc4: {  	_ =	swait.ge [sflag:s13], $0x4000  }
0xc5: {  	[sflag:s13] =	ssyncset.done $0x0  }
0xc6: {  	s12 =	rddreg [dreg:$0x4];
	[sflag:s13] =	ssyncadd.s32 $0xFFFFC000  }
0xc7: {  	[tilespmem:s16], [sflag:$0x1] =	stream.indirect.gather [hbm4b:s4+s15], $0x80, s12, s15, $0xb8;
	[tilespmem:$0x1D000] =	vst v63  }
0xc8: {  	_ =	swait.ge [sflag:s19], $0x4000  }
0xc9: {  	[sflag:s19] =	ssyncset.done $0x0  }
0xca: {  	s12 =	rddreg [dreg:$0x5];
	[sflag:s19] =	ssyncadd.s32 $0xFFFFC000  }
0xcb: {  	[spmem:s2] =	stream.indirect.scatter.add.f32 [tilespmem:s17], [sflag:$0x3], $0x80, s12, s15, $0xb8;
	[tilespmem:$0x1D000] =	vst v63  }
0xcc: {  	_ =	swait.ge [sflag:s13], $0x4000  }
0xcd: {  	[sflag:s13] =	ssyncset.done $0x0  }
0xce: {  	s12 =	rddreg [dreg:$0x6];
	[sflag:s13] =	ssyncadd.s32 $0xFFFFC000  }
0xcf: {  	[tilespmem:s17], [sflag:$0x2] =	stream.indirect.gather [hbm4b:s4+s15], $0x80, s12, s15, $0xb8;
	[tilespmem:$0x1D000] =	vst v63  }
0xd0: {  	_ =	swait.ge [sflag:s18], $0x4000  }
0xd1: {  	[sflag:s18] =	ssyncset.done $0x0  }
0xd2: {  	s12 =	rddreg [dreg:$0x7];
	[sflag:s18] =	ssyncadd.s32 $0xFFFFC000  }
0xd3: {  	[spmem:s2] =	stream.indirect.scatter.add.f32 [tilespmem:s16], [sflag:$0x3], $0x80, s12, s15, $0xb8;
	[tilespmem:$0x1D000] =	vst v63  }
0xd4: {  	_ =	swait.ge [sflag:s13], $0x4000  }
0xd5: {  	[sflag:s13] =	ssyncset.done $0x0  }
0xd6: {  	s12 =	rddreg [dreg:$0x8];
	[sflag:s13] =	ssyncadd.s32 $0xFFFFC000  }
0xd7: {  	[tilespmem:s16], [sflag:$0x1] =	stream.indirect.gather [hbm4b:s4+s15], $0x80, s12, s15, $0xb8;
	[tilespmem:$0x1D000] =	vst v63  }
0xd8: {  	_ =	swait.ge [sflag:s19], $0x4000  }
0xd9: {  	[sflag:s19] =	ssyncset.done $0x0  }
0xda: {  	s12 =	rddreg [dreg:$0x9];
	[sflag:s19] =	ssyncadd.s32 $0xFFFFC000  }
0xdb: {  	[spmem:s2] =	stream.indirect.scatter.add.f32 [tilespmem:s17], [sflag:$0x3], $0x80, s12, s15, $0xb8;
	[tilespmem:$0x1D000] =	vst v63  }
0xdc: {  	_ =	swait.ge [sflag:s13], $0x4000  }
0xdd: {  	[sflag:s13] =	ssyncset.done $0x0  }
0xde: {  	s12 =	rddreg [dreg:$0xa];
	[sflag:s13] =	ssyncadd.s32 $0xFFFFC000  }
0xdf: {  	[tilespmem:s17], [sflag:$0x2] =	stream.indirect.gather [hbm4b:s4+s15], $0x80, s12, s15, $0xb8;
	[tilespmem:$0x1D000] =	vst v63  }
0xe0: {  	_ =	swait.ge [sflag:s18], $0x4000  }
0xe1: {  	[sflag:s18] =	ssyncset.done $0x0  }
0xe2: {  	s12 =	rddreg [dreg:$0xb];
	[sflag:s18] =	ssyncadd.s32 $0xFFFFC000  }
0xe3: {  	[spmem:s2] =	stream.indirect.scatter.add.f32 [tilespmem:s16], [sflag:$0x3], $0x80, s12, s15, $0xb8;
	[tilespmem:$0x1D000] =	vst v63  }
0xe4: {  	_ =	swait.ge [sflag:s13], $0x4000  }
0xe5: {  	[sflag:s13] =	ssyncset.done $0x0  }
0xe6: {  	s12 =	rddreg [dreg:$0xc];
	[sflag:s13] =	ssyncadd.s32 $0xFFFFC000  }
0xe7: {  	[tilespmem:s16], [sflag:$0x1] =	stream.indirect.gather [hbm4b:s4+s15], $0x80, s12, s15, $0xb8;
	[tilespmem:$0x1D000] =	vst v63  }
0xe8: {  	_ =	swait.ge [sflag:s19], $0x4000  }
0xe9: {  	[sflag:s19] =	ssyncset.done $0x0  }
0xea: {  	s12 =	rddreg [dreg:$0xd];
	[sflag:s19] =	ssyncadd.s32 $0xFFFFC000  }
0xeb: {  	[spmem:s2] =	stream.indirect.scatter.add.f32 [tilespmem:s17], [sflag:$0x3], $0x80, s12, s15, $0xb8;
	[tilespmem:$0x1D000] =	vst v63  }
0xec: {  	_ =	swait.ge [sflag:s13], $0x4000  }
0xed: {  	[sflag:s13] =	ssyncset.done $0x0  }
0xee: {  	s12 =	rddreg [dreg:$0xe];
	[sflag:s13] =	ssyncadd.s32 $0xFFFFC000  }
0xef: {  	[tilespmem:s17], [sflag:$0x2] =	stream.indirect.gather [hbm4b:s4+s15], $0x80, s12, s15, $0xb8;
	[tilespmem:$0x1D000] =	vst v63  }
0xf0: {  	_ =	swait.ge [sflag:s18], $0x4000  }
0xf1: {  	[sflag:s18] =	ssyncset.done $0x0  }
0xf2: {  	s12 =	rddreg [dreg:$0xf];
	[sflag:s18] =	ssyncadd.s32 $0xFFFFC000  }
0xf3: {  	[spmem:s2] =	stream.indirect.scatter.add.f32 [tilespmem:s16], [sflag:$0x3], $0x80, s12, s15, $0xb8;
	[tilespmem:$0x1D000] =	vst v63  }
0xf4: {  	_ =	swait.ge [sflag:s13], $0x4000  }
0xf5: {  	[sflag:s13] =	ssyncset.done $0x0  }
0xf6: {  	s12 =	rddreg [dreg:$0x10];
	[sflag:s13] =	ssyncadd.s32 $0xFFFFC000  }
0xf7: {  	[tilespmem:s16], [sflag:$0x1] =	stream.indirect.gather [hbm4b:s4+s15], $0x80, s12, s15, $0xb8;
	[tilespmem:$0x1D000] =	vst v63  }
0xf8: {  	_ =	swait.ge [sflag:s19], $0x4000  }
0xf9: {  	[sflag:s19] =	ssyncset.done $0x0  }
0xfa: {  	s12 =	rddreg [dreg:$0x11];
	[sflag:s19] =	ssyncadd.s32 $0xFFFFC000  }
0xfb: {  	[spmem:s2] =	stream.indirect.scatter.add.f32 [tilespmem:s17], [sflag:$0x3], $0x80, s12, s15, $0xb8;
	[tilespmem:$0x1D000] =	vst v63  }
0xfc: {  	_ =	swait.ge [sflag:s13], $0x4000  }
0xfd: {  	[sflag:s13] =	ssyncset.done $0x0  }
0xfe: {  	[sflag:s13] =	ssyncadd.s32 $0xFFFFC000  }
0xff: {  	[tilespmem:s17], [sflag:$0x2] =	stream.indirect.gather [hbm4b:s4+s15], $0x80, s20, s15, $0xb8;
	[tilespmem:$0x1D000] =	vst v63  }
0x100: {  	_ =	swait.ge [sflag:s18], $0x4000  }
0x101: {  	[sflag:s18] =	ssyncset.done $0x0  }
0x102: {  	[sflag:s18] =	ssyncadd.s32 $0xFFFFC000  }
0x103: {  	[spmem:s2] =	stream.indirect.scatter.add.f32 [tilespmem:s16], [sflag:$0x3], $0x80, s21, s15, $0xb8;
	[tilespmem:$0x1D000] =	vst v63  }
0x104: {  	_ =	swait.ge [sflag:s13], $0x4000  }
0x105: {  	[sflag:s13] =	ssyncset.done $0x0  }
0x106: {  	[sflag:s13] =	ssyncadd.s32 $0xFFFFC000  }
0x107: {  	[tilespmem:s16], [sflag:$0x1] =	stream.indirect.gather [hbm4b:s4+s15], $0x80, s22, s15, $0xb8;
	[tilespmem:$0x1D000] =	vst v63  }
0x108: {  	_ =	swait.ge [sflag:s19], $0x4000  }
0x109: {  	[sflag:s19] =	ssyncset.done $0x0  }
0x10a: {  	[sflag:s19] =	ssyncadd.s32 $0xFFFFC000  }
0x10b: {  	[spmem:s2] =	stream.indirect.scatter.add.f32 [tilespmem:s17], [sflag:$0x3], $0x80, s23, s15, $0xb8;
	[tilespmem:$0x1D000] =	vst v63  }
0x10c: {  	_ =	swait.ge [sflag:s13], $0x4000  }
0x10d: {  	[sflag:s13] =	ssyncset.done $0x0  }
0x10e: {  	[sflag:s13] =	ssyncadd.s32 $0xFFFFC000  }
0x10f: {  	[tilespmem:s17], [sflag:$0x2] =	stream.indirect.gather [hbm4b:s4+s15], $0x80, s24, s15, $0xb8;
	[tilespmem:$0x1D000] =	vst v63  }
0x110: {  	_ =	swait.ge [sflag:s18], $0x4000  }
0x111: {  	[sflag:s18] =	ssyncset.done $0x0  }
0x112: {  	[sflag:s18] =	ssyncadd.s32 $0xFFFFC000  }
0x113: {  	[spmem:s2] =	stream.indirect.scatter.add.f32 [tilespmem:s16], [sflag:$0x3], $0x80, s25, s15, $0xb8;
	[tilespmem:$0x1D000] =	vst v63  }
0x114: {  	_ =	swait.ge [sflag:s13], $0x4000  }
0x115: {  	[sflag:s13] =	ssyncset.done $0x0  }
0x116: {  	[sflag:s13] =	ssyncadd.s32 $0xFFFFC000  }
0x117: {  	[tilespmem:s16], [sflag:$0x1] =	stream.indirect.gather [hbm4b:s4+s15], $0x80, s26, s15, $0xb8;
	[tilespmem:$0x1D000] =	vst v63  }
0x118: {  	_ =	swait.ge [sflag:s19], $0x4000  }
0x119: {  	[sflag:s19] =	ssyncset.done $0x0  }
0x11a: {  	[sflag:s19] =	ssyncadd.s32 $0xFFFFC000  }
0x11b: {  	[spmem:s2] =	stream.indirect.scatter.add.f32 [tilespmem:s17], [sflag:$0x3], $0x80, s28, s15, $0xb8;
	[tilespmem:$0x1D000] =	vst v63  }
0x11c: {  	_ =	swait.ge [sflag:s13], $0x4000  }
0x11d: {  	[sflag:s13] =	ssyncset.done $0x0  }
0x11e: {  	[sflag:s13] =	ssyncadd.s32 $0xFFFFC000  }
0x11f: {  	[tilespmem:s17], [sflag:$0x2] =	stream.indirect.gather [hbm4b:s4+s15], $0x80, s29, s15, $0xb8;
	[tilespmem:$0x1D000] =	vst v63  }
0x120: {  	_ =	swait.ge [sflag:s18], $0x4000  }
0x121: {  	[sflag:s18] =	ssyncset.done $0x0  }
0x122: {  	[sflag:s18] =	ssyncadd.s32 $0xFFFFC000  }
0x123: {  	[spmem:s2] =	stream.indirect.scatter.add.f32 [tilespmem:s16], [sflag:$0x3], $0x80, s30, s15, $0xb8;
	[tilespmem:$0x1D000] =	vst v63  }
0x124: {  	_ =	swait.ge [sflag:s13], $0x4000  }
0x125: {  	[sflag:s13] =	ssyncset.done $0x0  }
0x126: {  	[sflag:s13] =	ssyncadd.s32 $0xFFFFC000  }
0x127: {  	[tilespmem:s16], [sflag:$0x1] =	stream.indirect.gather [hbm4b:s4+s15], $0x80, s31, s15, $0xb8;
	[tilespmem:$0x1D000] =	vst v63  }
0x128: {  	_ =	swait.ge [sflag:s19], $0x4000  }
0x129: {  	[sflag:s19] =	ssyncset.done $0x0  }
0x12a: {  	[sflag:s19] =	ssyncadd.s32 $0xFFFFC000  }
0x12b: {  	[spmem:s2] =	stream.indirect.scatter.add.f32 [tilespmem:s17], [sflag:$0x3], $0x80, s1, s15, $0xb8;
	[tilespmem:$0x1D000] =	vst v63  }
0x12c: {  	_ =	swait.ge [sflag:s13], $0x4000  }
0x12d: {  	[sflag:s13] =	ssyncset.done $0x0  }
0x12e: {  	[sflag:s13] =	ssyncadd.s32 $0xFFFFC000  }
0x12f: {  	[tilespmem:s17], [sflag:$0x2] =	stream.indirect.gather [hbm4b:s4+s15], $0x80, s0, s15, $0xb8;
	[tilespmem:$0x1D000] =	vst v63  }
0x130: {  	_ =	swait.ge [sflag:s18], $0x4000  }
0x131: {  	[sflag:s18] =	ssyncset.done $0x0  }
0x132: {  	[sflag:s18] =	ssyncadd.s32 $0xFFFFC000  }
0x133: {  	[spmem:s2] =	stream.indirect.scatter.add.f32 [tilespmem:s16], [sflag:$0x3], $0x80, s5, s15, $0xb8;
	[tilespmem:$0x1D000] =	vst v63  }
0x134: {  	_ =	swait.ge [sflag:s13], $0x4000  }
0x135: {  	[sflag:s13] =	ssyncset.done $0x0  }
0x136: {  	[sflag:s13] =	ssyncadd.s32 $0xFFFFC000  }
0x137: {  	p0 =	sne.s32 s6, $0x1;
	_ =	swait.ge [sflag:s19], $0x4000  }
.Ltmp1:
0x138: {  	[sflag:s19] =	ssyncset.done $0x0;
	(pc) =	sbr.rel @p0 .LBB2_2-.Ltmp1, $4  }
0x139: {  	[sflag:s19] =	ssyncadd.s32 $0xFFFFC000  }
0x13a: {  	[spmem:s2] =	stream.indirect.scatter.add.f32 [tilespmem:s17], [sflag:$0x3], $0x80, s8, s15, $0xb8;
	[tilespmem:$0x1D000] =	vst v63  }
0x13b: {  	_ =	swait.ge [sflag:s13], $0x4000  }
0x13c: {  	s6 =	sadd.s32 $0xFFFFFFFF, s6;
	[sflag:s13] =	ssyncset.done $0x0  }
.LBB2_3:
0x13d: {  	[sflag:s13] =	ssyncadd.s32 $0xFFFFC000  }
0x13e: {  	[bflag:$0x0] =	sbarrier.arrive $0xFFFF  }
0x13f: {  	s6 =	rddreg [dreg:$0x14]  }
0x140: {  	s11 =	rddreg [dreg:$0x18]  }
0x141: {  	[hbm:s6], [sflag:s7] =	dma.local [spmem:s11], $0x2800  }
0x142: {  	_ =	swait.ge [sflag:s13], $0x2800  }
0x143: {  	s9 =	sadd.s32 $0x1, s9;
	s12 =	rddreg [dreg:$0x15]  }
0x144: {  	p0 =	sne.s32 s9, s12  }
.Ltmp2:
0x145: {  	_ = 	snop;
	(pc) =	sbr.rel @p0 .LBB2_1-.Ltmp2, $3  }
0x146: {  	_ =	sdelay $0x1  }
0x147: {  	[sflag:s13] =	ssyncset.done $0x0  }
0x148: {  	s10 =	smov.u32 s7;
	[sflag:s13] =	ssyncadd.s32 $0xFFFFD800  }
0x149: {  	_ =	sfence.sel $0x180000  }
0x14a: {  	[bflag:$0x0] =	sbarrier.arrive $0xFFFF  }
0x14b: {  	_ =	strace $0x90000047  }
0x14c: {  	s0 =	stileid.u32;
	[bflag:$0x2] =	sbarrier.arrive $0xFFFF  }
0x14d: {  	p0 =	sne.s32 s0, $0x0;
	s0 =	rddreg [dreg:$0x3]  }
0x14e: {  	s0 =	sadd.s32 @!p0 $0x100000, s0  }
0x14f: {  	[sflag:s0] =	ssyncadd.tile.s32 @!p0 $0x1;
	_ =	shalt  }
.Lfunc_end2:
_tile_overlayer_lowered:
.L_overlay_start_2:
0x150: {  	(tag) =	ssettag $0x2  }
0x151: {  	s0 =	rddreg [dreg:$0x0];
	s2 =	stileid.u32  }
0x152: {  	s1 =	rddreg [dreg:$0x1];
	p0 =	sne.s32 s2, $0x0  }
0x153: {  	s3 =	rddreg [dreg:$0x2];
	[bflag:$0x3] =	sbarrier.arrive $0xFFFF;
	s2 =	simm.s32 @!p0 $0x1C03  }
0x154: {  	[timem:s3], [sflag:s2] =	dma.local @!p0 [hbm:s0], s1  }
0x155: {  	s0 =	simm.s32 @!p0 $0x3  }
0x156: {  	_ =	swait.ge @!p0 [sflag:s0], s1  }
0x157: {  	s1 =	ssub.s32 @!p0 $0x0, s1;
	[sflag:s0] =	ssyncset.done @!p0 $0x0  }
0x158: {  	[sflag:s0] =	ssyncadd.s32 @!p0 s1  }
0x159: {  	[bflag:$0x3] =	sbarrier.arrive $0xFFFF  }
0x15a: {  	_ =	shalt  }

</sc_bundles>
